<compile_context>
chip_gen: v7x
topology: tpu7x:2x2x1
jax: 0.10.2.dev20260603
libtpu: 0.0.44.dev20260713+nightly
codegen_flags: <defaults>
</compile_context>

<pallas_src>
import functools

import jax
import jax.numpy as jnp
from jax import lax
from jax.experimental import pallas as pl
from jax.experimental.pallas import tpu as pltpu
from jax.experimental.pallas import tpu_sc as plsc

N = 10000
E = 320000
S = 128
TW = 256
XP = 16
NRBF = 18
RBP = 32
NC = 2
NS = 16
NW = NC * NS
NSL = 2

BE = 3200
BN = 2000


def _chunk_of(n):
    for g in range(128, 0, -8):
        if n % g == 0 and (n // g) % 2 == 1:
            return g
    raise ValueError(n)



def _make_gather(esl):
    epw = esl // NW
    gc = _chunk_of(epw)
    n = epw // gc
    npair = (n - 1) // 2

    def body(t_hbm, src3_hbm, dst3_hbm, ts_out, td_out,
             srcall, dstall, tsv0, tdv0, tsv1, tdv1, gsem0, gsem1):
        c = lax.axis_index("c")
        s = lax.axis_index("s")
        wid = s * NC + c
        base0 = wid * epw

        pltpu.sync_copy(src3_hbm.at[wid], srcall)
        pltpu.sync_copy(dst3_hbm.at[wid], dstall)

        def fire(j, tsv, tdv, sem):
            pltpu.async_copy(t_hbm.at[srcall.at[j]], tsv, sem)
            return pltpu.async_copy(t_hbm.at[dstall.at[j]], tdv, sem)

        def drain(tsv, sem):
            d = pltpu.make_async_copy(t_hbm.at[srcall.at[0]], tsv, sem)
            d.wait()
            d.wait()

        def writeback(j, tsv, tdv):
            pltpu.sync_copy(tsv, ts_out.at[pl.ds(base0 + j * gc, gc)])
            pltpu.sync_copy(tdv, td_out.at[pl.ds(base0 + j * gc, gc)])

        fire(0, tsv0, tdv0, gsem0)

        def pair(j2, carry):
            ja = 2 * j2
            jb = ja + 1
            jc = ja + 2
            fire(jb, tsv1, tdv1, gsem1)
            drain(tsv0, gsem0)
            writeback(ja, tsv0, tdv0)
            fire(jc, tsv0, tdv0, gsem0)
            drain(tsv1, gsem1)
            writeback(jb, tsv1, tdv1)
            return carry

        lax.fori_loop(0, npair, pair, 0)

        drain(tsv0, gsem0)
        writeback(n - 1, tsv0, tdv0)

    mesh = plsc.VectorSubcoreMesh(core_axis_name="c", subcore_axis_name="s")
    return pl.kernel(
        body,
        out_type=(
            jax.ShapeDtypeStruct((esl, TW), jnp.float32),
            jax.ShapeDtypeStruct((esl, TW), jnp.float32),
        ),
        mesh=mesh,
        scratch_types=[
            pltpu.VMEM((n, gc), jnp.int32),
            pltpu.VMEM((n, gc), jnp.int32),
            pltpu.VMEM((gc, TW), jnp.float32),
            pltpu.VMEM((gc, TW), jnp.float32),
            pltpu.VMEM((gc, TW), jnp.float32),
            pltpu.VMEM((gc, TW), jnp.float32),
            pltpu.SemaphoreType.DMA,
            pltpu.SemaphoreType.DMA,
        ],
    )



def _make_scatter(esl):
    ept = esl // NS
    gc = _chunk_of(ept)
    n = ept // gc
    npair = (n - 1) // 2

    def body(dh_hbm, dxp_hbm, dst3_hbm, zeros_hbm,
             aggh_out, aggx_out,
             dstall, rowv0, rowv1, acc, rsem0, rsem1):
        c = lax.axis_index("c")
        s = lax.axis_index("s")
        base0 = s * ept

        @pl.when(s == 0)
        def _():
            pltpu.sync_copy(zeros_hbm, acc)

        pltpu.sync_copy(dst3_hbm.at[s], dstall)
        plsc.subcore_barrier()

        def run(msg_hbm):
            def load(j, rv, sem):
                return pltpu.async_copy(
                    msg_hbm.at[pl.ds(base0 + j * gc, gc)], rv, sem)

            def drain0():
                pltpu.make_async_copy(
                    msg_hbm.at[pl.ds(base0, gc)], rowv0, rsem0).wait()

            load(0, rowv0, rsem0)

            def pair(j2, carry):
                ja = 2 * j2
                jb = ja + 1
                jc = ja + 2
                cb = load(jb, rowv1, rsem1)
                drain0()
                pltpu.sync_copy(rowv0, acc.at[dstall.at[ja]], add=True)
                load(jc, rowv0, rsem0)
                cb.wait()
                pltpu.sync_copy(rowv1, acc.at[dstall.at[jb]], add=True)
                return carry

            lax.fori_loop(0, npair, pair, 0)
            drain0()
            pltpu.sync_copy(rowv0, acc.at[dstall.at[n - 1]], add=True)

        @pl.when(c == 0)
        def _():
            run(dh_hbm)

        @pl.when(c == 1)
        def _():
            run(dxp_hbm)

        plsc.subcore_barrier()

        @pl.when((c == 0) & (s == 0))
        def _():
            pltpu.sync_copy(acc, aggh_out)

        @pl.when((c == 1) & (s == 0))
        def _():
            pltpu.sync_copy(acc, aggx_out)

    mesh = plsc.VectorSubcoreMesh(core_axis_name="c", subcore_axis_name="s")
    return pl.kernel(
        body,
        out_type=(
            jax.ShapeDtypeStruct((N, S), jnp.float32),
            jax.ShapeDtypeStruct((N, S), jnp.float32),
        ),
        mesh=mesh,
        scratch_types=[
            pltpu.VMEM((n, gc), jnp.int32),
            pltpu.VMEM((gc, S), jnp.float32),
            pltpu.VMEM((gc, S), jnp.float32),
            pltpu.VMEM_SHARED((N, S), jnp.float32),
            pltpu.SemaphoreType.DMA,
            pltpu.SemaphoreType.DMA,
        ],
    )



def _silu(z):
    return z * jax.nn.sigmoid(z)


def _mlp_body(ts, td, es, cent, wiv,
              w1a, w1b, w1c, w1d, b1, w2, b2, w3, b3,
              wg1, bg1, wg2, bg2, wh, bh, wx1, bx1, wx2, bx2,
              dh_out, dx_out):
    hs = ts[:, :S]
    hd = td[:, :S]
    r = ts[:, S:] - td[:, S:]
    d2 = jnp.sum(r * r, axis=1, keepdims=True)
    dist = jnp.sqrt(d2)
    t = (dist - cent[...]) * wiv[0, 0]
    rbf = jnp.exp(-(t * t))

    dot = functools.partial(jnp.dot, preferred_element_type=jnp.float32)
    m = (dot(hs, w1a[...]) + dot(hd, w1b[...])
         + dot(rbf, w1c[...]) + dot(es[...], w1d[...]) + b1[...])
    m = _silu(m)
    m = _silu(dot(m, w2[...]) + b2[...])
    m = _silu(dot(m, w3[...]) + b3[...])
    a = jax.nn.relu(dot(m, wg1[...]) + bg1[...])
    g = jax.nn.sigmoid(jnp.sum(a * wg2[...], axis=1, keepdims=True) + bg2[0, 0])
    m = m * g
    dh_out[...] = _silu(dot(m, wh[...]) + bh[...])
    cx = _silu(dot(m, wx1[...]) + bx1[...])
    coeff = (jnp.sum(cx * wx2[...], axis=1, keepdims=True) + bx2[0, 0]) * 0.08
    dx_out[...] = r * coeff


def _full(shape):
    return pl.BlockSpec(shape, lambda i: (0,) * len(shape))


def _mlp_call(ts, td, es, cent, wiv, wts):
    esl = ts.shape[0]
    in_specs = [
        pl.BlockSpec((BE, TW), lambda i: (i, 0)),
        pl.BlockSpec((BE, TW), lambda i: (i, 0)),
        pl.BlockSpec((BE, 16), lambda i: (i, 0)),
        _full(cent.shape), _full(wiv.shape),
    ] + [_full(w.shape) for w in wts]
    return pl.pallas_call(
        _mlp_body,
        grid=(esl // BE,),
        in_specs=in_specs,
        out_specs=[
            pl.BlockSpec((BE, S), lambda i: (i, 0)),
            pl.BlockSpec((BE, S), lambda i: (i, 0)),
        ],
        out_shape=[
            jax.ShapeDtypeStruct((esl, S), jnp.float32),
            jax.ShapeDtypeStruct((esl, S), jnp.float32),
        ],
    )(ts, td, es, cent, wiv, *wts)



def _fin_body(h, x16, lng, lnb, alpha, *refs):
    n_agg = (len(refs) - 2) // 2
    agghs = refs[:n_agg]
    aggxs = refs[n_agg:2 * n_agg]
    h_out, x_out = refs[2 * n_agg:]
    sa = jax.nn.sigmoid(alpha[0, 0])
    aggh = agghs[0][...]
    aggx = aggxs[0][...]
    for k in range(1, n_agg):
        aggh = aggh + agghs[k][...]
        aggx = aggx + aggxs[k][...]
    pre = h[...] + sa * aggh
    mu = jnp.mean(pre, axis=1, keepdims=True)
    cent = pre - mu
    var = jnp.mean(cent * cent, axis=1, keepdims=True)
    h_out[...] = cent * lax.rsqrt(var + 1e-5) * lng[...] + lnb[...]
    x_out[...] = x16[...] + aggx[:, :XP]


def _fin_call(h, x16, lng, lnb, alpha, agghs, aggxs):
    nsb = pl.BlockSpec((BN, S), lambda i: (i, 0))
    xsb = pl.BlockSpec((BN, XP), lambda i: (i, 0))
    return pl.pallas_call(
        _fin_body,
        grid=(N // BN,),
        in_specs=[
            nsb, xsb,
            _full(lng.shape), _full(lnb.shape), _full(alpha.shape),
        ] + [nsb] * (len(agghs) + len(aggxs)),
        out_specs=[nsb, xsb],
        out_shape=[
            jax.ShapeDtypeStruct((N, S), jnp.float32),
            jax.ShapeDtypeStruct((N, XP), jnp.float32),
        ],
    )(h, x16, lng, lnb, alpha, *agghs, *aggxs)



def kernel(h, x, edge_index, e_s, params, centers, widths):
    src = edge_index[0].astype(jnp.int32)
    dst = edge_index[1].astype(jnp.int32)
    xf = x.astype(jnp.float32)
    x16 = jnp.pad(xf, ((0, 0), (0, XP - 3)))
    T = jnp.concatenate([h, xf, jnp.zeros((N, TW - S - 3), jnp.float32)], axis=1)

    W1 = params['W1']
    w1a = W1[:, :S].T
    w1b = W1[:, S:2 * S].T
    w1c = jnp.pad(W1[:, 2 * S:2 * S + NRBF].T, ((0, RBP - NRBF), (0, 0)))
    w1d = W1[:, 2 * S + NRBF:].T
    b1 = params['b1'][None, :]
    w2 = params['W2'].T
    b2 = params['b2'][None, :]
    w3 = params['W3'].T
    b3 = params['b3'][None, :]
    wg1 = params['Wg1'].T
    bg1 = params['bg1'][None, :]
    wg2 = params['Wg2']
    bg2 = params['bg2'][None, :]
    wh = params['Wh'].T
    bh = params['bh'][None, :]
    wx1 = params['Wx1'].T
    bx1 = params['bx1'][None, :]
    wx2 = params['Wx2']
    bx2 = params['bx2'][None, :]
    cent = jnp.pad(centers[None, :], ((0, 0), (0, RBP - NRBF)))
    wiv = (1.0 / (widths + 1e-8)).reshape(1, 1)
    alpha = params['alpha'].reshape(1, 1)
    lng = params['ln_g'][None, :]
    lnb = params['ln_b'][None, :]

    wts = [w1a, w1b, w1c, w1d, b1, w2, b2, w3, b3,
           wg1, bg1, wg2, bg2, wh, bh, wx1, bx1, wx2, bx2]
    zeros = jnp.zeros((N, S), jnp.float32)

    esl = E // NSL
    epw = esl // NW
    gcg = _chunk_of(epw)
    ept = esl // NS
    gcs_ = _chunk_of(ept)
    gather_fn = _make_gather(esl)
    scatter_fn = _make_scatter(esl)
    agghs, aggxs = [], []
    for k in range(NSL):
        sl = slice(k * esl, (k + 1) * esl)
        src3 = src[sl].reshape(NW, epw // gcg, gcg)
        dst3 = dst[sl].reshape(NW, epw // gcg, gcg)
        dst3s = dst[sl].reshape(NS, ept // gcs_, gcs_)
        ts, td = gather_fn(T, src3, dst3)
        dh, dxp = _mlp_call(ts, td, e_s[sl], cent, wiv, wts)
        aggh_k, aggx_k = scatter_fn(dh, dxp, dst3s, zeros)
        agghs.append(aggh_k)
        aggxs.append(aggx_k)

    h_new, x_new16 = _fin_call(h, x16, lng, lnb, alpha, agghs, aggxs)
    return (h_new, x_new16[:, :3])

# --- scband reference (transcript-rebuilt; emitter-appended) ---
"""Pipeline reference for scband-egnnblock-balanced-52810917872115 (READ-ONLY COPY).

The authoritative reference and input builder live on the scoring server;
editing this copy changes nothing except your own understanding.
"""

import jax, jax.numpy as jnp
import numpy as np

N = 10000
E = 320000
S = 128
ES = 16
NRBF = 18
IN_E = 2 * S + NRBF + ES


def _linear_params(key, fin, fout):
    k1, k2 = jax.random.split(key)
    bound = 1.0 / np.sqrt(fin)
    W = jax.random.uniform(k1, (fout, fin), minval=-bound, maxval=bound, dtype=jnp.float32)
    b = jax.random.uniform(k2, (fout,), minval=-bound, maxval=bound, dtype=jnp.float32)
    return W, b


def setup_inputs(seed: int = 0):
    key = jax.random.key(seed)
    ks = jax.random.split(key, 14)
    h = jax.random.normal(ks[0], (N, S), dtype=jnp.float32)
    x = jax.random.normal(ks[1], (N, 3), dtype=jnp.float32)
    edge_index = jax.random.randint(ks[2], (2, E), 0, N)
    e_s = jax.random.normal(ks[3], (E, ES), dtype=jnp.float32)
    params = {}
    params['W1'], params['b1'] = _linear_params(ks[4], IN_E, 320)
    params['W2'], params['b2'] = _linear_params(ks[5], 320, 160)
    params['W3'], params['b3'] = _linear_params(ks[6], 160, 128)
    params['Wg1'], params['bg1'] = _linear_params(ks[7], 128, 64)
    params['Wg2'], params['bg2'] = _linear_params(ks[8], 64, 1)
    params['Wh'], params['bh'] = _linear_params(ks[9], 128, S)
    params['Wx1'], params['bx1'] = _linear_params(ks[10], 128, 32)
    params['Wx2'], params['bx2'] = _linear_params(ks[11], 32, 1)
    params['ln_g'] = jnp.ones((S,), dtype=jnp.float32)
    params['ln_b'] = jnp.zeros((S,), dtype=jnp.float32)
    params['alpha'] = jnp.asarray(0.8, dtype=jnp.float32)
    centers = jnp.linspace(0.0, 30.0, NRBF, dtype=jnp.float32)
    widths = jnp.asarray(30.0 / NRBF, dtype=jnp.float32)
    return {'h': h, 'x': x, 'edge_index': edge_index, 'e_s': e_s, 'params': params, 'centers': centers, 'widths': widths}


def _lin(z, W, b):
    return z @ W.T + b


def reference(h, x, edge_index, e_s, params, centers, widths):
    x_scale = 0.08
    src = edge_index[0]
    dst = edge_index[1]
    r_ij = x[src] - x[dst]
    d_ij = jnp.sqrt(jnp.sum(r_ij * r_ij, axis=-1))
    t = (d_ij[:, None] - centers) / (widths + 1e-08)
    rbf = jnp.exp(-(t ** 2))
    m_in = jnp.concatenate([h[src], h[dst], rbf, e_s], axis=1)
    m = jax.nn.silu(_lin(m_in, params['W1'], params['b1']))
    m = jax.nn.silu(_lin(m, params['W2'], params['b2']))
    m = jax.nn.silu(_lin(m, params['W3'], params['b3']))
    a = jax.nn.relu(_lin(m, params['Wg1'], params['bg1']))
    a = jax.nn.sigmoid(_lin(a, params['Wg2'], params['bg2']))
    m = m * a
    dh = jax.nn.silu(_lin(m, params['Wh'], params['bh']))
    dh_agg = jax.ops.segment_sum(dh, dst, num_segments=N)
    pre = h + jax.nn.sigmoid(params['alpha']) * dh_agg
    mu = jnp.mean(pre, axis=-1, keepdims=True)
    var = jnp.var(pre, axis=-1, keepdims=True)
    h_new = (pre - mu) / jnp.sqrt(var + 1e-05) * params['ln_g'] + params['ln_b']
    cx = jax.nn.silu(_lin(m, params['Wx1'], params['bx1']))
    coeff = _lin(cx, params['Wx2'], params['bx2']) * x_scale
    dx = r_ij * coeff
    dx_agg = jax.ops.segment_sum(dx, dst, num_segments=N)
    x_new = x + dx_agg
    return (h_new, x_new)

if __name__ == "__main__":
    import jax
    _d = setup_inputs()
    print(jax.jit(kernel)(*tuple(_d.values())))

</pallas_src>

<mosaic_0001>
#map = affine_map<(d0, d1) -> (0, 0)>
#map1 = affine_map<(d0, d1) -> (0, 0, 0)>
module attributes {stable_mosaic.version = 14 : i64} {
  func.func @body(%arg0: i32, %arg1: i32, %arg2: memref<10000x256xf32, #tpu.memory_space<hbm>>, %arg3: memref<32x125x40xi32, #tpu.memory_space<hbm>>, %arg4: memref<32x125x40xi32, #tpu.memory_space<hbm>>, %arg5: memref<160000x256xf32, #tpu.memory_space<hbm>>, %arg6: memref<160000x256xf32, #tpu.memory_space<hbm>>, %arg7: memref<125x40xi32, #tpu.memory_space<vmem>>, %arg8: memref<125x40xi32, #tpu.memory_space<vmem>>, %arg9: memref<40x256xf32, #tpu.memory_space<vmem>>, %arg10: memref<40x256xf32, #tpu.memory_space<vmem>>, %arg11: memref<40x256xf32, #tpu.memory_space<vmem>>, %arg12: memref<40x256xf32, #tpu.memory_space<vmem>>, %arg13: memref<!tpu.dma_semaphore, #tpu.memory_space<semaphore_mem>>, %arg14: memref<!tpu.dma_semaphore, #tpu.memory_space<semaphore_mem>>) attributes {dimension_semantics = [#tpu.dimension_semantics<core_parallel>, #tpu.dimension_semantics<subcore_parallel>], iteration_bounds = array<i64: 2, 16>, scalar_prefetch = 0 : i64, scratch_operands = 8 : i64, tpu.core_type = #tpu.core_type<sc_vector_subcore>, window_params = [{transform_indices = #map}, {transform_indices = #map1}, {transform_indices = #map1}, {transform_indices = #map}, {transform_indices = #map}]} {
    %mul3A = arith.constant 2 : i32
    %mul3A_0 = arith.muli %arg1, %mul3A : i32
    %add3A = arith.addi %mul3A_0, %arg0 : i32
    %mul3A_1 = arith.constant 5000 : i32
    %mul3A_2 = arith.muli %add3A, %mul3A_1 : i32
    "tpu.region"() ({
      %run_scoped3A = tpu.sem_alloc : memref<!tpu.dma_semaphore, #tpu.memory_space<semaphore_mem>>
      %dma_start3A_38 = arith.constant 0 : i32
      %dma_start3A_39 = arith.constant 0 : i32
      %dma_start3A_40 = tpu.memref_slice %arg3[%add3A, %dma_start3A_38, %dma_start3A_39] : memref<32x125x40xi32, #tpu.memory_space<hbm>> -> memref<1x125x40xi32, #tpu.memory_space<hbm>>
      %dma_start3A_41 = tpu.memref_squeeze %dma_start3A_40 : memref<1x125x40xi32, #tpu.memory_space<hbm>> -> memref<125x40xi32, #tpu.memory_space<hbm>>
      %dma_start3A_42 = arith.constant 0 : i32
      %dma_start3A_43 = arith.constant 0 : i32
      %dma_start3A_44 = tpu.memref_slice %arg3[%add3A, %dma_start3A_42, %dma_start3A_43] : memref<32x125x40xi32, #tpu.memory_space<hbm>> -> memref<1x125x40xi32, #tpu.memory_space<hbm>>
      %dma_start3A_45 = tpu.memref_squeeze %dma_start3A_44 : memref<1x125x40xi32, #tpu.memory_space<hbm>> -> memref<125x40xi32, #tpu.memory_space<hbm>>
      tpu.enqueue_dma source(%dma_start3A_45 : memref<125x40xi32, #tpu.memory_space<hbm>>) target(%arg7 : memref<125x40xi32, #tpu.memory_space<vmem>>) target_semaphore(%run_scoped3A : memref<!tpu.dma_semaphore, #tpu.memory_space<semaphore_mem>>)
      %dma_wait3A_46 = arith.constant 0 : i32
      %dma_wait3A_47 = arith.constant 0 : i32
      %dma_wait3A_48 = tpu.memref_slice %arg3[%add3A, %dma_wait3A_46, %dma_wait3A_47] : memref<32x125x40xi32, #tpu.memory_space<hbm>> -> memref<1x125x40xi32, #tpu.memory_space<hbm>>
      %dma_wait3A_49 = tpu.memref_squeeze %dma_wait3A_48 : memref<1x125x40xi32, #tpu.memory_space<hbm>> -> memref<125x40xi32, #tpu.memory_space<hbm>>
      %dma_wait3A_50 = arith.constant 0 : i32
      %dma_wait3A_51 = arith.constant 0 : i32
      %dma_wait3A_52 = tpu.memref_slice %arg3[%add3A, %dma_wait3A_50, %dma_wait3A_51] : memref<32x125x40xi32, #tpu.memory_space<hbm>> -> memref<1x125x40xi32, #tpu.memory_space<hbm>>
      %dma_wait3A_53 = tpu.memref_squeeze %dma_wait3A_52 : memref<1x125x40xi32, #tpu.memory_space<hbm>> -> memref<125x40xi32, #tpu.memory_space<hbm>>
      tpu.wait_dma2 semaphore(%run_scoped3A : memref<!tpu.dma_semaphore, #tpu.memory_space<semaphore_mem>>) src(%dma_wait3A_53 : memref<125x40xi32, #tpu.memory_space<hbm>>) dst(%arg7 : memref<125x40xi32, #tpu.memory_space<vmem>>)
      tpu.yield
    }) : () -> ()
    "tpu.region"() ({
      %run_scoped3A = tpu.sem_alloc : memref<!tpu.dma_semaphore, #tpu.memory_space<semaphore_mem>>
      %dma_start3A_38 = arith.constant 0 : i32
      %dma_start3A_39 = arith.constant 0 : i32
      %dma_start3A_40 = tpu.memref_slice %arg4[%add3A, %dma_start3A_38, %dma_start3A_39] : memref<32x125x40xi32, #tpu.memory_space<hbm>> -> memref<1x125x40xi32, #tpu.memory_space<hbm>>
      %dma_start3A_41 = tpu.memref_squeeze %dma_start3A_40 : memref<1x125x40xi32, #tpu.memory_space<hbm>> -> memref<125x40xi32, #tpu.memory_space<hbm>>
      %dma_start3A_42 = arith.constant 0 : i32
      %dma_start3A_43 = arith.constant 0 : i32
      %dma_start3A_44 = tpu.memref_slice %arg4[%add3A, %dma_start3A_42, %dma_start3A_43] : memref<32x125x40xi32, #tpu.memory_space<hbm>> -> memref<1x125x40xi32, #tpu.memory_space<hbm>>
      %dma_start3A_45 = tpu.memref_squeeze %dma_start3A_44 : memref<1x125x40xi32, #tpu.memory_space<hbm>> -> memref<125x40xi32, #tpu.memory_space<hbm>>
      tpu.enqueue_dma source(%dma_start3A_45 : memref<125x40xi32, #tpu.memory_space<hbm>>) target(%arg8 : memref<125x40xi32, #tpu.memory_space<vmem>>) target_semaphore(%run_scoped3A : memref<!tpu.dma_semaphore, #tpu.memory_space<semaphore_mem>>)
      %dma_wait3A_46 = arith.constant 0 : i32
      %dma_wait3A_47 = arith.constant 0 : i32
      %dma_wait3A_48 = tpu.memref_slice %arg4[%add3A, %dma_wait3A_46, %dma_wait3A_47] : memref<32x125x40xi32, #tpu.memory_space<hbm>> -> memref<1x125x40xi32, #tpu.memory_space<hbm>>
      %dma_wait3A_49 = tpu.memref_squeeze %dma_wait3A_48 : memref<1x125x40xi32, #tpu.memory_space<hbm>> -> memref<125x40xi32, #tpu.memory_space<hbm>>
      %dma_wait3A_50 = arith.constant 0 : i32
      %dma_wait3A_51 = arith.constant 0 : i32
      %dma_wait3A_52 = tpu.memref_slice %arg4[%add3A, %dma_wait3A_50, %dma_wait3A_51] : memref<32x125x40xi32, #tpu.memory_space<hbm>> -> memref<1x125x40xi32, #tpu.memory_space<hbm>>
      %dma_wait3A_53 = tpu.memref_squeeze %dma_wait3A_52 : memref<1x125x40xi32, #tpu.memory_space<hbm>> -> memref<125x40xi32, #tpu.memory_space<hbm>>
      tpu.wait_dma2 semaphore(%run_scoped3A : memref<!tpu.dma_semaphore, #tpu.memory_space<semaphore_mem>>) src(%dma_wait3A_53 : memref<125x40xi32, #tpu.memory_space<hbm>>) dst(%arg8 : memref<125x40xi32, #tpu.memory_space<vmem>>)
      tpu.yield
    }) : () -> ()
    %dma_start3A = arith.constant 0 : i32
    %dma_start3A_3 = arith.constant 0 : i32
    %dma_start3A_4 = tpu.memref_slice %arg7[%dma_start3A, %dma_start3A_3] : memref<125x40xi32, #tpu.memory_space<vmem>> -> memref<1x40xi32, #tpu.memory_space<vmem>>
    %dma_start3A_5 = tpu.memref_squeeze %dma_start3A_4 : memref<1x40xi32, #tpu.memory_space<vmem>> -> memref<40xi32, #tpu.memory_space<vmem>>
    %dma_start3A_6 = arith.constant 0 : i32
    %dma_start3A_7 = arith.constant 0 : i32
    %dma_start3A_8 = tpu.memref_slice %arg2[%dma_start3A_6, %dma_start3A_7] : memref<10000x256xf32, #tpu.memory_space<hbm>> -> memref<10000x256xf32, #tpu.memory_space<hbm>>
    tpu.enqueue_indirect_dma source(%dma_start3A_8 : memref<10000x256xf32, #tpu.memory_space<hbm>>) target(%arg9 : memref<40x256xf32, #tpu.memory_space<vmem>>) offsets(%dma_start3A_5 : memref<40xi32, #tpu.memory_space<vmem>>) semaphore(%arg13 : memref<!tpu.dma_semaphore, #tpu.memory_space<semaphore_mem>>)
    %dma_start3A_9 = arith.constant 0 : i32
    %dma_start3A_10 = arith.constant 0 : i32
    %dma_start3A_11 = tpu.memref_slice %arg8[%dma_start3A_9, %dma_start3A_10] : memref<125x40xi32, #tpu.memory_space<vmem>> -> memref<1x40xi32, #tpu.memory_space<vmem>>
    %dma_start3A_12 = tpu.memref_squeeze %dma_start3A_11 : memref<1x40xi32, #tpu.memory_space<vmem>> -> memref<40xi32, #tpu.memory_space<vmem>>
    %dma_start3A_13 = arith.constant 0 : i32
    %dma_start3A_14 = arith.constant 0 : i32
    %dma_start3A_15 = tpu.memref_slice %arg2[%dma_start3A_13, %dma_start3A_14] : memref<10000x256xf32, #tpu.memory_space<hbm>> -> memref<10000x256xf32, #tpu.memory_space<hbm>>
    tpu.enqueue_indirect_dma source(%dma_start3A_15 : memref<10000x256xf32, #tpu.memory_space<hbm>>) target(%arg10 : memref<40x256xf32, #tpu.memory_space<vmem>>) offsets(%dma_start3A_12 : memref<40xi32, #tpu.memory_space<vmem>>) semaphore(%arg13 : memref<!tpu.dma_semaphore, #tpu.memory_space<semaphore_mem>>)
    %scan3A = arith.constant 0 : i32
    %scan3A_16 = arith.constant 0 : i32
    %scan3A_17 = arith.constant 62 : i32
    %scan3A_18 = arith.addi %scan3A_16, %scan3A_17 : i32
    %scan3A_19 = arith.constant 1 : i32
    scf.for %scan3A_38 = %scan3A_16 to %scan3A_18 step %scan3A_19  : i32 {
      %mul3A_39 = arith.constant 2 : i32
      %mul3A_40 = arith.muli %mul3A_39, %scan3A_38 : i32
      %add3A_41 = arith.constant 1 : i32
      %add3A_42 = arith.addi %mul3A_40, %add3A_41 : i32
      %add3A_43 = arith.constant 2 : i32
      %add3A_44 = arith.addi %mul3A_40, %add3A_43 : i32
      %dma_start3A_45 = arith.constant 0 : i32
      %dma_start3A_46 = tpu.memref_slice %arg7[%add3A_42, %dma_start3A_45] : memref<125x40xi32, #tpu.memory_space<vmem>> -> memref<1x40xi32, #tpu.memory_space<vmem>>
      %dma_start3A_47 = tpu.memref_squeeze %dma_start3A_46 : memref<1x40xi32, #tpu.memory_space<vmem>> -> memref<40xi32, #tpu.memory_space<vmem>>
      %dma_start3A_48 = arith.constant 0 : i32
      %dma_start3A_49 = arith.constant 0 : i32
      %dma_start3A_50 = tpu.memref_slice %arg2[%dma_start3A_48, %dma_start3A_49] : memref<10000x256xf32, #tpu.memory_space<hbm>> -> memref<10000x256xf32, #tpu.memory_space<hbm>>
      tpu.enqueue_indirect_dma source(%dma_start3A_50 : memref<10000x256xf32, #tpu.memory_space<hbm>>) target(%arg11 : memref<40x256xf32, #tpu.memory_space<vmem>>) offsets(%dma_start3A_47 : memref<40xi32, #tpu.memory_space<vmem>>) semaphore(%arg14 : memref<!tpu.dma_semaphore, #tpu.memory_space<semaphore_mem>>)
      %dma_start3A_51 = arith.constant 0 : i32
      %dma_start3A_52 = tpu.memref_slice %arg8[%add3A_42, %dma_start3A_51] : memref<125x40xi32, #tpu.memory_space<vmem>> -> memref<1x40xi32, #tpu.memory_space<vmem>>
      %dma_start3A_53 = tpu.memref_squeeze %dma_start3A_52 : memref<1x40xi32, #tpu.memory_space<vmem>> -> memref<40xi32, #tpu.memory_space<vmem>>
      %dma_start3A_54 = arith.constant 0 : i32
      %dma_start3A_55 = arith.constant 0 : i32
      %dma_start3A_56 = tpu.memref_slice %arg2[%dma_start3A_54, %dma_start3A_55] : memref<10000x256xf32, #tpu.memory_space<hbm>> -> memref<10000x256xf32, #tpu.memory_space<hbm>>
      tpu.enqueue_indirect_dma source(%dma_start3A_56 : memref<10000x256xf32, #tpu.memory_space<hbm>>) target(%arg12 : memref<40x256xf32, #tpu.memory_space<vmem>>) offsets(%dma_start3A_53 : memref<40xi32, #tpu.memory_space<vmem>>) semaphore(%arg14 : memref<!tpu.dma_semaphore, #tpu.memory_space<semaphore_mem>>)
      %dma_wait3A_57 = arith.constant 0 : i32
      %dma_wait3A_58 = arith.constant 0 : i32
      %dma_wait3A_59 = tpu.memref_slice %arg7[%dma_wait3A_57, %dma_wait3A_58] : memref<125x40xi32, #tpu.memory_space<vmem>> -> memref<1x40xi32, #tpu.memory_space<vmem>>
      %dma_wait3A_60 = tpu.memref_squeeze %dma_wait3A_59 : memref<1x40xi32, #tpu.memory_space<vmem>> -> memref<40xi32, #tpu.memory_space<vmem>>
      %dma_wait3A_61 = arith.constant 0 : i32
      %dma_wait3A_62 = arith.constant 0 : i32
      %dma_wait3A_63 = tpu.memref_slice %arg2[%dma_wait3A_61, %dma_wait3A_62] : memref<10000x256xf32, #tpu.memory_space<hbm>> -> memref<10000x256xf32, #tpu.memory_space<hbm>>
      tpu.wait_indirect_dma semaphore(%arg13 : memref<!tpu.dma_semaphore, #tpu.memory_space<semaphore_mem>>) src(%dma_wait3A_63 : memref<10000x256xf32, #tpu.memory_space<hbm>>) dst(%arg9 : memref<40x256xf32, #tpu.memory_space<vmem>>)
      %dma_wait3A_64 = arith.constant 0 : i32
      %dma_wait3A_65 = arith.constant 0 : i32
      %dma_wait3A_66 = tpu.memref_slice %arg7[%dma_wait3A_64, %dma_wait3A_65] : memref<125x40xi32, #tpu.memory_space<vmem>> -> memref<1x40xi32, #tpu.memory_space<vmem>>
      %dma_wait3A_67 = tpu.memref_squeeze %dma_wait3A_66 : memref<1x40xi32, #tpu.memory_space<vmem>> -> memref<40xi32, #tpu.memory_space<vmem>>
      %dma_wait3A_68 = arith.constant 0 : i32
      %dma_wait3A_69 = arith.constant 0 : i32
      %dma_wait3A_70 = tpu.memref_slice %arg2[%dma_wait3A_68, %dma_wait3A_69] : memref<10000x256xf32, #tpu.memory_space<hbm>> -> memref<10000x256xf32, #tpu.memory_space<hbm>>
      tpu.wait_indirect_dma semaphore(%arg13 : memref<!tpu.dma_semaphore, #tpu.memory_space<semaphore_mem>>) src(%dma_wait3A_70 : memref<10000x256xf32, #tpu.memory_space<hbm>>) dst(%arg9 : memref<40x256xf32, #tpu.memory_space<vmem>>)
      %mul3A_71 = arith.constant 40 : i32
      %mul3A_72 = arith.muli %mul3A_40, %mul3A_71 : i32
      %add3A_73 = arith.addi %mul3A_2, %mul3A_72 : i32
      "tpu.region"() ({
        %run_scoped3A = tpu.sem_alloc : memref<!tpu.dma_semaphore, #tpu.memory_space<semaphore_mem>>
        %dma_start3A_109 = arith.constant 0 : i32
        %dma_start3A_110 = tpu.memref_slice %arg5[%add3A_73, %dma_start3A_109] : memref<160000x256xf32, #tpu.memory_space<hbm>> -> memref<40x256xf32, #tpu.memory_space<hbm>>
        %dma_start3A_111 = arith.constant 0 : i32
        %dma_start3A_112 = tpu.memref_slice %arg5[%add3A_73, %dma_start3A_111] : memref<160000x256xf32, #tpu.memory_space<hbm>> -> memref<40x256xf32, #tpu.memory_space<hbm>>
        tpu.enqueue_dma source(%arg9 : memref<40x256xf32, #tpu.memory_space<vmem>>) target(%dma_start3A_112 : memref<40x256xf32, #tpu.memory_space<hbm>>) target_semaphore(%run_scoped3A : memref<!tpu.dma_semaphore, #tpu.memory_space<semaphore_mem>>)
        %dma_wait3A_113 = arith.constant 0 : i32
        %dma_wait3A_114 = tpu.memref_slice %arg5[%add3A_73, %dma_wait3A_113] : memref<160000x256xf32, #tpu.memory_space<hbm>> -> memref<40x256xf32, #tpu.memory_space<hbm>>
        %dma_wait3A_115 = arith.constant 0 : i32
        %dma_wait3A_116 = tpu.memref_slice %arg5[%add3A_73, %dma_wait3A_115] : memref<160000x256xf32, #tpu.memory_space<hbm>> -> memref<40x256xf32, #tpu.memory_space<hbm>>
        tpu.wait_dma2 semaphore(%run_scoped3A : memref<!tpu.dma_semaphore, #tpu.memory_space<semaphore_mem>>) src(%arg9 : memref<40x256xf32, #tpu.memory_space<vmem>>) dst(%dma_wait3A_116 : memref<40x256xf32, #tpu.memory_space<hbm>>)
        tpu.yield
      }) : () -> ()
      %mul3A_74 = arith.constant 40 : i32
      %mul3A_75 = arith.muli %mul3A_40, %mul3A_74 : i32
      %add3A_76 = arith.addi %mul3A_2, %mul3A_75 : i32
      "tpu.region"() ({
        %run_scoped3A = tpu.sem_alloc : memref<!tpu.dma_semaphore, #tpu.memory_space<semaphore_mem>>
        %dma_start3A_109 = arith.constant 0 : i32
        %dma_start3A_110 = tpu.memref_slice %arg6[%add3A_76, %dma_start3A_109] : memref<160000x256xf32, #tpu.memory_space<hbm>> -> memref<40x256xf32, #tpu.memory_space<hbm>>
        %dma_start3A_111 = arith.constant 0 : i32
        %dma_start3A_112 = tpu.memref_slice %arg6[%add3A_76, %dma_start3A_111] : memref<160000x256xf32, #tpu.memory_space<hbm>> -> memref<40x256xf32, #tpu.memory_space<hbm>>
        tpu.enqueue_dma source(%arg10 : memref<40x256xf32, #tpu.memory_space<vmem>>) target(%dma_start3A_112 : memref<40x256xf32, #tpu.memory_space<hbm>>) target_semaphore(%run_scoped3A : memref<!tpu.dma_semaphore, #tpu.memory_space<semaphore_mem>>)
        %dma_wait3A_113 = arith.constant 0 : i32
        %dma_wait3A_114 = tpu.memref_slice %arg6[%add3A_76, %dma_wait3A_113] : memref<160000x256xf32, #tpu.memory_space<hbm>> -> memref<40x256xf32, #tpu.memory_space<hbm>>
        %dma_wait3A_115 = arith.constant 0 : i32
        %dma_wait3A_116 = tpu.memref_slice %arg6[%add3A_76, %dma_wait3A_115] : memref<160000x256xf32, #tpu.memory_space<hbm>> -> memref<40x256xf32, #tpu.memory_space<hbm>>
        tpu.wait_dma2 semaphore(%run_scoped3A : memref<!tpu.dma_semaphore, #tpu.memory_space<semaphore_mem>>) src(%arg10 : memref<40x256xf32, #tpu.memory_space<vmem>>) dst(%dma_wait3A_116 : memref<40x256xf32, #tpu.memory_space<hbm>>)
        tpu.yield
      }) : () -> ()
      %dma_start3A_77 = arith.constant 0 : i32
      %dma_start3A_78 = tpu.memref_slice %arg7[%add3A_44, %dma_start3A_77] : memref<125x40xi32, #tpu.memory_space<vmem>> -> memref<1x40xi32, #tpu.memory_space<vmem>>
      %dma_start3A_79 = tpu.memref_squeeze %dma_start3A_78 : memref<1x40xi32, #tpu.memory_space<vmem>> -> memref<40xi32, #tpu.memory_space<vmem>>
      %dma_start3A_80 = arith.constant 0 : i32
      %dma_start3A_81 = arith.constant 0 : i32
      %dma_start3A_82 = tpu.memref_slice %arg2[%dma_start3A_80, %dma_start3A_81] : memref<10000x256xf32, #tpu.memory_space<hbm>> -> memref<10000x256xf32, #tpu.memory_space<hbm>>
      tpu.enqueue_indirect_dma source(%dma_start3A_82 : memref<10000x256xf32, #tpu.memory_space<hbm>>) target(%arg9 : memref<40x256xf32, #tpu.memory_space<vmem>>) offsets(%dma_start3A_79 : memref<40xi32, #tpu.memory_space<vmem>>) semaphore(%arg13 : memref<!tpu.dma_semaphore, #tpu.memory_space<semaphore_mem>>)
      %dma_start3A_83 = arith.constant 0 : i32
      %dma_start3A_84 = tpu.memref_slice %arg8[%add3A_44, %dma_start3A_83] : memref<125x40xi32, #tpu.memory_space<vmem>> -> memref<1x40xi32, #tpu.memory_space<vmem>>
      %dma_start3A_85 = tpu.memref_squeeze %dma_start3A_84 : memref<1x40xi32, #tpu.memory_space<vmem>> -> memref<40xi32, #tpu.memory_space<vmem>>
      %dma_start3A_86 = arith.constant 0 : i32
      %dma_start3A_87 = arith.constant 0 : i32
      %dma_start3A_88 = tpu.memref_slice %arg2[%dma_start3A_86, %dma_start3A_87] : memref<10000x256xf32, #tpu.memory_space<hbm>> -> memref<10000x256xf32, #tpu.memory_space<hbm>>
      tpu.enqueue_indirect_dma source(%dma_start3A_88 : memref<10000x256xf32, #tpu.memory_space<hbm>>) target(%arg10 : memref<40x256xf32, #tpu.memory_space<vmem>>) offsets(%dma_start3A_85 : memref<40xi32, #tpu.memory_space<vmem>>) semaphore(%arg13 : memref<!tpu.dma_semaphore, #tpu.memory_space<semaphore_mem>>)
      %dma_wait3A_89 = arith.constant 0 : i32
      %dma_wait3A_90 = arith.constant 0 : i32
      %dma_wait3A_91 = tpu.memref_slice %arg7[%dma_wait3A_89, %dma_wait3A_90] : memref<125x40xi32, #tpu.memory_space<vmem>> -> memref<1x40xi32, #tpu.memory_space<vmem>>
      %dma_wait3A_92 = tpu.memref_squeeze %dma_wait3A_91 : memref<1x40xi32, #tpu.memory_space<vmem>> -> memref<40xi32, #tpu.memory_space<vmem>>
      %dma_wait3A_93 = arith.constant 0 : i32
      %dma_wait3A_94 = arith.constant 0 : i32
      %dma_wait3A_95 = tpu.memref_slice %arg2[%dma_wait3A_93, %dma_wait3A_94] : memref<10000x256xf32, #tpu.memory_space<hbm>> -> memref<10000x256xf32, #tpu.memory_space<hbm>>
      tpu.wait_indirect_dma semaphore(%arg14 : memref<!tpu.dma_semaphore, #tpu.memory_space<semaphore_mem>>) src(%dma_wait3A_95 : memref<10000x256xf32, #tpu.memory_space<hbm>>) dst(%arg11 : memref<40x256xf32, #tpu.memory_space<vmem>>)
      %dma_wait3A_96 = arith.constant 0 : i32
      %dma_wait3A_97 = arith.constant 0 : i32
      %dma_wait3A_98 = tpu.memref_slice %arg7[%dma_wait3A_96, %dma_wait3A_97] : memref<125x40xi32, #tpu.memory_space<vmem>> -> memref<1x40xi32, #tpu.memory_space<vmem>>
      %dma_wait3A_99 = tpu.memref_squeeze %dma_wait3A_98 : memref<1x40xi32, #tpu.memory_space<vmem>> -> memref<40xi32, #tpu.memory_space<vmem>>
      %dma_wait3A_100 = arith.constant 0 : i32
      %dma_wait3A_101 = arith.constant 0 : i32
      %dma_wait3A_102 = tpu.memref_slice %arg2[%dma_wait3A_100, %dma_wait3A_101] : memref<10000x256xf32, #tpu.memory_space<hbm>> -> memref<10000x256xf32, #tpu.memory_space<hbm>>
      tpu.wait_indirect_dma semaphore(%arg14 : memref<!tpu.dma_semaphore, #tpu.memory_space<semaphore_mem>>) src(%dma_wait3A_102 : memref<10000x256xf32, #tpu.memory_space<hbm>>) dst(%arg11 : memref<40x256xf32, #tpu.memory_space<vmem>>)
      %mul3A_103 = arith.constant 40 : i32
      %mul3A_104 = arith.muli %add3A_42, %mul3A_103 : i32
      %add3A_105 = arith.addi %mul3A_2, %mul3A_104 : i32
      "tpu.region"() ({
        %run_scoped3A = tpu.sem_alloc : memref<!tpu.dma_semaphore, #tpu.memory_space<semaphore_mem>>
        %dma_start3A_109 = arith.constant 0 : i32
        %dma_start3A_110 = tpu.memref_slice %arg5[%add3A_105, %dma_start3A_109] : memref<160000x256xf32, #tpu.memory_space<hbm>> -> memref<40x256xf32, #tpu.memory_space<hbm>>
        %dma_start3A_111 = arith.constant 0 : i32
        %dma_start3A_112 = tpu.memref_slice %arg5[%add3A_105, %dma_start3A_111] : memref<160000x256xf32, #tpu.memory_space<hbm>> -> memref<40x256xf32, #tpu.memory_space<hbm>>
        tpu.enqueue_dma source(%arg11 : memref<40x256xf32, #tpu.memory_space<vmem>>) target(%dma_start3A_112 : memref<40x256xf32, #tpu.memory_space<hbm>>) target_semaphore(%run_scoped3A : memref<!tpu.dma_semaphore, #tpu.memory_space<semaphore_mem>>)
        %dma_wait3A_113 = arith.constant 0 : i32
        %dma_wait3A_114 = tpu.memref_slice %arg5[%add3A_105, %dma_wait3A_113] : memref<160000x256xf32, #tpu.memory_space<hbm>> -> memref<40x256xf32, #tpu.memory_space<hbm>>
        %dma_wait3A_115 = arith.constant 0 : i32
        %dma_wait3A_116 = tpu.memref_slice %arg5[%add3A_105, %dma_wait3A_115] : memref<160000x256xf32, #tpu.memory_space<hbm>> -> memref<40x256xf32, #tpu.memory_space<hbm>>
        tpu.wait_dma2 semaphore(%run_scoped3A : memref<!tpu.dma_semaphore, #tpu.memory_space<semaphore_mem>>) src(%arg11 : memref<40x256xf32, #tpu.memory_space<vmem>>) dst(%dma_wait3A_116 : memref<40x256xf32, #tpu.memory_space<hbm>>)
        tpu.yield
      }) : () -> ()
      %mul3A_106 = arith.constant 40 : i32
      %mul3A_107 = arith.muli %add3A_42, %mul3A_106 : i32
      %add3A_108 = arith.addi %mul3A_2, %mul3A_107 : i32
      "tpu.region"() ({
        %run_scoped3A = tpu.sem_alloc : memref<!tpu.dma_semaphore, #tpu.memory_space<semaphore_mem>>
        %dma_start3A_109 = arith.constant 0 : i32
        %dma_start3A_110 = tpu.memref_slice %arg6[%add3A_108, %dma_start3A_109] : memref<160000x256xf32, #tpu.memory_space<hbm>> -> memref<40x256xf32, #tpu.memory_space<hbm>>
        %dma_start3A_111 = arith.constant 0 : i32
        %dma_start3A_112 = tpu.memref_slice %arg6[%add3A_108, %dma_start3A_111] : memref<160000x256xf32, #tpu.memory_space<hbm>> -> memref<40x256xf32, #tpu.memory_space<hbm>>
        tpu.enqueue_dma source(%arg12 : memref<40x256xf32, #tpu.memory_space<vmem>>) target(%dma_start3A_112 : memref<40x256xf32, #tpu.memory_space<hbm>>) target_semaphore(%run_scoped3A : memref<!tpu.dma_semaphore, #tpu.memory_space<semaphore_mem>>)
        %dma_wait3A_113 = arith.constant 0 : i32
        %dma_wait3A_114 = tpu.memref_slice %arg6[%add3A_108, %dma_wait3A_113] : memref<160000x256xf32, #tpu.memory_space<hbm>> -> memref<40x256xf32, #tpu.memory_space<hbm>>
        %dma_wait3A_115 = arith.constant 0 : i32
        %dma_wait3A_116 = tpu.memref_slice %arg6[%add3A_108, %dma_wait3A_115] : memref<160000x256xf32, #tpu.memory_space<hbm>> -> memref<40x256xf32, #tpu.memory_space<hbm>>
        tpu.wait_dma2 semaphore(%run_scoped3A : memref<!tpu.dma_semaphore, #tpu.memory_space<semaphore_mem>>) src(%arg12 : memref<40x256xf32, #tpu.memory_space<vmem>>) dst(%dma_wait3A_116 : memref<40x256xf32, #tpu.memory_space<hbm>>)
        tpu.yield
      }) : () -> ()
    }
    %scan3A_20 = arith.constant 62 : i32
    %dma_wait3A = arith.constant 0 : i32
    %dma_wait3A_21 = arith.constant 0 : i32
    %dma_wait3A_22 = tpu.memref_slice %arg7[%dma_wait3A, %dma_wait3A_21] : memref<125x40xi32, #tpu.memory_space<vmem>> -> memref<1x40xi32, #tpu.memory_space<vmem>>
    %dma_wait3A_23 = tpu.memref_squeeze %dma_wait3A_22 : memref<1x40xi32, #tpu.memory_space<vmem>> -> memref<40xi32, #tpu.memory_space<vmem>>
    %dma_wait3A_24 = arith.constant 0 : i32
    %dma_wait3A_25 = arith.constant 0 : i32
    %dma_wait3A_26 = tpu.memref_slice %arg2[%dma_wait3A_24, %dma_wait3A_25] : memref<10000x256xf32, #tpu.memory_space<hbm>> -> memref<10000x256xf32, #tpu.memory_space<hbm>>
    tpu.wait_indirect_dma semaphore(%arg13 : memref<!tpu.dma_semaphore, #tpu.memory_space<semaphore_mem>>) src(%dma_wait3A_26 : memref<10000x256xf32, #tpu.memory_space<hbm>>) dst(%arg9 : memref<40x256xf32, #tpu.memory_space<vmem>>)
    %dma_wait3A_27 = arith.constant 0 : i32
    %dma_wait3A_28 = arith.constant 0 : i32
    %dma_wait3A_29 = tpu.memref_slice %arg7[%dma_wait3A_27, %dma_wait3A_28] : memref<125x40xi32, #tpu.memory_space<vmem>> -> memref<1x40xi32, #tpu.memory_space<vmem>>
    %dma_wait3A_30 = tpu.memref_squeeze %dma_wait3A_29 : memref<1x40xi32, #tpu.memory_space<vmem>> -> memref<40xi32, #tpu.memory_space<vmem>>
    %dma_wait3A_31 = arith.constant 0 : i32
    %dma_wait3A_32 = arith.constant 0 : i32
    %dma_wait3A_33 = tpu.memref_slice %arg2[%dma_wait3A_31, %dma_wait3A_32] : memref<10000x256xf32, #tpu.memory_space<hbm>> -> memref<10000x256xf32, #tpu.memory_space<hbm>>
    tpu.wait_indirect_dma semaphore(%arg13 : memref<!tpu.dma_semaphore, #tpu.memory_space<semaphore_mem>>) src(%dma_wait3A_33 : memref<10000x256xf32, #tpu.memory_space<hbm>>) dst(%arg9 : memref<40x256xf32, #tpu.memory_space<vmem>>)
    %add3A_34 = arith.constant 4960 : i32
    %add3A_35 = arith.addi %mul3A_2, %add3A_34 : i32
    "tpu.region"() ({
      %run_scoped3A = tpu.sem_alloc : memref<!tpu.dma_semaphore, #tpu.memory_space<semaphore_mem>>
      %dma_start3A_38 = arith.constant 0 : i32
      %dma_start3A_39 = tpu.memref_slice %arg5[%add3A_35, %dma_start3A_38] : memref<160000x256xf32, #tpu.memory_space<hbm>> -> memref<40x256xf32, #tpu.memory_space<hbm>>
      %dma_start3A_40 = arith.constant 0 : i32
      %dma_start3A_41 = tpu.memref_slice %arg5[%add3A_35, %dma_start3A_40] : memref<160000x256xf32, #tpu.memory_space<hbm>> -> memref<40x256xf32, #tpu.memory_space<hbm>>
      tpu.enqueue_dma source(%arg9 : memref<40x256xf32, #tpu.memory_space<vmem>>) target(%dma_start3A_41 : memref<40x256xf32, #tpu.memory_space<hbm>>) target_semaphore(%run_scoped3A : memref<!tpu.dma_semaphore, #tpu.memory_space<semaphore_mem>>)
      %dma_wait3A_42 = arith.constant 0 : i32
      %dma_wait3A_43 = tpu.memref_slice %arg5[%add3A_35, %dma_wait3A_42] : memref<160000x256xf32, #tpu.memory_space<hbm>> -> memref<40x256xf32, #tpu.memory_space<hbm>>
      %dma_wait3A_44 = arith.constant 0 : i32
      %dma_wait3A_45 = tpu.memref_slice %arg5[%add3A_35, %dma_wait3A_44] : memref<160000x256xf32, #tpu.memory_space<hbm>> -> memref<40x256xf32, #tpu.memory_space<hbm>>
      tpu.wait_dma2 semaphore(%run_scoped3A : memref<!tpu.dma_semaphore, #tpu.memory_space<semaphore_mem>>) src(%arg9 : memref<40x256xf32, #tpu.memory_space<vmem>>) dst(%dma_wait3A_45 : memref<40x256xf32, #tpu.memory_space<hbm>>)
      tpu.yield
    }) : () -> ()
    %add3A_36 = arith.constant 4960 : i32
    %add3A_37 = arith.addi %mul3A_2, %add3A_36 : i32
    "tpu.region"() ({
      %run_scoped3A = tpu.sem_alloc : memref<!tpu.dma_semaphore, #tpu.memory_space<semaphore_mem>>
      %dma_start3A_38 = arith.constant 0 : i32
      %dma_start3A_39 = tpu.memref_slice %arg6[%add3A_37, %dma_start3A_38] : memref<160000x256xf32, #tpu.memory_space<hbm>> -> memref<40x256xf32, #tpu.memory_space<hbm>>
      %dma_start3A_40 = arith.constant 0 : i32
      %dma_start3A_41 = tpu.memref_slice %arg6[%add3A_37, %dma_start3A_40] : memref<160000x256xf32, #tpu.memory_space<hbm>> -> memref<40x256xf32, #tpu.memory_space<hbm>>
      tpu.enqueue_dma source(%arg10 : memref<40x256xf32, #tpu.memory_space<vmem>>) target(%dma_start3A_41 : memref<40x256xf32, #tpu.memory_space<hbm>>) target_semaphore(%run_scoped3A : memref<!tpu.dma_semaphore, #tpu.memory_space<semaphore_mem>>)
      %dma_wait3A_42 = arith.constant 0 : i32
      %dma_wait3A_43 = tpu.memref_slice %arg6[%add3A_37, %dma_wait3A_42] : memref<160000x256xf32, #tpu.memory_space<hbm>> -> memref<40x256xf32, #tpu.memory_space<hbm>>
      %dma_wait3A_44 = arith.constant 0 : i32
      %dma_wait3A_45 = tpu.memref_slice %arg6[%add3A_37, %dma_wait3A_44] : memref<160000x256xf32, #tpu.memory_space<hbm>> -> memref<40x256xf32, #tpu.memory_space<hbm>>
      tpu.wait_dma2 semaphore(%run_scoped3A : memref<!tpu.dma_semaphore, #tpu.memory_space<semaphore_mem>>) src(%arg10 : memref<40x256xf32, #tpu.memory_space<vmem>>) dst(%dma_wait3A_45 : memref<40x256xf32, #tpu.memory_space<hbm>>)
      tpu.yield
    }) : () -> ()
    return
  }
}

#map = affine_map<(d0, d1) -> (0, 0)>
#map1 = affine_map<(d0, d1) -> (0, 0, 0)>
module attributes {stable_mosaic.version = 14 : i64} {
  func.func @body(%arg0: i32, %arg1: i32, %arg2: memref<10000x256xf32, #tpu.memory_space<hbm>>, %arg3: memref<32x125x40xi32, #tpu.memory_space<hbm>>, %arg4: memref<32x125x40xi32, #tpu.memory_space<hbm>>, %arg5: memref<160000x256xf32, #tpu.memory_space<hbm>>, %arg6: memref<160000x256xf32, #tpu.memory_space<hbm>>, %arg7: memref<125x40xi32, #tpu.memory_space<vmem>>, %arg8: memref<125x40xi32, #tpu.memory_space<vmem>>, %arg9: memref<40x256xf32, #tpu.memory_space<vmem>>, %arg10: memref<40x256xf32, #tpu.memory_space<vmem>>, %arg11: memref<40x256xf32, #tpu.memory_space<vmem>>, %arg12: memref<40x256xf32, #tpu.memory_space<vmem>>, %arg13: memref<!tpu.dma_semaphore, #tpu.memory_space<semaphore_mem>>, %arg14: memref<!tpu.dma_semaphore, #tpu.memory_space<semaphore_mem>>) attributes {dimension_semantics = [#tpu.dimension_semantics<core_parallel>, #tpu.dimension_semantics<subcore_parallel>], iteration_bounds = array<i64: 2, 16>, scalar_prefetch = 0 : i64, scratch_operands = 8 : i64, tpu.core_type = #tpu.core_type<sc_vector_subcore>, window_params = [{transform_indices = #map}, {transform_indices = #map1}, {transform_indices = #map1}, {transform_indices = #map}, {transform_indices = #map}]} {
    %mul3A = arith.constant 2 : i32
    %mul3A_0 = arith.muli %arg1, %mul3A : i32
    %add3A = arith.addi %mul3A_0, %arg0 : i32
    %mul3A_1 = arith.constant 5000 : i32
    %mul3A_2 = arith.muli %add3A, %mul3A_1 : i32
    "tpu.region"() ({
      %run_scoped3A = tpu.sem_alloc : memref<!tpu.dma_semaphore, #tpu.memory_space<semaphore_mem>>
      %dma_start3A_38 = arith.constant 0 : i32
      %dma_start3A_39 = arith.constant 0 : i32
      %dma_start3A_40 = tpu.memref_slice %arg3[%add3A, %dma_start3A_38, %dma_start3A_39] : memref<32x125x40xi32, #tpu.memory_space<hbm>> -> memref<1x125x40xi32, #tpu.memory_space<hbm>>
      %dma_start3A_41 = tpu.memref_squeeze %dma_start3A_40 : memref<1x125x40xi32, #tpu.memory_space<hbm>> -> memref<125x40xi32, #tpu.memory_space<hbm>>
      %dma_start3A_42 = arith.constant 0 : i32
      %dma_start3A_43 = arith.constant 0 : i32
      %dma_start3A_44 = tpu.memref_slice %arg3[%add3A, %dma_start3A_42, %dma_start3A_43] : memref<32x125x40xi32, #tpu.memory_space<hbm>> -> memref<1x125x40xi32, #tpu.memory_space<hbm>>
      %dma_start3A_45 = tpu.memref_squeeze %dma_start3A_44 : memref<1x125x40xi32, #tpu.memory_space<hbm>> -> memref<125x40xi32, #tpu.memory_space<hbm>>
      tpu.enqueue_dma source(%dma_start3A_45 : memref<125x40xi32, #tpu.memory_space<hbm>>) target(%arg7 : memref<125x40xi32, #tpu.memory_space<vmem>>) target_semaphore(%run_scoped3A : memref<!tpu.dma_semaphore, #tpu.memory_space<semaphore_mem>>)
      %dma_wait3A_46 = arith.constant 0 : i32
      %dma_wait3A_47 = arith.constant 0 : i32
      %dma_wait3A_48 = tpu.memref_slice %arg3[%add3A, %dma_wait3A_46, %dma_wait3A_47] : memref<32x125x40xi32, #tpu.memory_space<hbm>> -> memref<1x125x40xi32, #tpu.memory_space<hbm>>
      %dma_wait3A_49 = tpu.memref_squeeze %dma_wait3A_48 : memref<1x125x40xi32, #tpu.memory_space<hbm>> -> memref<125x40xi32, #tpu.memory_space<hbm>>
      %dma_wait3A_50 = arith.constant 0 : i32
      %dma_wait3A_51 = arith.constant 0 : i32
      %dma_wait3A_52 = tpu.memref_slice %arg3[%add3A, %dma_wait3A_50, %dma_wait3A_51] : memref<32x125x40xi32, #tpu.memory_space<hbm>> -> memref<1x125x40xi32, #tpu.memory_space<hbm>>
      %dma_wait3A_53 = tpu.memref_squeeze %dma_wait3A_52 : memref<1x125x40xi32, #tpu.memory_space<hbm>> -> memref<125x40xi32, #tpu.memory_space<hbm>>
      tpu.wait_dma2 semaphore(%run_scoped3A : memref<!tpu.dma_semaphore, #tpu.memory_space<semaphore_mem>>) src(%dma_wait3A_53 : memref<125x40xi32, #tpu.memory_space<hbm>>) dst(%arg7 : memref<125x40xi32, #tpu.memory_space<vmem>>)
      tpu.yield
    }) : () -> ()
    "tpu.region"() ({
      %run_scoped3A = tpu.sem_alloc : memref<!tpu.dma_semaphore, #tpu.memory_space<semaphore_mem>>
      %dma_start3A_38 = arith.constant 0 : i32
      %dma_start3A_39 = arith.constant 0 : i32
      %dma_start3A_40 = tpu.memref_slice %arg4[%add3A, %dma_start3A_38, %dma_start3A_39] : memref<32x125x40xi32, #tpu.memory_space<hbm>> -> memref<1x125x40xi32, #tpu.memory_space<hbm>>
      %dma_start3A_41 = tpu.memref_squeeze %dma_start3A_40 : memref<1x125x40xi32, #tpu.memory_space<hbm>> -> memref<125x40xi32, #tpu.memory_space<hbm>>
      %dma_start3A_42 = arith.constant 0 : i32
      %dma_start3A_43 = arith.constant 0 : i32
      %dma_start3A_44 = tpu.memref_slice %arg4[%add3A, %dma_start3A_42, %dma_start3A_43] : memref<32x125x40xi32, #tpu.memory_space<hbm>> -> memref<1x125x40xi32, #tpu.memory_space<hbm>>
      %dma_start3A_45 = tpu.memref_squeeze %dma_start3A_44 : memref<1x125x40xi32, #tpu.memory_space<hbm>> -> memref<125x40xi32, #tpu.memory_space<hbm>>
      tpu.enqueue_dma source(%dma_start3A_45 : memref<125x40xi32, #tpu.memory_space<hbm>>) target(%arg8 : memref<125x40xi32, #tpu.memory_space<vmem>>) target_semaphore(%run_scoped3A : memref<!tpu.dma_semaphore, #tpu.memory_space<semaphore_mem>>)
      %dma_wait3A_46 = arith.constant 0 : i32
      %dma_wait3A_47 = arith.constant 0 : i32
      %dma_wait3A_48 = tpu.memref_slice %arg4[%add3A, %dma_wait3A_46, %dma_wait3A_47] : memref<32x125x40xi32, #tpu.memory_space<hbm>> -> memref<1x125x40xi32, #tpu.memory_space<hbm>>
      %dma_wait3A_49 = tpu.memref_squeeze %dma_wait3A_48 : memref<1x125x40xi32, #tpu.memory_space<hbm>> -> memref<125x40xi32, #tpu.memory_space<hbm>>
      %dma_wait3A_50 = arith.constant 0 : i32
      %dma_wait3A_51 = arith.constant 0 : i32
      %dma_wait3A_52 = tpu.memref_slice %arg4[%add3A, %dma_wait3A_50, %dma_wait3A_51] : memref<32x125x40xi32, #tpu.memory_space<hbm>> -> memref<1x125x40xi32, #tpu.memory_space<hbm>>
      %dma_wait3A_53 = tpu.memref_squeeze %dma_wait3A_52 : memref<1x125x40xi32, #tpu.memory_space<hbm>> -> memref<125x40xi32, #tpu.memory_space<hbm>>
      tpu.wait_dma2 semaphore(%run_scoped3A : memref<!tpu.dma_semaphore, #tpu.memory_space<semaphore_mem>>) src(%dma_wait3A_53 : memref<125x40xi32, #tpu.memory_space<hbm>>) dst(%arg8 : memref<125x40xi32, #tpu.memory_space<vmem>>)
      tpu.yield
    }) : () -> ()
    %dma_start3A = arith.constant 0 : i32
    %dma_start3A_3 = arith.constant 0 : i32
    %dma_start3A_4 = tpu.memref_slice %arg7[%dma_start3A, %dma_start3A_3] : memref<125x40xi32, #tpu.memory_space<vmem>> -> memref<1x40xi32, #tpu.memory_space<vmem>>
    %dma_start3A_5 = tpu.memref_squeeze %dma_start3A_4 : memref<1x40xi32, #tpu.memory_space<vmem>> -> memref<40xi32, #tpu.memory_space<vmem>>
    %dma_start3A_6 = arith.constant 0 : i32
    %dma_start3A_7 = arith.constant 0 : i32
    %dma_start3A_8 = tpu.memref_slice %arg2[%dma_start3A_6, %dma_start3A_7] : memref<10000x256xf32, #tpu.memory_space<hbm>> -> memref<10000x256xf32, #tpu.memory_space<hbm>>
    tpu.enqueue_indirect_dma source(%dma_start3A_8 : memref<10000x256xf32, #tpu.memory_space<hbm>>) target(%arg9 : memref<40x256xf32, #tpu.memory_space<vmem>>) offsets(%dma_start3A_5 : memref<40xi32, #tpu.memory_space<vmem>>) semaphore(%arg13 : memref<!tpu.dma_semaphore, #tpu.memory_space<semaphore_mem>>)
    %dma_start3A_9 = arith.constant 0 : i32
    %dma_start3A_10 = arith.constant 0 : i32
    %dma_start3A_11 = tpu.memref_slice %arg8[%dma_start3A_9, %dma_start3A_10] : memref<125x40xi32, #tpu.memory_space<vmem>> -> memref<1x40xi32, #tpu.memory_space<vmem>>
    %dma_start3A_12 = tpu.memref_squeeze %dma_start3A_11 : memref<1x40xi32, #tpu.memory_space<vmem>> -> memref<40xi32, #tpu.memory_space<vmem>>
    %dma_start3A_13 = arith.constant 0 : i32
    %dma_start3A_14 = arith.constant 0 : i32
    %dma_start3A_15 = tpu.memref_slice %arg2[%dma_start3A_13, %dma_start3A_14] : memref<10000x256xf32, #tpu.memory_space<hbm>> -> memref<10000x256xf32, #tpu.memory_space<hbm>>
    tpu.enqueue_indirect_dma source(%dma_start3A_15 : memref<10000x256xf32, #tpu.memory_space<hbm>>) target(%arg10 : memref<40x256xf32, #tpu.memory_space<vmem>>) offsets(%dma_start3A_12 : memref<40xi32, #tpu.memory_space<vmem>>) semaphore(%arg13 : memref<!tpu.dma_semaphore, #tpu.memory_space<semaphore_mem>>)
    %scan3A = arith.constant 0 : i32
    %scan3A_16 = arith.constant 0 : i32
    %scan3A_17 = arith.constant 62 : i32
    %scan3A_18 = arith.addi %scan3A_16, %scan3A_17 : i32
    %scan3A_19 = arith.constant 1 : i32
    scf.for %scan3A_38 = %scan3A_16 to %scan3A_18 step %scan3A_19  : i32 {
      %mul3A_39 = arith.constant 2 : i32
      %mul3A_40 = arith.muli %mul3A_39, %scan3A_38 : i32
      %add3A_41 = arith.constant 1 : i32
      %add3A_42 = arith.addi %mul3A_40, %add3A_41 : i32
      %add3A_43 = arith.constant 2 : i32
      %add3A_44 = arith.addi %mul3A_40, %add3A_43 : i32
      %dma_start3A_45 = arith.constant 0 : i32
      %dma_start3A_46 = tpu.memref_slice %arg7[%add3A_42, %dma_start3A_45] : memref<125x40xi32, #tpu.memory_space<vmem>> -> memref<1x40xi32, #tpu.memory_space<vmem>>
      %dma_start3A_47 = tpu.memref_squeeze %dma_start3A_46 : memref<1x40xi32, #tpu.memory_space<vmem>> -> memref<40xi32, #tpu.memory_space<vmem>>
      %dma_start3A_48 = arith.constant 0 : i32
      %dma_start3A_49 = arith.constant 0 : i32
      %dma_start3A_50 = tpu.memref_slice %arg2[%dma_start3A_48, %dma_start3A_49] : memref<10000x256xf32, #tpu.memory_space<hbm>> -> memref<10000x256xf32, #tpu.memory_space<hbm>>
      tpu.enqueue_indirect_dma source(%dma_start3A_50 : memref<10000x256xf32, #tpu.memory_space<hbm>>) target(%arg11 : memref<40x256xf32, #tpu.memory_space<vmem>>) offsets(%dma_start3A_47 : memref<40xi32, #tpu.memory_space<vmem>>) semaphore(%arg14 : memref<!tpu.dma_semaphore, #tpu.memory_space<semaphore_mem>>)
      %dma_start3A_51 = arith.constant 0 : i32
      %dma_start3A_52 = tpu.memref_slice %arg8[%add3A_42, %dma_start3A_51] : memref<125x40xi32, #tpu.memory_space<vmem>> -> memref<1x40xi32, #tpu.memory_space<vmem>>
      %dma_start3A_53 = tpu.memref_squeeze %dma_start3A_52 : memref<1x40xi32, #tpu.memory_space<vmem>> -> memref<40xi32, #tpu.memory_space<vmem>>
      %dma_start3A_54 = arith.constant 0 : i32
      %dma_start3A_55 = arith.constant 0 : i32
      %dma_start3A_56 = tpu.memref_slice %arg2[%dma_start3A_54, %dma_start3A_55] : memref<10000x256xf32, #tpu.memory_space<hbm>> -> memref<10000x256xf32, #tpu.memory_space<hbm>>
      tpu.enqueue_indirect_dma source(%dma_start3A_56 : memref<10000x256xf32, #tpu.memory_space<hbm>>) target(%arg12 : memref<40x256xf32, #tpu.memory_space<vmem>>) offsets(%dma_start3A_53 : memref<40xi32, #tpu.memory_space<vmem>>) semaphore(%arg14 : memref<!tpu.dma_semaphore, #tpu.memory_space<semaphore_mem>>)
      %dma_wait3A_57 = arith.constant 0 : i32
      %dma_wait3A_58 = arith.constant 0 : i32
      %dma_wait3A_59 = tpu.memref_slice %arg7[%dma_wait3A_57, %dma_wait3A_58] : memref<125x40xi32, #tpu.memory_space<vmem>> -> memref<1x40xi32, #tpu.memory_space<vmem>>
      %dma_wait3A_60 = tpu.memref_squeeze %dma_wait3A_59 : memref<1x40xi32, #tpu.memory_space<vmem>> -> memref<40xi32, #tpu.memory_space<vmem>>
      %dma_wait3A_61 = arith.constant 0 : i32
      %dma_wait3A_62 = arith.constant 0 : i32
      %dma_wait3A_63 = tpu.memref_slice %arg2[%dma_wait3A_61, %dma_wait3A_62] : memref<10000x256xf32, #tpu.memory_space<hbm>> -> memref<10000x256xf32, #tpu.memory_space<hbm>>
      tpu.wait_indirect_dma semaphore(%arg13 : memref<!tpu.dma_semaphore, #tpu.memory_space<semaphore_mem>>) src(%dma_wait3A_63 : memref<10000x256xf32, #tpu.memory_space<hbm>>) dst(%arg9 : memref<40x256xf32, #tpu.memory_space<vmem>>)
      %dma_wait3A_64 = arith.constant 0 : i32
      %dma_wait3A_65 = arith.constant 0 : i32
      %dma_wait3A_66 = tpu.memref_slice %arg7[%dma_wait3A_64, %dma_wait3A_65] : memref<125x40xi32, #tpu.memory_space<vmem>> -> memref<1x40xi32, #tpu.memory_space<vmem>>
      %dma_wait3A_67 = tpu.memref_squeeze %dma_wait3A_66 : memref<1x40xi32, #tpu.memory_space<vmem>> -> memref<40xi32, #tpu.memory_space<vmem>>
      %dma_wait3A_68 = arith.constant 0 : i32
      %dma_wait3A_69 = arith.constant 0 : i32
      %dma_wait3A_70 = tpu.memref_slice %arg2[%dma_wait3A_68, %dma_wait3A_69] : memref<10000x256xf32, #tpu.memory_space<hbm>> -> memref<10000x256xf32, #tpu.memory_space<hbm>>
      tpu.wait_indirect_dma semaphore(%arg13 : memref<!tpu.dma_semaphore, #tpu.memory_space<semaphore_mem>>) src(%dma_wait3A_70 : memref<10000x256xf32, #tpu.memory_space<hbm>>) dst(%arg9 : memref<40x256xf32, #tpu.memory_space<vmem>>)
      %mul3A_71 = arith.constant 40 : i32
      %mul3A_72 = arith.muli %mul3A_40, %mul3A_71 : i32
      %add3A_73 = arith.addi %mul3A_2, %mul3A_72 : i32
      "tpu.region"() ({
        %run_scoped3A = tpu.sem_alloc : memref<!tpu.dma_semaphore, #tpu.memory_space<semaphore_mem>>
        %dma_start3A_109 = arith.constant 0 : i32
        %dma_start3A_110 = tpu.memref_slice %arg5[%add3A_73, %dma_start3A_109] : memref<160000x256xf32, #tpu.memory_space<hbm>> -> memref<40x256xf32, #tpu.memory_space<hbm>>
        %dma_start3A_111 = arith.constant 0 : i32
        %dma_start3A_112 = tpu.memref_slice %arg5[%add3A_73, %dma_start3A_111] : memref<160000x256xf32, #tpu.memory_space<hbm>> -> memref<40x256xf32, #tpu.memory_space<hbm>>
        tpu.enqueue_dma source(%arg9 : memref<40x256xf32, #tpu.memory_space<vmem>>) target(%dma_start3A_112 : memref<40x256xf32, #tpu.memory_space<hbm>>) target_semaphore(%run_scoped3A : memref<!tpu.dma_semaphore, #tpu.memory_space<semaphore_mem>>)
        %dma_wait3A_113 = arith.constant 0 : i32
        %dma_wait3A_114 = tpu.memref_slice %arg5[%add3A_73, %dma_wait3A_113] : memref<160000x256xf32, #tpu.memory_space<hbm>> -> memref<40x256xf32, #tpu.memory_space<hbm>>
        %dma_wait3A_115 = arith.constant 0 : i32
        %dma_wait3A_116 = tpu.memref_slice %arg5[%add3A_73, %dma_wait3A_115] : memref<160000x256xf32, #tpu.memory_space<hbm>> -> memref<40x256xf32, #tpu.memory_space<hbm>>
        tpu.wait_dma2 semaphore(%run_scoped3A : memref<!tpu.dma_semaphore, #tpu.memory_space<semaphore_mem>>) src(%arg9 : memref<40x256xf32, #tpu.memory_space<vmem>>) dst(%dma_wait3A_116 : memref<40x256xf32, #tpu.memory_space<hbm>>)
        tpu.yield
      }) : () -> ()
      %mul3A_74 = arith.constant 40 : i32
      %mul3A_75 = arith.muli %mul3A_40, %mul3A_74 : i32
      %add3A_76 = arith.addi %mul3A_2, %mul3A_75 : i32
      "tpu.region"() ({
        %run_scoped3A = tpu.sem_alloc : memref<!tpu.dma_semaphore, #tpu.memory_space<semaphore_mem>>
        %dma_start3A_109 = arith.constant 0 : i32
        %dma_start3A_110 = tpu.memref_slice %arg6[%add3A_76, %dma_start3A_109] : memref<160000x256xf32, #tpu.memory_space<hbm>> -> memref<40x256xf32, #tpu.memory_space<hbm>>
        %dma_start3A_111 = arith.constant 0 : i32
        %dma_start3A_112 = tpu.memref_slice %arg6[%add3A_76, %dma_start3A_111] : memref<160000x256xf32, #tpu.memory_space<hbm>> -> memref<40x256xf32, #tpu.memory_space<hbm>>
        tpu.enqueue_dma source(%arg10 : memref<40x256xf32, #tpu.memory_space<vmem>>) target(%dma_start3A_112 : memref<40x256xf32, #tpu.memory_space<hbm>>) target_semaphore(%run_scoped3A : memref<!tpu.dma_semaphore, #tpu.memory_space<semaphore_mem>>)
        %dma_wait3A_113 = arith.constant 0 : i32
        %dma_wait3A_114 = tpu.memref_slice %arg6[%add3A_76, %dma_wait3A_113] : memref<160000x256xf32, #tpu.memory_space<hbm>> -> memref<40x256xf32, #tpu.memory_space<hbm>>
        %dma_wait3A_115 = arith.constant 0 : i32
        %dma_wait3A_116 = tpu.memref_slice %arg6[%add3A_76, %dma_wait3A_115] : memref<160000x256xf32, #tpu.memory_space<hbm>> -> memref<40x256xf32, #tpu.memory_space<hbm>>
        tpu.wait_dma2 semaphore(%run_scoped3A : memref<!tpu.dma_semaphore, #tpu.memory_space<semaphore_mem>>) src(%arg10 : memref<40x256xf32, #tpu.memory_space<vmem>>) dst(%dma_wait3A_116 : memref<40x256xf32, #tpu.memory_space<hbm>>)
        tpu.yield
      }) : () -> ()
      %dma_start3A_77 = arith.constant 0 : i32
      %dma_start3A_78 = tpu.memref_slice %arg7[%add3A_44, %dma_start3A_77] : memref<125x40xi32, #tpu.memory_space<vmem>> -> memref<1x40xi32, #tpu.memory_space<vmem>>
      %dma_start3A_79 = tpu.memref_squeeze %dma_start3A_78 : memref<1x40xi32, #tpu.memory_space<vmem>> -> memref<40xi32, #tpu.memory_space<vmem>>
      %dma_start3A_80 = arith.constant 0 : i32
      %dma_start3A_81 = arith.constant 0 : i32
      %dma_start3A_82 = tpu.memref_slice %arg2[%dma_start3A_80, %dma_start3A_81] : memref<10000x256xf32, #tpu.memory_space<hbm>> -> memref<10000x256xf32, #tpu.memory_space<hbm>>
      tpu.enqueue_indirect_dma source(%dma_start3A_82 : memref<10000x256xf32, #tpu.memory_space<hbm>>) target(%arg9 : memref<40x256xf32, #tpu.memory_space<vmem>>) offsets(%dma_start3A_79 : memref<40xi32, #tpu.memory_space<vmem>>) semaphore(%arg13 : memref<!tpu.dma_semaphore, #tpu.memory_space<semaphore_mem>>)
      %dma_start3A_83 = arith.constant 0 : i32
      %dma_start3A_84 = tpu.memref_slice %arg8[%add3A_44, %dma_start3A_83] : memref<125x40xi32, #tpu.memory_space<vmem>> -> memref<1x40xi32, #tpu.memory_space<vmem>>
      %dma_start3A_85 = tpu.memref_squeeze %dma_start3A_84 : memref<1x40xi32, #tpu.memory_space<vmem>> -> memref<40xi32, #tpu.memory_space<vmem>>
      %dma_start3A_86 = arith.constant 0 : i32
      %dma_start3A_87 = arith.constant 0 : i32
      %dma_start3A_88 = tpu.memref_slice %arg2[%dma_start3A_86, %dma_start3A_87] : memref<10000x256xf32, #tpu.memory_space<hbm>> -> memref<10000x256xf32, #tpu.memory_space<hbm>>
      tpu.enqueue_indirect_dma source(%dma_start3A_88 : memref<10000x256xf32, #tpu.memory_space<hbm>>) target(%arg10 : memref<40x256xf32, #tpu.memory_space<vmem>>) offsets(%dma_start3A_85 : memref<40xi32, #tpu.memory_space<vmem>>) semaphore(%arg13 : memref<!tpu.dma_semaphore, #tpu.memory_space<semaphore_mem>>)
      %dma_wait3A_89 = arith.constant 0 : i32
      %dma_wait3A_90 = arith.constant 0 : i32
      %dma_wait3A_91 = tpu.memref_slice %arg7[%dma_wait3A_89, %dma_wait3A_90] : memref<125x40xi32, #tpu.memory_space<vmem>> -> memref<1x40xi32, #tpu.memory_space<vmem>>
      %dma_wait3A_92 = tpu.memref_squeeze %dma_wait3A_91 : memref<1x40xi32, #tpu.memory_space<vmem>> -> memref<40xi32, #tpu.memory_space<vmem>>
      %dma_wait3A_93 = arith.constant 0 : i32
      %dma_wait3A_94 = arith.constant 0 : i32
      %dma_wait3A_95 = tpu.memref_slice %arg2[%dma_wait3A_93, %dma_wait3A_94] : memref<10000x256xf32, #tpu.memory_space<hbm>> -> memref<10000x256xf32, #tpu.memory_space<hbm>>
      tpu.wait_indirect_dma semaphore(%arg14 : memref<!tpu.dma_semaphore, #tpu.memory_space<semaphore_mem>>) src(%dma_wait3A_95 : memref<10000x256xf32, #tpu.memory_space<hbm>>) dst(%arg11 : memref<40x256xf32, #tpu.memory_space<vmem>>)
      %dma_wait3A_96 = arith.constant 0 : i32
      %dma_wait3A_97 = arith.constant 0 : i32
      %dma_wait3A_98 = tpu.memref_slice %arg7[%dma_wait3A_96, %dma_wait3A_97] : memref<125x40xi32, #tpu.memory_space<vmem>> -> memref<1x40xi32, #tpu.memory_space<vmem>>
      %dma_wait3A_99 = tpu.memref_squeeze %dma_wait3A_98 : memref<1x40xi32, #tpu.memory_space<vmem>> -> memref<40xi32, #tpu.memory_space<vmem>>
      %dma_wait3A_100 = arith.constant 0 : i32
      %dma_wait3A_101 = arith.constant 0 : i32
      %dma_wait3A_102 = tpu.memref_slice %arg2[%dma_wait3A_100, %dma_wait3A_101] : memref<10000x256xf32, #tpu.memory_space<hbm>> -> memref<10000x256xf32, #tpu.memory_space<hbm>>
      tpu.wait_indirect_dma semaphore(%arg14 : memref<!tpu.dma_semaphore, #tpu.memory_space<semaphore_mem>>) src(%dma_wait3A_102 : memref<10000x256xf32, #tpu.memory_space<hbm>>) dst(%arg11 : memref<40x256xf32, #tpu.memory_space<vmem>>)
      %mul3A_103 = arith.constant 40 : i32
      %mul3A_104 = arith.muli %add3A_42, %mul3A_103 : i32
      %add3A_105 = arith.addi %mul3A_2, %mul3A_104 : i32
      "tpu.region"() ({
        %run_scoped3A = tpu.sem_alloc : memref<!tpu.dma_semaphore, #tpu.memory_space<semaphore_mem>>
        %dma_start3A_109 = arith.constant 0 : i32
        %dma_start3A_110 = tpu.memref_slice %arg5[%add3A_105, %dma_start3A_109] : memref<160000x256xf32, #tpu.memory_space<hbm>> -> memref<40x256xf32, #tpu.memory_space<hbm>>
        %dma_start3A_111 = arith.constant 0 : i32
        %dma_start3A_112 = tpu.memref_slice %arg5[%add3A_105, %dma_start3A_111] : memref<160000x256xf32, #tpu.memory_space<hbm>> -> memref<40x256xf32, #tpu.memory_space<hbm>>
        tpu.enqueue_dma source(%arg11 : memref<40x256xf32, #tpu.memory_space<vmem>>) target(%dma_start3A_112 : memref<40x256xf32, #tpu.memory_space<hbm>>) target_semaphore(%run_scoped3A : memref<!tpu.dma_semaphore, #tpu.memory_space<semaphore_mem>>)
        %dma_wait3A_113 = arith.constant 0 : i32
        %dma_wait3A_114 = tpu.memref_slice %arg5[%add3A_105, %dma_wait3A_113] : memref<160000x256xf32, #tpu.memory_space<hbm>> -> memref<40x256xf32, #tpu.memory_space<hbm>>
        %dma_wait3A_115 = arith.constant 0 : i32
        %dma_wait3A_116 = tpu.memref_slice %arg5[%add3A_105, %dma_wait3A_115] : memref<160000x256xf32, #tpu.memory_space<hbm>> -> memref<40x256xf32, #tpu.memory_space<hbm>>
        tpu.wait_dma2 semaphore(%run_scoped3A : memref<!tpu.dma_semaphore, #tpu.memory_space<semaphore_mem>>) src(%arg11 : memref<40x256xf32, #tpu.memory_space<vmem>>) dst(%dma_wait3A_116 : memref<40x256xf32, #tpu.memory_space<hbm>>)
        tpu.yield
      }) : () -> ()
      %mul3A_106 = arith.constant 40 : i32
      %mul3A_107 = arith.muli %add3A_42, %mul3A_106 : i32
      %add3A_108 = arith.addi %mul3A_2, %mul3A_107 : i32
      "tpu.region"() ({
        %run_scoped3A = tpu.sem_alloc : memref<!tpu.dma_semaphore, #tpu.memory_space<semaphore_mem>>
        %dma_start3A_109 = arith.constant 0 : i32
        %dma_start3A_110 = tpu.memref_slice %arg6[%add3A_108, %dma_start3A_109] : memref<160000x256xf32, #tpu.memory_space<hbm>> -> memref<40x256xf32, #tpu.memory_space<hbm>>
        %dma_start3A_111 = arith.constant 0 : i32
        %dma_start3A_112 = tpu.memref_slice %arg6[%add3A_108, %dma_start3A_111] : memref<160000x256xf32, #tpu.memory_space<hbm>> -> memref<40x256xf32, #tpu.memory_space<hbm>>
        tpu.enqueue_dma source(%arg12 : memref<40x256xf32, #tpu.memory_space<vmem>>) target(%dma_start3A_112 : memref<40x256xf32, #tpu.memory_space<hbm>>) target_semaphore(%run_scoped3A : memref<!tpu.dma_semaphore, #tpu.memory_space<semaphore_mem>>)
        %dma_wait3A_113 = arith.constant 0 : i32
        %dma_wait3A_114 = tpu.memref_slice %arg6[%add3A_108, %dma_wait3A_113] : memref<160000x256xf32, #tpu.memory_space<hbm>> -> memref<40x256xf32, #tpu.memory_space<hbm>>
        %dma_wait3A_115 = arith.constant 0 : i32
        %dma_wait3A_116 = tpu.memref_slice %arg6[%add3A_108, %dma_wait3A_115] : memref<160000x256xf32, #tpu.memory_space<hbm>> -> memref<40x256xf32, #tpu.memory_space<hbm>>
        tpu.wait_dma2 semaphore(%run_scoped3A : memref<!tpu.dma_semaphore, #tpu.memory_space<semaphore_mem>>) src(%arg12 : memref<40x256xf32, #tpu.memory_space<vmem>>) dst(%dma_wait3A_116 : memref<40x256xf32, #tpu.memory_space<hbm>>)
        tpu.yield
      }) : () -> ()
    }
    %scan3A_20 = arith.constant 62 : i32
    %dma_wait3A = arith.constant 0 : i32
    %dma_wait3A_21 = arith.constant 0 : i32
    %dma_wait3A_22 = tpu.memref_slice %arg7[%dma_wait3A, %dma_wait3A_21] : memref<125x40xi32, #tpu.memory_space<vmem>> -> memref<1x40xi32, #tpu.memory_space<vmem>>
    %dma_wait3A_23 = tpu.memref_squeeze %dma_wait3A_22 : memref<1x40xi32, #tpu.memory_space<vmem>> -> memref<40xi32, #tpu.memory_space<vmem>>
    %dma_wait3A_24 = arith.constant 0 : i32
    %dma_wait3A_25 = arith.constant 0 : i32
    %dma_wait3A_26 = tpu.memref_slice %arg2[%dma_wait3A_24, %dma_wait3A_25] : memref<10000x256xf32, #tpu.memory_space<hbm>> -> memref<10000x256xf32, #tpu.memory_space<hbm>>
    tpu.wait_indirect_dma semaphore(%arg13 : memref<!tpu.dma_semaphore, #tpu.memory_space<semaphore_mem>>) src(%dma_wait3A_26 : memref<10000x256xf32, #tpu.memory_space<hbm>>) dst(%arg9 : memref<40x256xf32, #tpu.memory_space<vmem>>)
    %dma_wait3A_27 = arith.constant 0 : i32
    %dma_wait3A_28 = arith.constant 0 : i32
    %dma_wait3A_29 = tpu.memref_slice %arg7[%dma_wait3A_27, %dma_wait3A_28] : memref<125x40xi32, #tpu.memory_space<vmem>> -> memref<1x40xi32, #tpu.memory_space<vmem>>
    %dma_wait3A_30 = tpu.memref_squeeze %dma_wait3A_29 : memref<1x40xi32, #tpu.memory_space<vmem>> -> memref<40xi32, #tpu.memory_space<vmem>>
    %dma_wait3A_31 = arith.constant 0 : i32
    %dma_wait3A_32 = arith.constant 0 : i32
    %dma_wait3A_33 = tpu.memref_slice %arg2[%dma_wait3A_31, %dma_wait3A_32] : memref<10000x256xf32, #tpu.memory_space<hbm>> -> memref<10000x256xf32, #tpu.memory_space<hbm>>
    tpu.wait_indirect_dma semaphore(%arg13 : memref<!tpu.dma_semaphore, #tpu.memory_space<semaphore_mem>>) src(%dma_wait3A_33 : memref<10000x256xf32, #tpu.memory_space<hbm>>) dst(%arg9 : memref<40x256xf32, #tpu.memory_space<vmem>>)
    %add3A_34 = arith.constant 4960 : i32
    %add3A_35 = arith.addi %mul3A_2, %add3A_34 : i32
    "tpu.region"() ({
      %run_scoped3A = tpu.sem_alloc : memref<!tpu.dma_semaphore, #tpu.memory_space<semaphore_mem>>
      %dma_start3A_38 = arith.constant 0 : i32
      %dma_start3A_39 = tpu.memref_slice %arg5[%add3A_35, %dma_start3A_38] : memref<160000x256xf32, #tpu.memory_space<hbm>> -> memref<40x256xf32, #tpu.memory_space<hbm>>
      %dma_start3A_40 = arith.constant 0 : i32
      %dma_start3A_41 = tpu.memref_slice %arg5[%add3A_35, %dma_start3A_40] : memref<160000x256xf32, #tpu.memory_space<hbm>> -> memref<40x256xf32, #tpu.memory_space<hbm>>
      tpu.enqueue_dma source(%arg9 : memref<40x256xf32, #tpu.memory_space<vmem>>) target(%dma_start3A_41 : memref<40x256xf32, #tpu.memory_space<hbm>>) target_semaphore(%run_scoped3A : memref<!tpu.dma_semaphore, #tpu.memory_space<semaphore_mem>>)
      %dma_wait3A_42 = arith.constant 0 : i32
      %dma_wait3A_43 = tpu.memref_slice %arg5[%add3A_35, %dma_wait3A_42] : memref<160000x256xf32, #tpu.memory_space<hbm>> -> memref<40x256xf32, #tpu.memory_space<hbm>>
      %dma_wait3A_44 = arith.constant 0 : i32
      %dma_wait3A_45 = tpu.memref_slice %arg5[%add3A_35, %dma_wait3A_44] : memref<160000x256xf32, #tpu.memory_space<hbm>> -> memref<40x256xf32, #tpu.memory_space<hbm>>
      tpu.wait_dma2 semaphore(%run_scoped3A : memref<!tpu.dma_semaphore, #tpu.memory_space<semaphore_mem>>) src(%arg9 : memref<40x256xf32, #tpu.memory_space<vmem>>) dst(%dma_wait3A_45 : memref<40x256xf32, #tpu.memory_space<hbm>>)
      tpu.yield
    }) : () -> ()
    %add3A_36 = arith.constant 4960 : i32
    %add3A_37 = arith.addi %mul3A_2, %add3A_36 : i32
    "tpu.region"() ({
      %run_scoped3A = tpu.sem_alloc : memref<!tpu.dma_semaphore, #tpu.memory_space<semaphore_mem>>
      %dma_start3A_38 = arith.constant 0 : i32
      %dma_start3A_39 = tpu.memref_slice %arg6[%add3A_37, %dma_start3A_38] : memref<160000x256xf32, #tpu.memory_space<hbm>> -> memref<40x256xf32, #tpu.memory_space<hbm>>
      %dma_start3A_40 = arith.constant 0 : i32
      %dma_start3A_41 = tpu.memref_slice %arg6[%add3A_37, %dma_start3A_40] : memref<160000x256xf32, #tpu.memory_space<hbm>> -> memref<40x256xf32, #tpu.memory_space<hbm>>
      tpu.enqueue_dma source(%arg10 : memref<40x256xf32, #tpu.memory_space<vmem>>) target(%dma_start3A_41 : memref<40x256xf32, #tpu.memory_space<hbm>>) target_semaphore(%run_scoped3A : memref<!tpu.dma_semaphore, #tpu.memory_space<semaphore_mem>>)
      %dma_wait3A_42 = arith.constant 0 : i32
      %dma_wait3A_43 = tpu.memref_slice %arg6[%add3A_37, %dma_wait3A_42] : memref<160000x256xf32, #tpu.memory_space<hbm>> -> memref<40x256xf32, #tpu.memory_space<hbm>>
      %dma_wait3A_44 = arith.constant 0 : i32
      %dma_wait3A_45 = tpu.memref_slice %arg6[%add3A_37, %dma_wait3A_44] : memref<160000x256xf32, #tpu.memory_space<hbm>> -> memref<40x256xf32, #tpu.memory_space<hbm>>
      tpu.wait_dma2 semaphore(%run_scoped3A : memref<!tpu.dma_semaphore, #tpu.memory_space<semaphore_mem>>) src(%arg10 : memref<40x256xf32, #tpu.memory_space<vmem>>) dst(%dma_wait3A_45 : memref<40x256xf32, #tpu.memory_space<hbm>>)
      tpu.yield
    }) : () -> ()
    return
  }
}

#map = affine_map<(d0, d1) -> (0, 0)>
#map1 = affine_map<(d0, d1) -> (0, 0, 0)>
module attributes {stable_mosaic.version = 14 : i64} {
  func.func @body(%arg0: i32, %arg1: i32, %arg2: memref<160000x128xf32, #tpu.memory_space<hbm>>, %arg3: memref<160000x128xf32, #tpu.memory_space<hbm>>, %arg4: memref<16x125x80xi32, #tpu.memory_space<hbm>>, %arg5: memref<10000x128xf32, #tpu.memory_space<hbm>>, %arg6: memref<10000x128xf32, #tpu.memory_space<hbm>>, %arg7: memref<10000x128xf32, #tpu.memory_space<hbm>>, %arg8: memref<125x80xi32, #tpu.memory_space<vmem>>, %arg9: memref<80x128xf32, #tpu.memory_space<vmem>>, %arg10: memref<80x128xf32, #tpu.memory_space<vmem>>, %arg11: memref<10000x128xf32, #tpu.memory_space<vmem_shared>>, %arg12: memref<!tpu.dma_semaphore, #tpu.memory_space<semaphore_mem>>, %arg13: memref<!tpu.dma_semaphore, #tpu.memory_space<semaphore_mem>>) attributes {dimension_semantics = [#tpu.dimension_semantics<core_parallel>, #tpu.dimension_semantics<subcore_parallel>], iteration_bounds = array<i64: 2, 16>, scalar_prefetch = 0 : i64, scratch_operands = 6 : i64, tpu.core_type = #tpu.core_type<sc_vector_subcore>, window_params = [{transform_indices = #map}, {transform_indices = #map}, {transform_indices = #map1}, {transform_indices = #map}, {transform_indices = #map}, {transform_indices = #map}]} {
    %mul3A = arith.constant 10000 : i32
    %mul3A_0 = arith.muli %arg1, %mul3A : i32
    %eq3A = arith.constant 0 : i32
    %eq3A_1 = arith.cmpi eq, %arg1, %eq3A : i32
    %convert_element_type3A = arith.extui %eq3A_1 : i1 to i32
    %cond3A = arith.constant 0 : i32
    %cond3A_2 = arith.cmpi ne, %convert_element_type3A, %cond3A : i32
    scf.if %cond3A_2 {
      "tpu.region"() ({
        %run_scoped3A = tpu.sem_alloc : memref<!tpu.dma_semaphore, #tpu.memory_space<semaphore_mem>>
        tpu.enqueue_dma source(%arg5 : memref<10000x128xf32, #tpu.memory_space<hbm>>) target(%arg11 : memref<10000x128xf32, #tpu.memory_space<vmem_shared>>) target_semaphore(%run_scoped3A : memref<!tpu.dma_semaphore, #tpu.memory_space<semaphore_mem>>)
        tpu.wait_dma2 semaphore(%run_scoped3A : memref<!tpu.dma_semaphore, #tpu.memory_space<semaphore_mem>>) src(%arg5 : memref<10000x128xf32, #tpu.memory_space<hbm>>) dst(%arg11 : memref<10000x128xf32, #tpu.memory_space<vmem_shared>>)
        tpu.yield
      }) : () -> ()
    } else {
    }
    "tpu.region"() ({
      %run_scoped3A = tpu.sem_alloc : memref<!tpu.dma_semaphore, #tpu.memory_space<semaphore_mem>>
      %dma_start3A = arith.constant 0 : i32
      %dma_start3A_29 = arith.constant 0 : i32
      %dma_start3A_30 = tpu.memref_slice %arg4[%arg1, %dma_start3A, %dma_start3A_29] : memref<16x125x80xi32, #tpu.memory_space<hbm>> -> memref<1x125x80xi32, #tpu.memory_space<hbm>>
      %dma_start3A_31 = tpu.memref_squeeze %dma_start3A_30 : memref<1x125x80xi32, #tpu.memory_space<hbm>> -> memref<125x80xi32, #tpu.memory_space<hbm>>
      %dma_start3A_32 = arith.constant 0 : i32
      %dma_start3A_33 = arith.constant 0 : i32
      %dma_start3A_34 = tpu.memref_slice %arg4[%arg1, %dma_start3A_32, %dma_start3A_33] : memref<16x125x80xi32, #tpu.memory_space<hbm>> -> memref<1x125x80xi32, #tpu.memory_space<hbm>>
      %dma_start3A_35 = tpu.memref_squeeze %dma_start3A_34 : memref<1x125x80xi32, #tpu.memory_space<hbm>> -> memref<125x80xi32, #tpu.memory_space<hbm>>
      tpu.enqueue_dma source(%dma_start3A_35 : memref<125x80xi32, #tpu.memory_space<hbm>>) target(%arg8 : memref<125x80xi32, #tpu.memory_space<vmem>>) target_semaphore(%run_scoped3A : memref<!tpu.dma_semaphore, #tpu.memory_space<semaphore_mem>>)
      %dma_wait3A = arith.constant 0 : i32
      %dma_wait3A_36 = arith.constant 0 : i32
      %dma_wait3A_37 = tpu.memref_slice %arg4[%arg1, %dma_wait3A, %dma_wait3A_36] : memref<16x125x80xi32, #tpu.memory_space<hbm>> -> memref<1x125x80xi32, #tpu.memory_space<hbm>>
      %dma_wait3A_38 = tpu.memref_squeeze %dma_wait3A_37 : memref<1x125x80xi32, #tpu.memory_space<hbm>> -> memref<125x80xi32, #tpu.memory_space<hbm>>
      %dma_wait3A_39 = arith.constant 0 : i32
      %dma_wait3A_40 = arith.constant 0 : i32
      %dma_wait3A_41 = tpu.memref_slice %arg4[%arg1, %dma_wait3A_39, %dma_wait3A_40] : memref<16x125x80xi32, #tpu.memory_space<hbm>> -> memref<1x125x80xi32, #tpu.memory_space<hbm>>
      %dma_wait3A_42 = tpu.memref_squeeze %dma_wait3A_41 : memref<1x125x80xi32, #tpu.memory_space<hbm>> -> memref<125x80xi32, #tpu.memory_space<hbm>>
      tpu.wait_dma2 semaphore(%run_scoped3A : memref<!tpu.dma_semaphore, #tpu.memory_space<semaphore_mem>>) src(%dma_wait3A_42 : memref<125x80xi32, #tpu.memory_space<hbm>>) dst(%arg8 : memref<125x80xi32, #tpu.memory_space<vmem>>)
      tpu.yield
    }) : () -> ()
    %barrier3A = arith.constant 0 : index
    tpu.barrier barrier_id(%barrier3A)
    %eq3A_3 = arith.constant 0 : i32
    %eq3A_4 = arith.cmpi eq, %arg0, %eq3A_3 : i32
    %convert_element_type3A_5 = arith.extui %eq3A_4 : i1 to i32
    %cond3A_6 = arith.constant 0 : i32
    %cond3A_7 = arith.cmpi ne, %convert_element_type3A_5, %cond3A_6 : i32
    scf.if %cond3A_7 {
      %add3A = arith.constant 0 : i32
      %add3A_29 = arith.addi %mul3A_0, %add3A : i32
      %dma_start3A = arith.constant 0 : i32
      %dma_start3A_30 = tpu.memref_slice %arg2[%add3A_29, %dma_start3A] : memref<160000x128xf32, #tpu.memory_space<hbm>> -> memref<80x128xf32, #tpu.memory_space<hbm>>
      %dma_start3A_31 = arith.constant 0 : i32
      %dma_start3A_32 = tpu.memref_slice %arg2[%add3A_29, %dma_start3A_31] : memref<160000x128xf32, #tpu.memory_space<hbm>> -> memref<80x128xf32, #tpu.memory_space<hbm>>
      tpu.enqueue_dma source(%dma_start3A_32 : memref<80x128xf32, #tpu.memory_space<hbm>>) target(%arg9 : memref<80x128xf32, #tpu.memory_space<vmem>>) target_semaphore(%arg12 : memref<!tpu.dma_semaphore, #tpu.memory_space<semaphore_mem>>)
      %scan3A = arith.constant 0 : i32
      %scan3A_33 = arith.constant 0 : i32
      %scan3A_34 = arith.constant 62 : i32
      %scan3A_35 = arith.addi %scan3A_33, %scan3A_34 : i32
      %scan3A_36 = arith.constant 1 : i32
      scf.for %scan3A_41 = %scan3A_33 to %scan3A_35 step %scan3A_36  : i32 {
        %mul3A_42 = arith.constant 2 : i32
        %mul3A_43 = arith.muli %mul3A_42, %scan3A_41 : i32
        %add3A_44 = arith.constant 1 : i32
        %add3A_45 = arith.addi %mul3A_43, %add3A_44 : i32
        %add3A_46 = arith.constant 2 : i32
        %add3A_47 = arith.addi %mul3A_43, %add3A_46 : i32
        %mul3A_48 = arith.constant 80 : i32
        %mul3A_49 = arith.muli %add3A_45, %mul3A_48 : i32
        %add3A_50 = arith.addi %mul3A_0, %mul3A_49 : i32
        %dma_start3A_51 = arith.constant 0 : i32
        %dma_start3A_52 = tpu.memref_slice %arg2[%add3A_50, %dma_start3A_51] : memref<160000x128xf32, #tpu.memory_space<hbm>> -> memref<80x128xf32, #tpu.memory_space<hbm>>
        %dma_start3A_53 = arith.constant 0 : i32
        %dma_start3A_54 = tpu.memref_slice %arg2[%add3A_50, %dma_start3A_53] : memref<160000x128xf32, #tpu.memory_space<hbm>> -> memref<80x128xf32, #tpu.memory_space<hbm>>
        tpu.enqueue_dma source(%dma_start3A_54 : memref<80x128xf32, #tpu.memory_space<hbm>>) target(%arg10 : memref<80x128xf32, #tpu.memory_space<vmem>>) target_semaphore(%arg13 : memref<!tpu.dma_semaphore, #tpu.memory_space<semaphore_mem>>)
        %dma_wait3A_55 = arith.constant 0 : i32
        %dma_wait3A_56 = tpu.memref_slice %arg2[%mul3A_0, %dma_wait3A_55] : memref<160000x128xf32, #tpu.memory_space<hbm>> -> memref<80x128xf32, #tpu.memory_space<hbm>>
        %dma_wait3A_57 = arith.constant 0 : i32
        %dma_wait3A_58 = tpu.memref_slice %arg2[%mul3A_0, %dma_wait3A_57] : memref<160000x128xf32, #tpu.memory_space<hbm>> -> memref<80x128xf32, #tpu.memory_space<hbm>>
        tpu.wait_dma2 semaphore(%arg12 : memref<!tpu.dma_semaphore, #tpu.memory_space<semaphore_mem>>) src(%dma_wait3A_58 : memref<80x128xf32, #tpu.memory_space<hbm>>) dst(%arg9 : memref<80x128xf32, #tpu.memory_space<vmem>>)
        "tpu.region"() ({
          %run_scoped3A_70 = tpu.sem_alloc : memref<!tpu.dma_semaphore, #tpu.memory_space<semaphore_mem>>
          %dma_start3A_71 = arith.constant 0 : i32
          %dma_start3A_72 = tpu.memref_slice %arg8[%mul3A_43, %dma_start3A_71] : memref<125x80xi32, #tpu.memory_space<vmem>> -> memref<1x80xi32, #tpu.memory_space<vmem>>
          %dma_start3A_73 = tpu.memref_squeeze %dma_start3A_72 : memref<1x80xi32, #tpu.memory_space<vmem>> -> memref<80xi32, #tpu.memory_space<vmem>>
          %dma_start3A_74 = arith.constant 0 : i32
          %dma_start3A_75 = arith.constant 0 : i32
          %dma_start3A_76 = tpu.memref_slice %arg11[%dma_start3A_74, %dma_start3A_75] : memref<10000x128xf32, #tpu.memory_space<vmem_shared>> -> memref<10000x128xf32, #tpu.memory_space<vmem_shared>>
          tpu.enqueue_indirect_dma source(%arg9 : memref<80x128xf32, #tpu.memory_space<vmem>>) target(%dma_start3A_76 : memref<10000x128xf32, #tpu.memory_space<vmem_shared>>) offsets(%dma_start3A_73 : memref<80xi32, #tpu.memory_space<vmem>>) semaphore(%run_scoped3A_70 : memref<!tpu.dma_semaphore, #tpu.memory_space<semaphore_mem>>) {add = true}
          %dma_wait3A_77 = arith.constant 0 : i32
          %dma_wait3A_78 = tpu.memref_slice %arg8[%mul3A_43, %dma_wait3A_77] : memref<125x80xi32, #tpu.memory_space<vmem>> -> memref<1x80xi32, #tpu.memory_space<vmem>>
          %dma_wait3A_79 = tpu.memref_squeeze %dma_wait3A_78 : memref<1x80xi32, #tpu.memory_space<vmem>> -> memref<80xi32, #tpu.memory_space<vmem>>
          %dma_wait3A_80 = arith.constant 0 : i32
          %dma_wait3A_81 = arith.constant 0 : i32
          %dma_wait3A_82 = tpu.memref_slice %arg11[%dma_wait3A_80, %dma_wait3A_81] : memref<10000x128xf32, #tpu.memory_space<vmem_shared>> -> memref<10000x128xf32, #tpu.memory_space<vmem_shared>>
          tpu.wait_indirect_dma semaphore(%run_scoped3A_70 : memref<!tpu.dma_semaphore, #tpu.memory_space<semaphore_mem>>) src(%arg9 : memref<80x128xf32, #tpu.memory_space<vmem>>) dst(%dma_wait3A_82 : memref<10000x128xf32, #tpu.memory_space<vmem_shared>>)
          tpu.yield
        }) : () -> ()
        %mul3A_59 = arith.constant 80 : i32
        %mul3A_60 = arith.muli %add3A_47, %mul3A_59 : i32
        %add3A_61 = arith.addi %mul3A_0, %mul3A_60 : i32
        %dma_start3A_62 = arith.constant 0 : i32
        %dma_start3A_63 = tpu.memref_slice %arg2[%add3A_61, %dma_start3A_62] : memref<160000x128xf32, #tpu.memory_space<hbm>> -> memref<80x128xf32, #tpu.memory_space<hbm>>
        %dma_start3A_64 = arith.constant 0 : i32
        %dma_start3A_65 = tpu.memref_slice %arg2[%add3A_61, %dma_start3A_64] : memref<160000x128xf32, #tpu.memory_space<hbm>> -> memref<80x128xf32, #tpu.memory_space<hbm>>
        tpu.enqueue_dma source(%dma_start3A_65 : memref<80x128xf32, #tpu.memory_space<hbm>>) target(%arg9 : memref<80x128xf32, #tpu.memory_space<vmem>>) target_semaphore(%arg12 : memref<!tpu.dma_semaphore, #tpu.memory_space<semaphore_mem>>)
        %dma_wait3A_66 = arith.constant 0 : i32
        %dma_wait3A_67 = tpu.memref_slice %arg2[%add3A_50, %dma_wait3A_66] : memref<160000x128xf32, #tpu.memory_space<hbm>> -> memref<80x128xf32, #tpu.memory_space<hbm>>
        %dma_wait3A_68 = arith.constant 0 : i32
        %dma_wait3A_69 = tpu.memref_slice %arg2[%add3A_50, %dma_wait3A_68] : memref<160000x128xf32, #tpu.memory_space<hbm>> -> memref<80x128xf32, #tpu.memory_space<hbm>>
        tpu.wait_dma2 semaphore(%arg13 : memref<!tpu.dma_semaphore, #tpu.memory_space<semaphore_mem>>) src(%dma_wait3A_69 : memref<80x128xf32, #tpu.memory_space<hbm>>) dst(%arg10 : memref<80x128xf32, #tpu.memory_space<vmem>>)
        "tpu.region"() ({
          %run_scoped3A_70 = tpu.sem_alloc : memref<!tpu.dma_semaphore, #tpu.memory_space<semaphore_mem>>
          %dma_start3A_71 = arith.constant 0 : i32
          %dma_start3A_72 = tpu.memref_slice %arg8[%add3A_45, %dma_start3A_71] : memref<125x80xi32, #tpu.memory_space<vmem>> -> memref<1x80xi32, #tpu.memory_space<vmem>>
          %dma_start3A_73 = tpu.memref_squeeze %dma_start3A_72 : memref<1x80xi32, #tpu.memory_space<vmem>> -> memref<80xi32, #tpu.memory_space<vmem>>
          %dma_start3A_74 = arith.constant 0 : i32
          %dma_start3A_75 = arith.constant 0 : i32
          %dma_start3A_76 = tpu.memref_slice %arg11[%dma_start3A_74, %dma_start3A_75] : memref<10000x128xf32, #tpu.memory_space<vmem_shared>> -> memref<10000x128xf32, #tpu.memory_space<vmem_shared>>
          tpu.enqueue_indirect_dma source(%arg10 : memref<80x128xf32, #tpu.memory_space<vmem>>) target(%dma_start3A_76 : memref<10000x128xf32, #tpu.memory_space<vmem_shared>>) offsets(%dma_start3A_73 : memref<80xi32, #tpu.memory_space<vmem>>) semaphore(%run_scoped3A_70 : memref<!tpu.dma_semaphore, #tpu.memory_space<semaphore_mem>>) {add = true}
          %dma_wait3A_77 = arith.constant 0 : i32
          %dma_wait3A_78 = tpu.memref_slice %arg8[%add3A_45, %dma_wait3A_77] : memref<125x80xi32, #tpu.memory_space<vmem>> -> memref<1x80xi32, #tpu.memory_space<vmem>>
          %dma_wait3A_79 = tpu.memref_squeeze %dma_wait3A_78 : memref<1x80xi32, #tpu.memory_space<vmem>> -> memref<80xi32, #tpu.memory_space<vmem>>
          %dma_wait3A_80 = arith.constant 0 : i32
          %dma_wait3A_81 = arith.constant 0 : i32
          %dma_wait3A_82 = tpu.memref_slice %arg11[%dma_wait3A_80, %dma_wait3A_81] : memref<10000x128xf32, #tpu.memory_space<vmem_shared>> -> memref<10000x128xf32, #tpu.memory_space<vmem_shared>>
          tpu.wait_indirect_dma semaphore(%run_scoped3A_70 : memref<!tpu.dma_semaphore, #tpu.memory_space<semaphore_mem>>) src(%arg10 : memref<80x128xf32, #tpu.memory_space<vmem>>) dst(%dma_wait3A_82 : memref<10000x128xf32, #tpu.memory_space<vmem_shared>>)
          tpu.yield
        }) : () -> ()
      }
      %scan3A_37 = arith.constant 62 : i32
      %dma_wait3A = arith.constant 0 : i32
      %dma_wait3A_38 = tpu.memref_slice %arg2[%mul3A_0, %dma_wait3A] : memref<160000x128xf32, #tpu.memory_space<hbm>> -> memref<80x128xf32, #tpu.memory_space<hbm>>
      %dma_wait3A_39 = arith.constant 0 : i32
      %dma_wait3A_40 = tpu.memref_slice %arg2[%mul3A_0, %dma_wait3A_39] : memref<160000x128xf32, #tpu.memory_space<hbm>> -> memref<80x128xf32, #tpu.memory_space<hbm>>
      tpu.wait_dma2 semaphore(%arg12 : memref<!tpu.dma_semaphore, #tpu.memory_space<semaphore_mem>>) src(%dma_wait3A_40 : memref<80x128xf32, #tpu.memory_space<hbm>>) dst(%arg9 : memref<80x128xf32, #tpu.memory_space<vmem>>)
      %run_scoped3A = arith.constant 124 : i32
      "tpu.region"() ({
        %run_scoped3A_41 = tpu.sem_alloc : memref<!tpu.dma_semaphore, #tpu.memory_space<semaphore_mem>>
        %dma_start3A_42 = arith.constant 0 : i32
        %dma_start3A_43 = tpu.memref_slice %arg8[%run_scoped3A, %dma_start3A_42] : memref<125x80xi32, #tpu.memory_space<vmem>> -> memref<1x80xi32, #tpu.memory_space<vmem>>
        %dma_start3A_44 = tpu.memref_squeeze %dma_start3A_43 : memref<1x80xi32, #tpu.memory_space<vmem>> -> memref<80xi32, #tpu.memory_space<vmem>>
        %dma_start3A_45 = arith.constant 0 : i32
        %dma_start3A_46 = arith.constant 0 : i32
        %dma_start3A_47 = tpu.memref_slice %arg11[%dma_start3A_45, %dma_start3A_46] : memref<10000x128xf32, #tpu.memory_space<vmem_shared>> -> memref<10000x128xf32, #tpu.memory_space<vmem_shared>>
        tpu.enqueue_indirect_dma source(%arg9 : memref<80x128xf32, #tpu.memory_space<vmem>>) target(%dma_start3A_47 : memref<10000x128xf32, #tpu.memory_space<vmem_shared>>) offsets(%dma_start3A_44 : memref<80xi32, #tpu.memory_space<vmem>>) semaphore(%run_scoped3A_41 : memref<!tpu.dma_semaphore, #tpu.memory_space<semaphore_mem>>) {add = true}
        %dma_wait3A_48 = arith.constant 0 : i32
        %dma_wait3A_49 = tpu.memref_slice %arg8[%run_scoped3A, %dma_wait3A_48] : memref<125x80xi32, #tpu.memory_space<vmem>> -> memref<1x80xi32, #tpu.memory_space<vmem>>
        %dma_wait3A_50 = tpu.memref_squeeze %dma_wait3A_49 : memref<1x80xi32, #tpu.memory_space<vmem>> -> memref<80xi32, #tpu.memory_space<vmem>>
        %dma_wait3A_51 = arith.constant 0 : i32
        %dma_wait3A_52 = arith.constant 0 : i32
        %dma_wait3A_53 = tpu.memref_slice %arg11[%dma_wait3A_51, %dma_wait3A_52] : memref<10000x128xf32, #tpu.memory_space<vmem_shared>> -> memref<10000x128xf32, #tpu.memory_space<vmem_shared>>
        tpu.wait_indirect_dma semaphore(%run_scoped3A_41 : memref<!tpu.dma_semaphore, #tpu.memory_space<semaphore_mem>>) src(%arg9 : memref<80x128xf32, #tpu.memory_space<vmem>>) dst(%dma_wait3A_53 : memref<10000x128xf32, #tpu.memory_space<vmem_shared>>)
        tpu.yield
      }) : () -> ()
    } else {
    }
    %eq3A_8 = arith.constant 1 : i32
    %eq3A_9 = arith.cmpi eq, %arg0, %eq3A_8 : i32
    %convert_element_type3A_10 = arith.extui %eq3A_9 : i1 to i32
    %cond3A_11 = arith.constant 0 : i32
    %cond3A_12 = arith.cmpi ne, %convert_element_type3A_10, %cond3A_11 : i32
    scf.if %cond3A_12 {
      %add3A = arith.constant 0 : i32
      %add3A_29 = arith.addi %mul3A_0, %add3A : i32
      %dma_start3A = arith.constant 0 : i32
      %dma_start3A_30 = tpu.memref_slice %arg3[%add3A_29, %dma_start3A] : memref<160000x128xf32, #tpu.memory_space<hbm>> -> memref<80x128xf32, #tpu.memory_space<hbm>>
      %dma_start3A_31 = arith.constant 0 : i32
      %dma_start3A_32 = tpu.memref_slice %arg3[%add3A_29, %dma_start3A_31] : memref<160000x128xf32, #tpu.memory_space<hbm>> -> memref<80x128xf32, #tpu.memory_space<hbm>>
      tpu.enqueue_dma source(%dma_start3A_32 : memref<80x128xf32, #tpu.memory_space<hbm>>) target(%arg9 : memref<80x128xf32, #tpu.memory_space<vmem>>) target_semaphore(%arg12 : memref<!tpu.dma_semaphore, #tpu.memory_space<semaphore_mem>>)
      %scan3A = arith.constant 0 : i32
      %scan3A_33 = arith.constant 0 : i32
      %scan3A_34 = arith.constant 62 : i32
      %scan3A_35 = arith.addi %scan3A_33, %scan3A_34 : i32
      %scan3A_36 = arith.constant 1 : i32
      scf.for %scan3A_41 = %scan3A_33 to %scan3A_35 step %scan3A_36  : i32 {
        %mul3A_42 = arith.constant 2 : i32
        %mul3A_43 = arith.muli %mul3A_42, %scan3A_41 : i32
        %add3A_44 = arith.constant 1 : i32
        %add3A_45 = arith.addi %mul3A_43, %add3A_44 : i32
        %add3A_46 = arith.constant 2 : i32
        %add3A_47 = arith.addi %mul3A_43, %add3A_46 : i32
        %mul3A_48 = arith.constant 80 : i32
        %mul3A_49 = arith.muli %add3A_45, %mul3A_48 : i32
        %add3A_50 = arith.addi %mul3A_0, %mul3A_49 : i32
        %dma_start3A_51 = arith.constant 0 : i32
        %dma_start3A_52 = tpu.memref_slice %arg3[%add3A_50, %dma_start3A_51] : memref<160000x128xf32, #tpu.memory_space<hbm>> -> memref<80x128xf32, #tpu.memory_space<hbm>>
        %dma_start3A_53 = arith.constant 0 : i32
        %dma_start3A_54 = tpu.memref_slice %arg3[%add3A_50, %dma_start3A_53] : memref<160000x128xf32, #tpu.memory_space<hbm>> -> memref<80x128xf32, #tpu.memory_space<hbm>>
        tpu.enqueue_dma source(%dma_start3A_54 : memref<80x128xf32, #tpu.memory_space<hbm>>) target(%arg10 : memref<80x128xf32, #tpu.memory_space<vmem>>) target_semaphore(%arg13 : memref<!tpu.dma_semaphore, #tpu.memory_space<semaphore_mem>>)
        %dma_wait3A_55 = arith.constant 0 : i32
        %dma_wait3A_56 = tpu.memref_slice %arg3[%mul3A_0, %dma_wait3A_55] : memref<160000x128xf32, #tpu.memory_space<hbm>> -> memref<80x128xf32, #tpu.memory_space<hbm>>
        %dma_wait3A_57 = arith.constant 0 : i32
        %dma_wait3A_58 = tpu.memref_slice %arg3[%mul3A_0, %dma_wait3A_57] : memref<160000x128xf32, #tpu.memory_space<hbm>> -> memref<80x128xf32, #tpu.memory_space<hbm>>
        tpu.wait_dma2 semaphore(%arg12 : memref<!tpu.dma_semaphore, #tpu.memory_space<semaphore_mem>>) src(%dma_wait3A_58 : memref<80x128xf32, #tpu.memory_space<hbm>>) dst(%arg9 : memref<80x128xf32, #tpu.memory_space<vmem>>)
        "tpu.region"() ({
          %run_scoped3A_70 = tpu.sem_alloc : memref<!tpu.dma_semaphore, #tpu.memory_space<semaphore_mem>>
          %dma_start3A_71 = arith.constant 0 : i32
          %dma_start3A_72 = tpu.memref_slice %arg8[%mul3A_43, %dma_start3A_71] : memref<125x80xi32, #tpu.memory_space<vmem>> -> memref<1x80xi32, #tpu.memory_space<vmem>>
          %dma_start3A_73 = tpu.memref_squeeze %dma_start3A_72 : memref<1x80xi32, #tpu.memory_space<vmem>> -> memref<80xi32, #tpu.memory_space<vmem>>
          %dma_start3A_74 = arith.constant 0 : i32
          %dma_start3A_75 = arith.constant 0 : i32
          %dma_start3A_76 = tpu.memref_slice %arg11[%dma_start3A_74, %dma_start3A_75] : memref<10000x128xf32, #tpu.memory_space<vmem_shared>> -> memref<10000x128xf32, #tpu.memory_space<vmem_shared>>
          tpu.enqueue_indirect_dma source(%arg9 : memref<80x128xf32, #tpu.memory_space<vmem>>) target(%dma_start3A_76 : memref<10000x128xf32, #tpu.memory_space<vmem_shared>>) offsets(%dma_start3A_73 : memref<80xi32, #tpu.memory_space<vmem>>) semaphore(%run_scoped3A_70 : memref<!tpu.dma_semaphore, #tpu.memory_space<semaphore_mem>>) {add = true}
          %dma_wait3A_77 = arith.constant 0 : i32
          %dma_wait3A_78 = tpu.memref_slice %arg8[%mul3A_43, %dma_wait3A_77] : memref<125x80xi32, #tpu.memory_space<vmem>> -> memref<1x80xi32, #tpu.memory_space<vmem>>
          %dma_wait3A_79 = tpu.memref_squeeze %dma_wait3A_78 : memref<1x80xi32, #tpu.memory_space<vmem>> -> memref<80xi32, #tpu.memory_space<vmem>>
          %dma_wait3A_80 = arith.constant 0 : i32
          %dma_wait3A_81 = arith.constant 0 : i32
          %dma_wait3A_82 = tpu.memref_slice %arg11[%dma_wait3A_80, %dma_wait3A_81] : memref<10000x128xf32, #tpu.memory_space<vmem_shared>> -> memref<10000x128xf32, #tpu.memory_space<vmem_shared>>
          tpu.wait_indirect_dma semaphore(%run_scoped3A_70 : memref<!tpu.dma_semaphore, #tpu.memory_space<semaphore_mem>>) src(%arg9 : memref<80x128xf32, #tpu.memory_space<vmem>>) dst(%dma_wait3A_82 : memref<10000x128xf32, #tpu.memory_space<vmem_shared>>)
          tpu.yield
        }) : () -> ()
        %mul3A_59 = arith.constant 80 : i32
        %mul3A_60 = arith.muli %add3A_47, %mul3A_59 : i32
        %add3A_61 = arith.addi %mul3A_0, %mul3A_60 : i32
        %dma_start3A_62 = arith.constant 0 : i32
        %dma_start3A_63 = tpu.memref_slice %arg3[%add3A_61, %dma_start3A_62] : memref<160000x128xf32, #tpu.memory_space<hbm>> -> memref<80x128xf32, #tpu.memory_space<hbm>>
        %dma_start3A_64 = arith.constant 0 : i32
        %dma_start3A_65 = tpu.memref_slice %arg3[%add3A_61, %dma_start3A_64] : memref<160000x128xf32, #tpu.memory_space<hbm>> -> memref<80x128xf32, #tpu.memory_space<hbm>>
        tpu.enqueue_dma source(%dma_start3A_65 : memref<80x128xf32, #tpu.memory_space<hbm>>) target(%arg9 : memref<80x128xf32, #tpu.memory_space<vmem>>) target_semaphore(%arg12 : memref<!tpu.dma_semaphore, #tpu.memory_space<semaphore_mem>>)
        %dma_wait3A_66 = arith.constant 0 : i32
        %dma_wait3A_67 = tpu.memref_slice %arg3[%add3A_50, %dma_wait3A_66] : memref<160000x128xf32, #tpu.memory_space<hbm>> -> memref<80x128xf32, #tpu.memory_space<hbm>>
        %dma_wait3A_68 = arith.constant 0 : i32
        %dma_wait3A_69 = tpu.memref_slice %arg3[%add3A_50, %dma_wait3A_68] : memref<160000x128xf32, #tpu.memory_space<hbm>> -> memref<80x128xf32, #tpu.memory_space<hbm>>
        tpu.wait_dma2 semaphore(%arg13 : memref<!tpu.dma_semaphore, #tpu.memory_space<semaphore_mem>>) src(%dma_wait3A_69 : memref<80x128xf32, #tpu.memory_space<hbm>>) dst(%arg10 : memref<80x128xf32, #tpu.memory_space<vmem>>)
        "tpu.region"() ({
          %run_scoped3A_70 = tpu.sem_alloc : memref<!tpu.dma_semaphore, #tpu.memory_space<semaphore_mem>>
          %dma_start3A_71 = arith.constant 0 : i32
          %dma_start3A_72 = tpu.memref_slice %arg8[%add3A_45, %dma_start3A_71] : memref<125x80xi32, #tpu.memory_space<vmem>> -> memref<1x80xi32, #tpu.memory_space<vmem>>
          %dma_start3A_73 = tpu.memref_squeeze %dma_start3A_72 : memref<1x80xi32, #tpu.memory_space<vmem>> -> memref<80xi32, #tpu.memory_space<vmem>>
          %dma_start3A_74 = arith.constant 0 : i32
          %dma_start3A_75 = arith.constant 0 : i32
          %dma_start3A_76 = tpu.memref_slice %arg11[%dma_start3A_74, %dma_start3A_75] : memref<10000x128xf32, #tpu.memory_space<vmem_shared>> -> memref<10000x128xf32, #tpu.memory_space<vmem_shared>>
          tpu.enqueue_indirect_dma source(%arg10 : memref<80x128xf32, #tpu.memory_space<vmem>>) target(%dma_start3A_76 : memref<10000x128xf32, #tpu.memory_space<vmem_shared>>) offsets(%dma_start3A_73 : memref<80xi32, #tpu.memory_space<vmem>>) semaphore(%run_scoped3A_70 : memref<!tpu.dma_semaphore, #tpu.memory_space<semaphore_mem>>) {add = true}
          %dma_wait3A_77 = arith.constant 0 : i32
          %dma_wait3A_78 = tpu.memref_slice %arg8[%add3A_45, %dma_wait3A_77] : memref<125x80xi32, #tpu.memory_space<vmem>> -> memref<1x80xi32, #tpu.memory_space<vmem>>
          %dma_wait3A_79 = tpu.memref_squeeze %dma_wait3A_78 : memref<1x80xi32, #tpu.memory_space<vmem>> -> memref<80xi32, #tpu.memory_space<vmem>>
          %dma_wait3A_80 = arith.constant 0 : i32
          %dma_wait3A_81 = arith.constant 0 : i32
          %dma_wait3A_82 = tpu.memref_slice %arg11[%dma_wait3A_80, %dma_wait3A_81] : memref<10000x128xf32, #tpu.memory_space<vmem_shared>> -> memref<10000x128xf32, #tpu.memory_space<vmem_shared>>
          tpu.wait_indirect_dma semaphore(%run_scoped3A_70 : memref<!tpu.dma_semaphore, #tpu.memory_space<semaphore_mem>>) src(%arg10 : memref<80x128xf32, #tpu.memory_space<vmem>>) dst(%dma_wait3A_82 : memref<10000x128xf32, #tpu.memory_space<vmem_shared>>)
          tpu.yield
        }) : () -> ()
      }
      %scan3A_37 = arith.constant 62 : i32
      %dma_wait3A = arith.constant 0 : i32
      %dma_wait3A_38 = tpu.memref_slice %arg3[%mul3A_0, %dma_wait3A] : memref<160000x128xf32, #tpu.memory_space<hbm>> -> memref<80x128xf32, #tpu.memory_space<hbm>>
      %dma_wait3A_39 = arith.constant 0 : i32
      %dma_wait3A_40 = tpu.memref_slice %arg3[%mul3A_0, %dma_wait3A_39] : memref<160000x128xf32, #tpu.memory_space<hbm>> -> memref<80x128xf32, #tpu.memory_space<hbm>>
      tpu.wait_dma2 semaphore(%arg12 : memref<!tpu.dma_semaphore, #tpu.memory_space<semaphore_mem>>) src(%dma_wait3A_40 : memref<80x128xf32, #tpu.memory_space<hbm>>) dst(%arg9 : memref<80x128xf32, #tpu.memory_space<vmem>>)
      %run_scoped3A = arith.constant 124 : i32
      "tpu.region"() ({
        %run_scoped3A_41 = tpu.sem_alloc : memref<!tpu.dma_semaphore, #tpu.memory_space<semaphore_mem>>
        %dma_start3A_42 = arith.constant 0 : i32
        %dma_start3A_43 = tpu.memref_slice %arg8[%run_scoped3A, %dma_start3A_42] : memref<125x80xi32, #tpu.memory_space<vmem>> -> memref<1x80xi32, #tpu.memory_space<vmem>>
        %dma_start3A_44 = tpu.memref_squeeze %dma_start3A_43 : memref<1x80xi32, #tpu.memory_space<vmem>> -> memref<80xi32, #tpu.memory_space<vmem>>
        %dma_start3A_45 = arith.constant 0 : i32
        %dma_start3A_46 = arith.constant 0 : i32
        %dma_start3A_47 = tpu.memref_slice %arg11[%dma_start3A_45, %dma_start3A_46] : memref<10000x128xf32, #tpu.memory_space<vmem_shared>> -> memref<10000x128xf32, #tpu.memory_space<vmem_shared>>
        tpu.enqueue_indirect_dma source(%arg9 : memref<80x128xf32, #tpu.memory_space<vmem>>) target(%dma_start3A_47 : memref<10000x128xf32, #tpu.memory_space<vmem_shared>>) offsets(%dma_start3A_44 : memref<80xi32, #tpu.memory_space<vmem>>) semaphore(%run_scoped3A_41 : memref<!tpu.dma_semaphore, #tpu.memory_space<semaphore_mem>>) {add = true}
        %dma_wait3A_48 = arith.constant 0 : i32
        %dma_wait3A_49 = tpu.memref_slice %arg8[%run_scoped3A, %dma_wait3A_48] : memref<125x80xi32, #tpu.memory_space<vmem>> -> memref<1x80xi32, #tpu.memory_space<vmem>>
        %dma_wait3A_50 = tpu.memref_squeeze %dma_wait3A_49 : memref<1x80xi32, #tpu.memory_space<vmem>> -> memref<80xi32, #tpu.memory_space<vmem>>
        %dma_wait3A_51 = arith.constant 0 : i32
        %dma_wait3A_52 = arith.constant 0 : i32
        %dma_wait3A_53 = tpu.memref_slice %arg11[%dma_wait3A_51, %dma_wait3A_52] : memref<10000x128xf32, #tpu.memory_space<vmem_shared>> -> memref<10000x128xf32, #tpu.memory_space<vmem_shared>>
        tpu.wait_indirect_dma semaphore(%run_scoped3A_41 : memref<!tpu.dma_semaphore, #tpu.memory_space<semaphore_mem>>) src(%arg9 : memref<80x128xf32, #tpu.memory_space<vmem>>) dst(%dma_wait3A_53 : memref<10000x128xf32, #tpu.memory_space<vmem_shared>>)
        tpu.yield
      }) : () -> ()
    } else {
    }
    %barrier3A_13 = arith.constant 0 : index
    tpu.barrier barrier_id(%barrier3A_13)
    %eq3A_14 = arith.constant 0 : i32
    %eq3A_15 = arith.cmpi eq, %arg0, %eq3A_14 : i32
    %eq3A_16 = arith.constant 0 : i32
    %eq3A_17 = arith.cmpi eq, %arg1, %eq3A_16 : i32
    %and3A = arith.andi %eq3A_15, %eq3A_17 : i1
    %convert_element_type3A_18 = arith.extui %and3A : i1 to i32
    %cond3A_19 = arith.constant 0 : i32
    %cond3A_20 = arith.cmpi ne, %convert_element_type3A_18, %cond3A_19 : i32
    scf.if %cond3A_20 {
      "tpu.region"() ({
        %run_scoped3A = tpu.sem_alloc : memref<!tpu.dma_semaphore, #tpu.memory_space<semaphore_mem>>
        tpu.enqueue_dma source(%arg11 : memref<10000x128xf32, #tpu.memory_space<vmem_shared>>) target(%arg6 : memref<10000x128xf32, #tpu.memory_space<hbm>>) target_semaphore(%run_scoped3A : memref<!tpu.dma_semaphore, #tpu.memory_space<semaphore_mem>>)
        tpu.wait_dma2 semaphore(%run_scoped3A : memref<!tpu.dma_semaphore, #tpu.memory_space<semaphore_mem>>) src(%arg11 : memref<10000x128xf32, #tpu.memory_space<vmem_shared>>) dst(%arg6 : memref<10000x128xf32, #tpu.memory_space<hbm>>)
        tpu.yield
      }) : () -> ()
    } else {
    }
    %eq3A_21 = arith.constant 1 : i32
    %eq3A_22 = arith.cmpi eq, %arg0, %eq3A_21 : i32
    %eq3A_23 = arith.constant 0 : i32
    %eq3A_24 = arith.cmpi eq, %arg1, %eq3A_23 : i32
    %and3A_25 = arith.andi %eq3A_22, %eq3A_24 : i1
    %convert_element_type3A_26 = arith.extui %and3A_25 : i1 to i32
    %cond3A_27 = arith.constant 0 : i32
    %cond3A_28 = arith.cmpi ne, %convert_element_type3A_26, %cond3A_27 : i32
    scf.if %cond3A_28 {
      "tpu.region"() ({
        %run_scoped3A = tpu.sem_alloc : memref<!tpu.dma_semaphore, #tpu.memory_space<semaphore_mem>>
        tpu.enqueue_dma source(%arg11 : memref<10000x128xf32, #tpu.memory_space<vmem_shared>>) target(%arg7 : memref<10000x128xf32, #tpu.memory_space<hbm>>) target_semaphore(%run_scoped3A : memref<!tpu.dma_semaphore, #tpu.memory_space<semaphore_mem>>)
        tpu.wait_dma2 semaphore(%run_scoped3A : memref<!tpu.dma_semaphore, #tpu.memory_space<semaphore_mem>>) src(%arg11 : memref<10000x128xf32, #tpu.memory_space<vmem_shared>>) dst(%arg7 : memref<10000x128xf32, #tpu.memory_space<hbm>>)
        tpu.yield
      }) : () -> ()
    } else {
    }
    return
  }
}

#map = affine_map<(d0, d1) -> (0, 0)>
#map1 = affine_map<(d0, d1) -> (0, 0, 0)>
module attributes {stable_mosaic.version = 14 : i64} {
  func.func @body(%arg0: i32, %arg1: i32, %arg2: memref<160000x128xf32, #tpu.memory_space<hbm>>, %arg3: memref<160000x128xf32, #tpu.memory_space<hbm>>, %arg4: memref<16x125x80xi32, #tpu.memory_space<hbm>>, %arg5: memref<10000x128xf32, #tpu.memory_space<hbm>>, %arg6: memref<10000x128xf32, #tpu.memory_space<hbm>>, %arg7: memref<10000x128xf32, #tpu.memory_space<hbm>>, %arg8: memref<125x80xi32, #tpu.memory_space<vmem>>, %arg9: memref<80x128xf32, #tpu.memory_space<vmem>>, %arg10: memref<80x128xf32, #tpu.memory_space<vmem>>, %arg11: memref<10000x128xf32, #tpu.memory_space<vmem_shared>>, %arg12: memref<!tpu.dma_semaphore, #tpu.memory_space<semaphore_mem>>, %arg13: memref<!tpu.dma_semaphore, #tpu.memory_space<semaphore_mem>>) attributes {dimension_semantics = [#tpu.dimension_semantics<core_parallel>, #tpu.dimension_semantics<subcore_parallel>], iteration_bounds = array<i64: 2, 16>, scalar_prefetch = 0 : i64, scratch_operands = 6 : i64, tpu.core_type = #tpu.core_type<sc_vector_subcore>, window_params = [{transform_indices = #map}, {transform_indices = #map}, {transform_indices = #map1}, {transform_indices = #map}, {transform_indices = #map}, {transform_indices = #map}]} {
    %mul3A = arith.constant 10000 : i32
    %mul3A_0 = arith.muli %arg1, %mul3A : i32
    %eq3A = arith.constant 0 : i32
    %eq3A_1 = arith.cmpi eq, %arg1, %eq3A : i32
    %convert_element_type3A = arith.extui %eq3A_1 : i1 to i32
    %cond3A = arith.constant 0 : i32
    %cond3A_2 = arith.cmpi ne, %convert_element_type3A, %cond3A : i32
    scf.if %cond3A_2 {
      "tpu.region"() ({
        %run_scoped3A = tpu.sem_alloc : memref<!tpu.dma_semaphore, #tpu.memory_space<semaphore_mem>>
        tpu.enqueue_dma source(%arg5 : memref<10000x128xf32, #tpu.memory_space<hbm>>) target(%arg11 : memref<10000x128xf32, #tpu.memory_space<vmem_shared>>) target_semaphore(%run_scoped3A : memref<!tpu.dma_semaphore, #tpu.memory_space<semaphore_mem>>)
        tpu.wait_dma2 semaphore(%run_scoped3A : memref<!tpu.dma_semaphore, #tpu.memory_space<semaphore_mem>>) src(%arg5 : memref<10000x128xf32, #tpu.memory_space<hbm>>) dst(%arg11 : memref<10000x128xf32, #tpu.memory_space<vmem_shared>>)
        tpu.yield
      }) : () -> ()
    } else {
    }
    "tpu.region"() ({
      %run_scoped3A = tpu.sem_alloc : memref<!tpu.dma_semaphore, #tpu.memory_space<semaphore_mem>>
      %dma_start3A = arith.constant 0 : i32
      %dma_start3A_29 = arith.constant 0 : i32
      %dma_start3A_30 = tpu.memref_slice %arg4[%arg1, %dma_start3A, %dma_start3A_29] : memref<16x125x80xi32, #tpu.memory_space<hbm>> -> memref<1x125x80xi32, #tpu.memory_space<hbm>>
      %dma_start3A_31 = tpu.memref_squeeze %dma_start3A_30 : memref<1x125x80xi32, #tpu.memory_space<hbm>> -> memref<125x80xi32, #tpu.memory_space<hbm>>
      %dma_start3A_32 = arith.constant 0 : i32
      %dma_start3A_33 = arith.constant 0 : i32
      %dma_start3A_34 = tpu.memref_slice %arg4[%arg1, %dma_start3A_32, %dma_start3A_33] : memref<16x125x80xi32, #tpu.memory_space<hbm>> -> memref<1x125x80xi32, #tpu.memory_space<hbm>>
      %dma_start3A_35 = tpu.memref_squeeze %dma_start3A_34 : memref<1x125x80xi32, #tpu.memory_space<hbm>> -> memref<125x80xi32, #tpu.memory_space<hbm>>
      tpu.enqueue_dma source(%dma_start3A_35 : memref<125x80xi32, #tpu.memory_space<hbm>>) target(%arg8 : memref<125x80xi32, #tpu.memory_space<vmem>>) target_semaphore(%run_scoped3A : memref<!tpu.dma_semaphore, #tpu.memory_space<semaphore_mem>>)
      %dma_wait3A = arith.constant 0 : i32
      %dma_wait3A_36 = arith.constant 0 : i32
      %dma_wait3A_37 = tpu.memref_slice %arg4[%arg1, %dma_wait3A, %dma_wait3A_36] : memref<16x125x80xi32, #tpu.memory_space<hbm>> -> memref<1x125x80xi32, #tpu.memory_space<hbm>>
      %dma_wait3A_38 = tpu.memref_squeeze %dma_wait3A_37 : memref<1x125x80xi32, #tpu.memory_space<hbm>> -> memref<125x80xi32, #tpu.memory_space<hbm>>
      %dma_wait3A_39 = arith.constant 0 : i32
      %dma_wait3A_40 = arith.constant 0 : i32
      %dma_wait3A_41 = tpu.memref_slice %arg4[%arg1, %dma_wait3A_39, %dma_wait3A_40] : memref<16x125x80xi32, #tpu.memory_space<hbm>> -> memref<1x125x80xi32, #tpu.memory_space<hbm>>
      %dma_wait3A_42 = tpu.memref_squeeze %dma_wait3A_41 : memref<1x125x80xi32, #tpu.memory_space<hbm>> -> memref<125x80xi32, #tpu.memory_space<hbm>>
      tpu.wait_dma2 semaphore(%run_scoped3A : memref<!tpu.dma_semaphore, #tpu.memory_space<semaphore_mem>>) src(%dma_wait3A_42 : memref<125x80xi32, #tpu.memory_space<hbm>>) dst(%arg8 : memref<125x80xi32, #tpu.memory_space<vmem>>)
      tpu.yield
    }) : () -> ()
    %barrier3A = arith.constant 0 : index
    tpu.barrier barrier_id(%barrier3A)
    %eq3A_3 = arith.constant 0 : i32
    %eq3A_4 = arith.cmpi eq, %arg0, %eq3A_3 : i32
    %convert_element_type3A_5 = arith.extui %eq3A_4 : i1 to i32
    %cond3A_6 = arith.constant 0 : i32
    %cond3A_7 = arith.cmpi ne, %convert_element_type3A_5, %cond3A_6 : i32
    scf.if %cond3A_7 {
      %add3A = arith.constant 0 : i32
      %add3A_29 = arith.addi %mul3A_0, %add3A : i32
      %dma_start3A = arith.constant 0 : i32
      %dma_start3A_30 = tpu.memref_slice %arg2[%add3A_29, %dma_start3A] : memref<160000x128xf32, #tpu.memory_space<hbm>> -> memref<80x128xf32, #tpu.memory_space<hbm>>
      %dma_start3A_31 = arith.constant 0 : i32
      %dma_start3A_32 = tpu.memref_slice %arg2[%add3A_29, %dma_start3A_31] : memref<160000x128xf32, #tpu.memory_space<hbm>> -> memref<80x128xf32, #tpu.memory_space<hbm>>
      tpu.enqueue_dma source(%dma_start3A_32 : memref<80x128xf32, #tpu.memory_space<hbm>>) target(%arg9 : memref<80x128xf32, #tpu.memory_space<vmem>>) target_semaphore(%arg12 : memref<!tpu.dma_semaphore, #tpu.memory_space<semaphore_mem>>)
      %scan3A = arith.constant 0 : i32
      %scan3A_33 = arith.constant 0 : i32
      %scan3A_34 = arith.constant 62 : i32
      %scan3A_35 = arith.addi %scan3A_33, %scan3A_34 : i32
      %scan3A_36 = arith.constant 1 : i32
      scf.for %scan3A_41 = %scan3A_33 to %scan3A_35 step %scan3A_36  : i32 {
        %mul3A_42 = arith.constant 2 : i32
        %mul3A_43 = arith.muli %mul3A_42, %scan3A_41 : i32
        %add3A_44 = arith.constant 1 : i32
        %add3A_45 = arith.addi %mul3A_43, %add3A_44 : i32
        %add3A_46 = arith.constant 2 : i32
        %add3A_47 = arith.addi %mul3A_43, %add3A_46 : i32
        %mul3A_48 = arith.constant 80 : i32
        %mul3A_49 = arith.muli %add3A_45, %mul3A_48 : i32
        %add3A_50 = arith.addi %mul3A_0, %mul3A_49 : i32
        %dma_start3A_51 = arith.constant 0 : i32
        %dma_start3A_52 = tpu.memref_slice %arg2[%add3A_50, %dma_start3A_51] : memref<160000x128xf32, #tpu.memory_space<hbm>> -> memref<80x128xf32, #tpu.memory_space<hbm>>
        %dma_start3A_53 = arith.constant 0 : i32
        %dma_start3A_54 = tpu.memref_slice %arg2[%add3A_50, %dma_start3A_53] : memref<160000x128xf32, #tpu.memory_space<hbm>> -> memref<80x128xf32, #tpu.memory_space<hbm>>
        tpu.enqueue_dma source(%dma_start3A_54 : memref<80x128xf32, #tpu.memory_space<hbm>>) target(%arg10 : memref<80x128xf32, #tpu.memory_space<vmem>>) target_semaphore(%arg13 : memref<!tpu.dma_semaphore, #tpu.memory_space<semaphore_mem>>)
        %dma_wait3A_55 = arith.constant 0 : i32
        %dma_wait3A_56 = tpu.memref_slice %arg2[%mul3A_0, %dma_wait3A_55] : memref<160000x128xf32, #tpu.memory_space<hbm>> -> memref<80x128xf32, #tpu.memory_space<hbm>>
        %dma_wait3A_57 = arith.constant 0 : i32
        %dma_wait3A_58 = tpu.memref_slice %arg2[%mul3A_0, %dma_wait3A_57] : memref<160000x128xf32, #tpu.memory_space<hbm>> -> memref<80x128xf32, #tpu.memory_space<hbm>>
        tpu.wait_dma2 semaphore(%arg12 : memref<!tpu.dma_semaphore, #tpu.memory_space<semaphore_mem>>) src(%dma_wait3A_58 : memref<80x128xf32, #tpu.memory_space<hbm>>) dst(%arg9 : memref<80x128xf32, #tpu.memory_space<vmem>>)
        "tpu.region"() ({
          %run_scoped3A_70 = tpu.sem_alloc : memref<!tpu.dma_semaphore, #tpu.memory_space<semaphore_mem>>
          %dma_start3A_71 = arith.constant 0 : i32
          %dma_start3A_72 = tpu.memref_slice %arg8[%mul3A_43, %dma_start3A_71] : memref<125x80xi32, #tpu.memory_space<vmem>> -> memref<1x80xi32, #tpu.memory_space<vmem>>
          %dma_start3A_73 = tpu.memref_squeeze %dma_start3A_72 : memref<1x80xi32, #tpu.memory_space<vmem>> -> memref<80xi32, #tpu.memory_space<vmem>>
          %dma_start3A_74 = arith.constant 0 : i32
          %dma_start3A_75 = arith.constant 0 : i32
          %dma_start3A_76 = tpu.memref_slice %arg11[%dma_start3A_74, %dma_start3A_75] : memref<10000x128xf32, #tpu.memory_space<vmem_shared>> -> memref<10000x128xf32, #tpu.memory_space<vmem_shared>>
          tpu.enqueue_indirect_dma source(%arg9 : memref<80x128xf32, #tpu.memory_space<vmem>>) target(%dma_start3A_76 : memref<10000x128xf32, #tpu.memory_space<vmem_shared>>) offsets(%dma_start3A_73 : memref<80xi32, #tpu.memory_space<vmem>>) semaphore(%run_scoped3A_70 : memref<!tpu.dma_semaphore, #tpu.memory_space<semaphore_mem>>) {add = true}
          %dma_wait3A_77 = arith.constant 0 : i32
          %dma_wait3A_78 = tpu.memref_slice %arg8[%mul3A_43, %dma_wait3A_77] : memref<125x80xi32, #tpu.memory_space<vmem>> -> memref<1x80xi32, #tpu.memory_space<vmem>>
          %dma_wait3A_79 = tpu.memref_squeeze %dma_wait3A_78 : memref<1x80xi32, #tpu.memory_space<vmem>> -> memref<80xi32, #tpu.memory_space<vmem>>
          %dma_wait3A_80 = arith.constant 0 : i32
          %dma_wait3A_81 = arith.constant 0 : i32
          %dma_wait3A_82 = tpu.memref_slice %arg11[%dma_wait3A_80, %dma_wait3A_81] : memref<10000x128xf32, #tpu.memory_space<vmem_shared>> -> memref<10000x128xf32, #tpu.memory_space<vmem_shared>>
          tpu.wait_indirect_dma semaphore(%run_scoped3A_70 : memref<!tpu.dma_semaphore, #tpu.memory_space<semaphore_mem>>) src(%arg9 : memref<80x128xf32, #tpu.memory_space<vmem>>) dst(%dma_wait3A_82 : memref<10000x128xf32, #tpu.memory_space<vmem_shared>>)
          tpu.yield
        }) : () -> ()
        %mul3A_59 = arith.constant 80 : i32
        %mul3A_60 = arith.muli %add3A_47, %mul3A_59 : i32
        %add3A_61 = arith.addi %mul3A_0, %mul3A_60 : i32
        %dma_start3A_62 = arith.constant 0 : i32
        %dma_start3A_63 = tpu.memref_slice %arg2[%add3A_61, %dma_start3A_62] : memref<160000x128xf32, #tpu.memory_space<hbm>> -> memref<80x128xf32, #tpu.memory_space<hbm>>
        %dma_start3A_64 = arith.constant 0 : i32
        %dma_start3A_65 = tpu.memref_slice %arg2[%add3A_61, %dma_start3A_64] : memref<160000x128xf32, #tpu.memory_space<hbm>> -> memref<80x128xf32, #tpu.memory_space<hbm>>
        tpu.enqueue_dma source(%dma_start3A_65 : memref<80x128xf32, #tpu.memory_space<hbm>>) target(%arg9 : memref<80x128xf32, #tpu.memory_space<vmem>>) target_semaphore(%arg12 : memref<!tpu.dma_semaphore, #tpu.memory_space<semaphore_mem>>)
        %dma_wait3A_66 = arith.constant 0 : i32
        %dma_wait3A_67 = tpu.memref_slice %arg2[%add3A_50, %dma_wait3A_66] : memref<160000x128xf32, #tpu.memory_space<hbm>> -> memref<80x128xf32, #tpu.memory_space<hbm>>
        %dma_wait3A_68 = arith.constant 0 : i32
        %dma_wait3A_69 = tpu.memref_slice %arg2[%add3A_50, %dma_wait3A_68] : memref<160000x128xf32, #tpu.memory_space<hbm>> -> memref<80x128xf32, #tpu.memory_space<hbm>>
        tpu.wait_dma2 semaphore(%arg13 : memref<!tpu.dma_semaphore, #tpu.memory_space<semaphore_mem>>) src(%dma_wait3A_69 : memref<80x128xf32, #tpu.memory_space<hbm>>) dst(%arg10 : memref<80x128xf32, #tpu.memory_space<vmem>>)
        "tpu.region"() ({
          %run_scoped3A_70 = tpu.sem_alloc : memref<!tpu.dma_semaphore, #tpu.memory_space<semaphore_mem>>
          %dma_start3A_71 = arith.constant 0 : i32
          %dma_start3A_72 = tpu.memref_slice %arg8[%add3A_45, %dma_start3A_71] : memref<125x80xi32, #tpu.memory_space<vmem>> -> memref<1x80xi32, #tpu.memory_space<vmem>>
          %dma_start3A_73 = tpu.memref_squeeze %dma_start3A_72 : memref<1x80xi32, #tpu.memory_space<vmem>> -> memref<80xi32, #tpu.memory_space<vmem>>
          %dma_start3A_74 = arith.constant 0 : i32
          %dma_start3A_75 = arith.constant 0 : i32
          %dma_start3A_76 = tpu.memref_slice %arg11[%dma_start3A_74, %dma_start3A_75] : memref<10000x128xf32, #tpu.memory_space<vmem_shared>> -> memref<10000x128xf32, #tpu.memory_space<vmem_shared>>
          tpu.enqueue_indirect_dma source(%arg10 : memref<80x128xf32, #tpu.memory_space<vmem>>) target(%dma_start3A_76 : memref<10000x128xf32, #tpu.memory_space<vmem_shared>>) offsets(%dma_start3A_73 : memref<80xi32, #tpu.memory_space<vmem>>) semaphore(%run_scoped3A_70 : memref<!tpu.dma_semaphore, #tpu.memory_space<semaphore_mem>>) {add = true}
          %dma_wait3A_77 = arith.constant 0 : i32
          %dma_wait3A_78 = tpu.memref_slice %arg8[%add3A_45, %dma_wait3A_77] : memref<125x80xi32, #tpu.memory_space<vmem>> -> memref<1x80xi32, #tpu.memory_space<vmem>>
          %dma_wait3A_79 = tpu.memref_squeeze %dma_wait3A_78 : memref<1x80xi32, #tpu.memory_space<vmem>> -> memref<80xi32, #tpu.memory_space<vmem>>
          %dma_wait3A_80 = arith.constant 0 : i32
          %dma_wait3A_81 = arith.constant 0 : i32
          %dma_wait3A_82 = tpu.memref_slice %arg11[%dma_wait3A_80, %dma_wait3A_81] : memref<10000x128xf32, #tpu.memory_space<vmem_shared>> -> memref<10000x128xf32, #tpu.memory_space<vmem_shared>>
          tpu.wait_indirect_dma semaphore(%run_scoped3A_70 : memref<!tpu.dma_semaphore, #tpu.memory_space<semaphore_mem>>) src(%arg10 : memref<80x128xf32, #tpu.memory_space<vmem>>) dst(%dma_wait3A_82 : memref<10000x128xf32, #tpu.memory_space<vmem_shared>>)
          tpu.yield
        }) : () -> ()
      }
      %scan3A_37 = arith.constant 62 : i32
      %dma_wait3A = arith.constant 0 : i32
      %dma_wait3A_38 = tpu.memref_slice %arg2[%mul3A_0, %dma_wait3A] : memref<160000x128xf32, #tpu.memory_space<hbm>> -> memref<80x128xf32, #tpu.memory_space<hbm>>
      %dma_wait3A_39 = arith.constant 0 : i32
      %dma_wait3A_40 = tpu.memref_slice %arg2[%mul3A_0, %dma_wait3A_39] : memref<160000x128xf32, #tpu.memory_space<hbm>> -> memref<80x128xf32, #tpu.memory_space<hbm>>
      tpu.wait_dma2 semaphore(%arg12 : memref<!tpu.dma_semaphore, #tpu.memory_space<semaphore_mem>>) src(%dma_wait3A_40 : memref<80x128xf32, #tpu.memory_space<hbm>>) dst(%arg9 : memref<80x128xf32, #tpu.memory_space<vmem>>)
      %run_scoped3A = arith.constant 124 : i32
      "tpu.region"() ({
        %run_scoped3A_41 = tpu.sem_alloc : memref<!tpu.dma_semaphore, #tpu.memory_space<semaphore_mem>>
        %dma_start3A_42 = arith.constant 0 : i32
        %dma_start3A_43 = tpu.memref_slice %arg8[%run_scoped3A, %dma_start3A_42] : memref<125x80xi32, #tpu.memory_space<vmem>> -> memref<1x80xi32, #tpu.memory_space<vmem>>
        %dma_start3A_44 = tpu.memref_squeeze %dma_start3A_43 : memref<1x80xi32, #tpu.memory_space<vmem>> -> memref<80xi32, #tpu.memory_space<vmem>>
        %dma_start3A_45 = arith.constant 0 : i32
        %dma_start3A_46 = arith.constant 0 : i32
        %dma_start3A_47 = tpu.memref_slice %arg11[%dma_start3A_45, %dma_start3A_46] : memref<10000x128xf32, #tpu.memory_space<vmem_shared>> -> memref<10000x128xf32, #tpu.memory_space<vmem_shared>>
        tpu.enqueue_indirect_dma source(%arg9 : memref<80x128xf32, #tpu.memory_space<vmem>>) target(%dma_start3A_47 : memref<10000x128xf32, #tpu.memory_space<vmem_shared>>) offsets(%dma_start3A_44 : memref<80xi32, #tpu.memory_space<vmem>>) semaphore(%run_scoped3A_41 : memref<!tpu.dma_semaphore, #tpu.memory_space<semaphore_mem>>) {add = true}
        %dma_wait3A_48 = arith.constant 0 : i32
        %dma_wait3A_49 = tpu.memref_slice %arg8[%run_scoped3A, %dma_wait3A_48] : memref<125x80xi32, #tpu.memory_space<vmem>> -> memref<1x80xi32, #tpu.memory_space<vmem>>
        %dma_wait3A_50 = tpu.memref_squeeze %dma_wait3A_49 : memref<1x80xi32, #tpu.memory_space<vmem>> -> memref<80xi32, #tpu.memory_space<vmem>>
        %dma_wait3A_51 = arith.constant 0 : i32
        %dma_wait3A_52 = arith.constant 0 : i32
        %dma_wait3A_53 = tpu.memref_slice %arg11[%dma_wait3A_51, %dma_wait3A_52] : memref<10000x128xf32, #tpu.memory_space<vmem_shared>> -> memref<10000x128xf32, #tpu.memory_space<vmem_shared>>
        tpu.wait_indirect_dma semaphore(%run_scoped3A_41 : memref<!tpu.dma_semaphore, #tpu.memory_space<semaphore_mem>>) src(%arg9 : memref<80x128xf32, #tpu.memory_space<vmem>>) dst(%dma_wait3A_53 : memref<10000x128xf32, #tpu.memory_space<vmem_shared>>)
        tpu.yield
      }) : () -> ()
    } else {
    }
    %eq3A_8 = arith.constant 1 : i32
    %eq3A_9 = arith.cmpi eq, %arg0, %eq3A_8 : i32
    %convert_element_type3A_10 = arith.extui %eq3A_9 : i1 to i32
    %cond3A_11 = arith.constant 0 : i32
    %cond3A_12 = arith.cmpi ne, %convert_element_type3A_10, %cond3A_11 : i32
    scf.if %cond3A_12 {
      %add3A = arith.constant 0 : i32
      %add3A_29 = arith.addi %mul3A_0, %add3A : i32
      %dma_start3A = arith.constant 0 : i32
      %dma_start3A_30 = tpu.memref_slice %arg3[%add3A_29, %dma_start3A] : memref<160000x128xf32, #tpu.memory_space<hbm>> -> memref<80x128xf32, #tpu.memory_space<hbm>>
      %dma_start3A_31 = arith.constant 0 : i32
      %dma_start3A_32 = tpu.memref_slice %arg3[%add3A_29, %dma_start3A_31] : memref<160000x128xf32, #tpu.memory_space<hbm>> -> memref<80x128xf32, #tpu.memory_space<hbm>>
      tpu.enqueue_dma source(%dma_start3A_32 : memref<80x128xf32, #tpu.memory_space<hbm>>) target(%arg9 : memref<80x128xf32, #tpu.memory_space<vmem>>) target_semaphore(%arg12 : memref<!tpu.dma_semaphore, #tpu.memory_space<semaphore_mem>>)
      %scan3A = arith.constant 0 : i32
      %scan3A_33 = arith.constant 0 : i32
      %scan3A_34 = arith.constant 62 : i32
      %scan3A_35 = arith.addi %scan3A_33, %scan3A_34 : i32
      %scan3A_36 = arith.constant 1 : i32
      scf.for %scan3A_41 = %scan3A_33 to %scan3A_35 step %scan3A_36  : i32 {
        %mul3A_42 = arith.constant 2 : i32
        %mul3A_43 = arith.muli %mul3A_42, %scan3A_41 : i32
        %add3A_44 = arith.constant 1 : i32
        %add3A_45 = arith.addi %mul3A_43, %add3A_44 : i32
        %add3A_46 = arith.constant 2 : i32
        %add3A_47 = arith.addi %mul3A_43, %add3A_46 : i32
        %mul3A_48 = arith.constant 80 : i32
        %mul3A_49 = arith.muli %add3A_45, %mul3A_48 : i32
        %add3A_50 = arith.addi %mul3A_0, %mul3A_49 : i32
        %dma_start3A_51 = arith.constant 0 : i32
        %dma_start3A_52 = tpu.memref_slice %arg3[%add3A_50, %dma_start3A_51] : memref<160000x128xf32, #tpu.memory_space<hbm>> -> memref<80x128xf32, #tpu.memory_space<hbm>>
        %dma_start3A_53 = arith.constant 0 : i32
        %dma_start3A_54 = tpu.memref_slice %arg3[%add3A_50, %dma_start3A_53] : memref<160000x128xf32, #tpu.memory_space<hbm>> -> memref<80x128xf32, #tpu.memory_space<hbm>>
        tpu.enqueue_dma source(%dma_start3A_54 : memref<80x128xf32, #tpu.memory_space<hbm>>) target(%arg10 : memref<80x128xf32, #tpu.memory_space<vmem>>) target_semaphore(%arg13 : memref<!tpu.dma_semaphore, #tpu.memory_space<semaphore_mem>>)
        %dma_wait3A_55 = arith.constant 0 : i32
        %dma_wait3A_56 = tpu.memref_slice %arg3[%mul3A_0, %dma_wait3A_55] : memref<160000x128xf32, #tpu.memory_space<hbm>> -> memref<80x128xf32, #tpu.memory_space<hbm>>
        %dma_wait3A_57 = arith.constant 0 : i32
        %dma_wait3A_58 = tpu.memref_slice %arg3[%mul3A_0, %dma_wait3A_57] : memref<160000x128xf32, #tpu.memory_space<hbm>> -> memref<80x128xf32, #tpu.memory_space<hbm>>
        tpu.wait_dma2 semaphore(%arg12 : memref<!tpu.dma_semaphore, #tpu.memory_space<semaphore_mem>>) src(%dma_wait3A_58 : memref<80x128xf32, #tpu.memory_space<hbm>>) dst(%arg9 : memref<80x128xf32, #tpu.memory_space<vmem>>)
        "tpu.region"() ({
          %run_scoped3A_70 = tpu.sem_alloc : memref<!tpu.dma_semaphore, #tpu.memory_space<semaphore_mem>>
          %dma_start3A_71 = arith.constant 0 : i32
          %dma_start3A_72 = tpu.memref_slice %arg8[%mul3A_43, %dma_start3A_71] : memref<125x80xi32, #tpu.memory_space<vmem>> -> memref<1x80xi32, #tpu.memory_space<vmem>>
          %dma_start3A_73 = tpu.memref_squeeze %dma_start3A_72 : memref<1x80xi32, #tpu.memory_space<vmem>> -> memref<80xi32, #tpu.memory_space<vmem>>
          %dma_start3A_74 = arith.constant 0 : i32
          %dma_start3A_75 = arith.constant 0 : i32
          %dma_start3A_76 = tpu.memref_slice %arg11[%dma_start3A_74, %dma_start3A_75] : memref<10000x128xf32, #tpu.memory_space<vmem_shared>> -> memref<10000x128xf32, #tpu.memory_space<vmem_shared>>
          tpu.enqueue_indirect_dma source(%arg9 : memref<80x128xf32, #tpu.memory_space<vmem>>) target(%dma_start3A_76 : memref<10000x128xf32, #tpu.memory_space<vmem_shared>>) offsets(%dma_start3A_73 : memref<80xi32, #tpu.memory_space<vmem>>) semaphore(%run_scoped3A_70 : memref<!tpu.dma_semaphore, #tpu.memory_space<semaphore_mem>>) {add = true}
          %dma_wait3A_77 = arith.constant 0 : i32
          %dma_wait3A_78 = tpu.memref_slice %arg8[%mul3A_43, %dma_wait3A_77] : memref<125x80xi32, #tpu.memory_space<vmem>> -> memref<1x80xi32, #tpu.memory_space<vmem>>
          %dma_wait3A_79 = tpu.memref_squeeze %dma_wait3A_78 : memref<1x80xi32, #tpu.memory_space<vmem>> -> memref<80xi32, #tpu.memory_space<vmem>>
          %dma_wait3A_80 = arith.constant 0 : i32
          %dma_wait3A_81 = arith.constant 0 : i32
          %dma_wait3A_82 = tpu.memref_slice %arg11[%dma_wait3A_80, %dma_wait3A_81] : memref<10000x128xf32, #tpu.memory_space<vmem_shared>> -> memref<10000x128xf32, #tpu.memory_space<vmem_shared>>
          tpu.wait_indirect_dma semaphore(%run_scoped3A_70 : memref<!tpu.dma_semaphore, #tpu.memory_space<semaphore_mem>>) src(%arg9 : memref<80x128xf32, #tpu.memory_space<vmem>>) dst(%dma_wait3A_82 : memref<10000x128xf32, #tpu.memory_space<vmem_shared>>)
          tpu.yield
        }) : () -> ()
        %mul3A_59 = arith.constant 80 : i32
        %mul3A_60 = arith.muli %add3A_47, %mul3A_59 : i32
        %add3A_61 = arith.addi %mul3A_0, %mul3A_60 : i32
        %dma_start3A_62 = arith.constant 0 : i32
        %dma_start3A_63 = tpu.memref_slice %arg3[%add3A_61, %dma_start3A_62] : memref<160000x128xf32, #tpu.memory_space<hbm>> -> memref<80x128xf32, #tpu.memory_space<hbm>>
        %dma_start3A_64 = arith.constant 0 : i32
        %dma_start3A_65 = tpu.memref_slice %arg3[%add3A_61, %dma_start3A_64] : memref<160000x128xf32, #tpu.memory_space<hbm>> -> memref<80x128xf32, #tpu.memory_space<hbm>>
        tpu.enqueue_dma source(%dma_start3A_65 : memref<80x128xf32, #tpu.memory_space<hbm>>) target(%arg9 : memref<80x128xf32, #tpu.memory_space<vmem>>) target_semaphore(%arg12 : memref<!tpu.dma_semaphore, #tpu.memory_space<semaphore_mem>>)
        %dma_wait3A_66 = arith.constant 0 : i32
        %dma_wait3A_67 = tpu.memref_slice %arg3[%add3A_50, %dma_wait3A_66] : memref<160000x128xf32, #tpu.memory_space<hbm>> -> memref<80x128xf32, #tpu.memory_space<hbm>>
        %dma_wait3A_68 = arith.constant 0 : i32
        %dma_wait3A_69 = tpu.memref_slice %arg3[%add3A_50, %dma_wait3A_68] : memref<160000x128xf32, #tpu.memory_space<hbm>> -> memref<80x128xf32, #tpu.memory_space<hbm>>
        tpu.wait_dma2 semaphore(%arg13 : memref<!tpu.dma_semaphore, #tpu.memory_space<semaphore_mem>>) src(%dma_wait3A_69 : memref<80x128xf32, #tpu.memory_space<hbm>>) dst(%arg10 : memref<80x128xf32, #tpu.memory_space<vmem>>)
        "tpu.region"() ({
          %run_scoped3A_70 = tpu.sem_alloc : memref<!tpu.dma_semaphore, #tpu.memory_space<semaphore_mem>>
          %dma_start3A_71 = arith.constant 0 : i32
          %dma_start3A_72 = tpu.memref_slice %arg8[%add3A_45, %dma_start3A_71] : memref<125x80xi32, #tpu.memory_space<vmem>> -> memref<1x80xi32, #tpu.memory_space<vmem>>
          %dma_start3A_73 = tpu.memref_squeeze %dma_start3A_72 : memref<1x80xi32, #tpu.memory_space<vmem>> -> memref<80xi32, #tpu.memory_space<vmem>>
          %dma_start3A_74 = arith.constant 0 : i32
          %dma_start3A_75 = arith.constant 0 : i32
          %dma_start3A_76 = tpu.memref_slice %arg11[%dma_start3A_74, %dma_start3A_75] : memref<10000x128xf32, #tpu.memory_space<vmem_shared>> -> memref<10000x128xf32, #tpu.memory_space<vmem_shared>>
          tpu.enqueue_indirect_dma source(%arg10 : memref<80x128xf32, #tpu.memory_space<vmem>>) target(%dma_start3A_76 : memref<10000x128xf32, #tpu.memory_space<vmem_shared>>) offsets(%dma_start3A_73 : memref<80xi32, #tpu.memory_space<vmem>>) semaphore(%run_scoped3A_70 : memref<!tpu.dma_semaphore, #tpu.memory_space<semaphore_mem>>) {add = true}
          %dma_wait3A_77 = arith.constant 0 : i32
          %dma_wait3A_78 = tpu.memref_slice %arg8[%add3A_45, %dma_wait3A_77] : memref<125x80xi32, #tpu.memory_space<vmem>> -> memref<1x80xi32, #tpu.memory_space<vmem>>
          %dma_wait3A_79 = tpu.memref_squeeze %dma_wait3A_78 : memref<1x80xi32, #tpu.memory_space<vmem>> -> memref<80xi32, #tpu.memory_space<vmem>>
          %dma_wait3A_80 = arith.constant 0 : i32
          %dma_wait3A_81 = arith.constant 0 : i32
          %dma_wait3A_82 = tpu.memref_slice %arg11[%dma_wait3A_80, %dma_wait3A_81] : memref<10000x128xf32, #tpu.memory_space<vmem_shared>> -> memref<10000x128xf32, #tpu.memory_space<vmem_shared>>
          tpu.wait_indirect_dma semaphore(%run_scoped3A_70 : memref<!tpu.dma_semaphore, #tpu.memory_space<semaphore_mem>>) src(%arg10 : memref<80x128xf32, #tpu.memory_space<vmem>>) dst(%dma_wait3A_82 : memref<10000x128xf32, #tpu.memory_space<vmem_shared>>)
          tpu.yield
        }) : () -> ()
      }
      %scan3A_37 = arith.constant 62 : i32
      %dma_wait3A = arith.constant 0 : i32
      %dma_wait3A_38 = tpu.memref_slice %arg3[%mul3A_0, %dma_wait3A] : memref<160000x128xf32, #tpu.memory_space<hbm>> -> memref<80x128xf32, #tpu.memory_space<hbm>>
      %dma_wait3A_39 = arith.constant 0 : i32
      %dma_wait3A_40 = tpu.memref_slice %arg3[%mul3A_0, %dma_wait3A_39] : memref<160000x128xf32, #tpu.memory_space<hbm>> -> memref<80x128xf32, #tpu.memory_space<hbm>>
      tpu.wait_dma2 semaphore(%arg12 : memref<!tpu.dma_semaphore, #tpu.memory_space<semaphore_mem>>) src(%dma_wait3A_40 : memref<80x128xf32, #tpu.memory_space<hbm>>) dst(%arg9 : memref<80x128xf32, #tpu.memory_space<vmem>>)
      %run_scoped3A = arith.constant 124 : i32
      "tpu.region"() ({
        %run_scoped3A_41 = tpu.sem_alloc : memref<!tpu.dma_semaphore, #tpu.memory_space<semaphore_mem>>
        %dma_start3A_42 = arith.constant 0 : i32
        %dma_start3A_43 = tpu.memref_slice %arg8[%run_scoped3A, %dma_start3A_42] : memref<125x80xi32, #tpu.memory_space<vmem>> -> memref<1x80xi32, #tpu.memory_space<vmem>>
        %dma_start3A_44 = tpu.memref_squeeze %dma_start3A_43 : memref<1x80xi32, #tpu.memory_space<vmem>> -> memref<80xi32, #tpu.memory_space<vmem>>
        %dma_start3A_45 = arith.constant 0 : i32
        %dma_start3A_46 = arith.constant 0 : i32
        %dma_start3A_47 = tpu.memref_slice %arg11[%dma_start3A_45, %dma_start3A_46] : memref<10000x128xf32, #tpu.memory_space<vmem_shared>> -> memref<10000x128xf32, #tpu.memory_space<vmem_shared>>
        tpu.enqueue_indirect_dma source(%arg9 : memref<80x128xf32, #tpu.memory_space<vmem>>) target(%dma_start3A_47 : memref<10000x128xf32, #tpu.memory_space<vmem_shared>>) offsets(%dma_start3A_44 : memref<80xi32, #tpu.memory_space<vmem>>) semaphore(%run_scoped3A_41 : memref<!tpu.dma_semaphore, #tpu.memory_space<semaphore_mem>>) {add = true}
        %dma_wait3A_48 = arith.constant 0 : i32
        %dma_wait3A_49 = tpu.memref_slice %arg8[%run_scoped3A, %dma_wait3A_48] : memref<125x80xi32, #tpu.memory_space<vmem>> -> memref<1x80xi32, #tpu.memory_space<vmem>>
        %dma_wait3A_50 = tpu.memref_squeeze %dma_wait3A_49 : memref<1x80xi32, #tpu.memory_space<vmem>> -> memref<80xi32, #tpu.memory_space<vmem>>
        %dma_wait3A_51 = arith.constant 0 : i32
        %dma_wait3A_52 = arith.constant 0 : i32
        %dma_wait3A_53 = tpu.memref_slice %arg11[%dma_wait3A_51, %dma_wait3A_52] : memref<10000x128xf32, #tpu.memory_space<vmem_shared>> -> memref<10000x128xf32, #tpu.memory_space<vmem_shared>>
        tpu.wait_indirect_dma semaphore(%run_scoped3A_41 : memref<!tpu.dma_semaphore, #tpu.memory_space<semaphore_mem>>) src(%arg9 : memref<80x128xf32, #tpu.memory_space<vmem>>) dst(%dma_wait3A_53 : memref<10000x128xf32, #tpu.memory_space<vmem_shared>>)
        tpu.yield
      }) : () -> ()
    } else {
    }
    %barrier3A_13 = arith.constant 0 : index
    tpu.barrier barrier_id(%barrier3A_13)
    %eq3A_14 = arith.constant 0 : i32
    %eq3A_15 = arith.cmpi eq, %arg0, %eq3A_14 : i32
    %eq3A_16 = arith.constant 0 : i32
    %eq3A_17 = arith.cmpi eq, %arg1, %eq3A_16 : i32
    %and3A = arith.andi %eq3A_15, %eq3A_17 : i1
    %convert_element_type3A_18 = arith.extui %and3A : i1 to i32
    %cond3A_19 = arith.constant 0 : i32
    %cond3A_20 = arith.cmpi ne, %convert_element_type3A_18, %cond3A_19 : i32
    scf.if %cond3A_20 {
      "tpu.region"() ({
        %run_scoped3A = tpu.sem_alloc : memref<!tpu.dma_semaphore, #tpu.memory_space<semaphore_mem>>
        tpu.enqueue_dma source(%arg11 : memref<10000x128xf32, #tpu.memory_space<vmem_shared>>) target(%arg6 : memref<10000x128xf32, #tpu.memory_space<hbm>>) target_semaphore(%run_scoped3A : memref<!tpu.dma_semaphore, #tpu.memory_space<semaphore_mem>>)
        tpu.wait_dma2 semaphore(%run_scoped3A : memref<!tpu.dma_semaphore, #tpu.memory_space<semaphore_mem>>) src(%arg11 : memref<10000x128xf32, #tpu.memory_space<vmem_shared>>) dst(%arg6 : memref<10000x128xf32, #tpu.memory_space<hbm>>)
        tpu.yield
      }) : () -> ()
    } else {
    }
    %eq3A_21 = arith.constant 1 : i32
    %eq3A_22 = arith.cmpi eq, %arg0, %eq3A_21 : i32
    %eq3A_23 = arith.constant 0 : i32
    %eq3A_24 = arith.cmpi eq, %arg1, %eq3A_23 : i32
    %and3A_25 = arith.andi %eq3A_22, %eq3A_24 : i1
    %convert_element_type3A_26 = arith.extui %and3A_25 : i1 to i32
    %cond3A_27 = arith.constant 0 : i32
    %cond3A_28 = arith.cmpi ne, %convert_element_type3A_26, %cond3A_27 : i32
    scf.if %cond3A_28 {
      "tpu.region"() ({
        %run_scoped3A = tpu.sem_alloc : memref<!tpu.dma_semaphore, #tpu.memory_space<semaphore_mem>>
        tpu.enqueue_dma source(%arg11 : memref<10000x128xf32, #tpu.memory_space<vmem_shared>>) target(%arg7 : memref<10000x128xf32, #tpu.memory_space<hbm>>) target_semaphore(%run_scoped3A : memref<!tpu.dma_semaphore, #tpu.memory_space<semaphore_mem>>)
        tpu.wait_dma2 semaphore(%run_scoped3A : memref<!tpu.dma_semaphore, #tpu.memory_space<semaphore_mem>>) src(%arg11 : memref<10000x128xf32, #tpu.memory_space<vmem_shared>>) dst(%arg7 : memref<10000x128xf32, #tpu.memory_space<hbm>>)
        tpu.yield
      }) : () -> ()
    } else {
    }
    return
  }
}

module attributes {stable_mosaic.version = 14 : i64} {
  func.func @_mlp_body(%arg0: i32, %arg1: memref<3200x256xf32, #tpu.memory_space<vmem>>, %arg2: memref<3200x256xf32, #tpu.memory_space<vmem>>, %arg3: memref<3200x16xf32, #tpu.memory_space<vmem>>, %arg4: memref<1x32xf32, #tpu.memory_space<vmem>>, %arg5: memref<1x1xf32, #tpu.memory_space<vmem>>, %arg6: memref<128x320xf32, #tpu.memory_space<vmem>>, %arg7: memref<128x320xf32, #tpu.memory_space<vmem>>, %arg8: memref<32x320xf32, #tpu.memory_space<vmem>>, %arg9: memref<16x320xf32, #tpu.memory_space<vmem>>, %arg10: memref<1x320xf32, #tpu.memory_space<vmem>>, %arg11: memref<320x160xf32, #tpu.memory_space<vmem>>, %arg12: memref<1x160xf32, #tpu.memory_space<vmem>>, %arg13: memref<160x128xf32, #tpu.memory_space<vmem>>, %arg14: memref<1x128xf32, #tpu.memory_space<vmem>>, %arg15: memref<128x64xf32, #tpu.memory_space<vmem>>, %arg16: memref<1x64xf32, #tpu.memory_space<vmem>>, %arg17: memref<1x64xf32, #tpu.memory_space<vmem>>, %arg18: memref<1x1xf32, #tpu.memory_space<vmem>>, %arg19: memref<128x128xf32, #tpu.memory_space<vmem>>, %arg20: memref<1x128xf32, #tpu.memory_space<vmem>>, %arg21: memref<128x32xf32, #tpu.memory_space<vmem>>, %arg22: memref<1x32xf32, #tpu.memory_space<vmem>>, %arg23: memref<1x32xf32, #tpu.memory_space<vmem>>, %arg24: memref<1x1xf32, #tpu.memory_space<vmem>>, %arg25: memref<3200x128xf32, #tpu.memory_space<vmem>>, %arg26: memref<3200x128xf32, #tpu.memory_space<vmem>>) attributes {dimension_semantics = [#tpu.dimension_semantics<arbitrary>], iteration_bounds = array<i64: 50>, scalar_prefetch = 0 : i64, scratch_operands = 0 : i64, tpu.core_type = #tpu.core_type<tc>, window_params = [{transform_indices = @transform_0, window_bounds = array<i64: 3200, 256>}, {transform_indices = @transform_1, window_bounds = array<i64: 3200, 256>}, {transform_indices = @transform_2, window_bounds = array<i64: 3200, 16>}, {pipeline_mode = #tpu.pipeline_mode<synchronous>, transform_indices = @transform_3, window_bounds = array<i64: 1, 32>}, {pipeline_mode = #tpu.pipeline_mode<synchronous>, transform_indices = @transform_4, window_bounds = array<i64: 1, 1>}, {pipeline_mode = #tpu.pipeline_mode<synchronous>, transform_indices = @transform_5, window_bounds = array<i64: 128, 320>}, {pipeline_mode = #tpu.pipeline_mode<synchronous>, transform_indices = @transform_6, window_bounds = array<i64: 128, 320>}, {pipeline_mode = #tpu.pipeline_mode<synchronous>, transform_indices = @transform_7, window_bounds = array<i64: 32, 320>}, {pipeline_mode = #tpu.pipeline_mode<synchronous>, transform_indices = @transform_8, window_bounds = array<i64: 16, 320>}, {pipeline_mode = #tpu.pipeline_mode<synchronous>, transform_indices = @transform_9, window_bounds = array<i64: 1, 320>}, {pipeline_mode = #tpu.pipeline_mode<synchronous>, transform_indices = @transform_10, window_bounds = array<i64: 320, 160>}, {pipeline_mode = #tpu.pipeline_mode<synchronous>, transform_indices = @transform_11, window_bounds = array<i64: 1, 160>}, {pipeline_mode = #tpu.pipeline_mode<synchronous>, transform_indices = @transform_12, window_bounds = array<i64: 160, 128>}, {pipeline_mode = #tpu.pipeline_mode<synchronous>, transform_indices = @transform_13, window_bounds = array<i64: 1, 128>}, {pipeline_mode = #tpu.pipeline_mode<synchronous>, transform_indices = @transform_14, window_bounds = array<i64: 128, 64>}, {pipeline_mode = #tpu.pipeline_mode<synchronous>, transform_indices = @transform_15, window_bounds = array<i64: 1, 64>}, {pipeline_mode = #tpu.pipeline_mode<synchronous>, transform_indices = @transform_16, window_bounds = array<i64: 1, 64>}, {pipeline_mode = #tpu.pipeline_mode<synchronous>, transform_indices = @transform_17, window_bounds = array<i64: 1, 1>}, {pipeline_mode = #tpu.pipeline_mode<synchronous>, transform_indices = @transform_18, window_bounds = array<i64: 128, 128>}, {pipeline_mode = #tpu.pipeline_mode<synchronous>, transform_indices = @transform_19, window_bounds = array<i64: 1, 128>}, {pipeline_mode = #tpu.pipeline_mode<synchronous>, transform_indices = @transform_20, window_bounds = array<i64: 128, 32>}, {pipeline_mode = #tpu.pipeline_mode<synchronous>, transform_indices = @transform_21, window_bounds = array<i64: 1, 32>}, {pipeline_mode = #tpu.pipeline_mode<synchronous>, transform_indices = @transform_22, window_bounds = array<i64: 1, 32>}, {pipeline_mode = #tpu.pipeline_mode<synchronous>, transform_indices = @transform_23, window_bounds = array<i64: 1, 1>}, {transform_indices = @transform_24, window_bounds = array<i64: 3200, 128>}, {transform_indices = @transform_25, window_bounds = array<i64: 3200, 128>}]} {
    %get3A = arith.constant 0 : index
    %get3A_0 = arith.constant 0 : index
    %get3A_1 = vector.load %arg1[%get3A, %get3A_0] : memref<3200x256xf32, #tpu.memory_space<vmem>>, vector<3200x128xf32>
    %get3A_2 = arith.constant 0 : index
    %get3A_3 = arith.constant 0 : index
    %get3A_4 = vector.load %arg2[%get3A_2, %get3A_3] : memref<3200x256xf32, #tpu.memory_space<vmem>>, vector<3200x128xf32>
    %get3A_5 = arith.constant 0 : index
    %get3A_6 = arith.constant 128 : index
    %get3A_7 = vector.load %arg1[%get3A_5, %get3A_6] : memref<3200x256xf32, #tpu.memory_space<vmem>>, vector<3200x128xf32>
    %get3A_8 = arith.constant 0 : index
    %get3A_9 = arith.constant 128 : index
    %get3A_10 = vector.load %arg2[%get3A_8, %get3A_9] : memref<3200x256xf32, #tpu.memory_space<vmem>>, vector<3200x128xf32>
    %sub3A = arith.subf %get3A_7, %get3A_10 : vector<3200x128xf32>
    %mul3A = arith.mulf %sub3A, %sub3A : vector<3200x128xf32>
    %reduce_sum3A = arith.constant dense<0.000000e+00> : vector<3200xf32>
    %reduce_sum3A_11 = vector.multi_reduction <add>, %mul3A, %reduce_sum3A [1] : vector<3200x128xf32> to vector<3200xf32>
    %broadcast_in_dim3A = vector.shape_cast %reduce_sum3A_11 : vector<3200xf32> to vector<3200x1xf32>
    %sqrt3A = math.sqrt %broadcast_in_dim3A : vector<3200x1xf32>
    %get3A_12 = arith.constant 0 : index
    %get3A_13 = arith.constant 0 : index
    %get3A_14 = vector.load %arg4[%get3A_12, %get3A_13] : memref<1x32xf32, #tpu.memory_space<vmem>>, vector<1x32xf32>
    %sub3A_15 = vector.broadcast %sqrt3A : vector<3200x1xf32> to vector<3200x32xf32>
    %sub3A_16 = vector.broadcast %get3A_14 : vector<1x32xf32> to vector<3200x32xf32>
    %sub3A_17 = arith.subf %sub3A_15, %sub3A_16 : vector<3200x32xf32>
    %get3A_18 = arith.constant 0 : index
    %get3A_19 = arith.constant 0 : index
    %get3A_20 = vector.load %arg5[%get3A_18, %get3A_19] : memref<1x1xf32, #tpu.memory_space<vmem>>, vector<1x1xf32>
    %get3A_21 = vector.extract %get3A_20[0, 0] : f32 from vector<1x1xf32>
    %mul3A_22 = vector.broadcast %get3A_21 : f32 to vector<3200x32xf32>
    %mul3A_23 = arith.mulf %sub3A_17, %mul3A_22 : vector<3200x32xf32>
    %mul3A_24 = arith.mulf %mul3A_23, %mul3A_23 : vector<3200x32xf32>
    %neg3A = arith.constant 0.000000e+00 : f32
    %neg3A_25 = vector.broadcast %neg3A : f32 to vector<3200x32xf32>
    %neg3A_26 = arith.subf %neg3A_25, %mul3A_24 : vector<3200x32xf32>
    %exp3A = math.exp %neg3A_26 : vector<3200x32xf32>
    %get3A_27 = arith.constant 0 : index
    %get3A_28 = arith.constant 0 : index
    %get3A_29 = vector.load %arg6[%get3A_27, %get3A_28] : memref<128x320xf32, #tpu.memory_space<vmem>>, vector<128x320xf32>
    %dot_general3A = arith.constant dense<0.000000e+00> : vector<3200x320xf32>
    %dot_general3A_30 = tpu.matmul %get3A_1, %get3A_29, %dot_general3A {dimension_numbers = #tpu.dot_dimension_numbers<[1], [0], [0], [1], [0, 0, 1, 1], [], []>, transpose_lhs_hint = false} : vector<3200x128xf32>, vector<128x320xf32>, vector<3200x320xf32> -> vector<3200x320xf32>
    %get3A_31 = arith.constant 0 : index
    %get3A_32 = arith.constant 0 : index
    %get3A_33 = vector.load %arg7[%get3A_31, %get3A_32] : memref<128x320xf32, #tpu.memory_space<vmem>>, vector<128x320xf32>
    %dot_general3A_34 = arith.constant dense<0.000000e+00> : vector<3200x320xf32>
    %dot_general3A_35 = tpu.matmul %get3A_4, %get3A_33, %dot_general3A_34 {dimension_numbers = #tpu.dot_dimension_numbers<[1], [0], [0], [1], [0, 0, 1, 1], [], []>, transpose_lhs_hint = false} : vector<3200x128xf32>, vector<128x320xf32>, vector<3200x320xf32> -> vector<3200x320xf32>
    %add3A = arith.addf %dot_general3A_30, %dot_general3A_35 : vector<3200x320xf32>
    %get3A_36 = arith.constant 0 : index
    %get3A_37 = arith.constant 0 : index
    %get3A_38 = vector.load %arg8[%get3A_36, %get3A_37] : memref<32x320xf32, #tpu.memory_space<vmem>>, vector<32x320xf32>
    %dot_general3A_39 = arith.constant dense<0.000000e+00> : vector<3200x320xf32>
    %dot_general3A_40 = tpu.matmul %exp3A, %get3A_38, %dot_general3A_39 {dimension_numbers = #tpu.dot_dimension_numbers<[1], [0], [0], [1], [0, 0, 1, 1], [], []>, transpose_lhs_hint = false} : vector<3200x32xf32>, vector<32x320xf32>, vector<3200x320xf32> -> vector<3200x320xf32>
    %add3A_41 = arith.addf %add3A, %dot_general3A_40 : vector<3200x320xf32>
    %get3A_42 = arith.constant 0 : index
    %get3A_43 = arith.constant 0 : index
    %get3A_44 = vector.load %arg3[%get3A_42, %get3A_43] : memref<3200x16xf32, #tpu.memory_space<vmem>>, vector<3200x16xf32>
    %get3A_45 = arith.constant 0 : index
    %get3A_46 = arith.constant 0 : index
    %get3A_47 = vector.load %arg9[%get3A_45, %get3A_46] : memref<16x320xf32, #tpu.memory_space<vmem>>, vector<16x320xf32>
    %dot_general3A_48 = arith.constant dense<0.000000e+00> : vector<3200x320xf32>
    %dot_general3A_49 = tpu.matmul %get3A_44, %get3A_47, %dot_general3A_48 {dimension_numbers = #tpu.dot_dimension_numbers<[1], [0], [0], [1], [0, 0, 1, 1], [], []>, transpose_lhs_hint = false} : vector<3200x16xf32>, vector<16x320xf32>, vector<3200x320xf32> -> vector<3200x320xf32>
    %add3A_50 = arith.addf %add3A_41, %dot_general3A_49 : vector<3200x320xf32>
    %get3A_51 = arith.constant 0 : index
    %get3A_52 = arith.constant 0 : index
    %get3A_53 = vector.load %arg10[%get3A_51, %get3A_52] : memref<1x320xf32, #tpu.memory_space<vmem>>, vector<1x320xf32>
    %add3A_54 = vector.broadcast %get3A_53 : vector<1x320xf32> to vector<3200x320xf32>
    %add3A_55 = arith.addf %add3A_50, %add3A_54 : vector<3200x320xf32>
    %logistic3A = arith.negf %add3A_55 : vector<3200x320xf32>
    %logistic3A_56 = math.exp %logistic3A : vector<3200x320xf32>
    %logistic3A_57 = arith.constant 1.000000e+00 : f32
    %logistic3A_58 = vector.broadcast %logistic3A_57 : f32 to vector<3200x320xf32>
    %logistic3A_59 = arith.addf %logistic3A_58, %logistic3A_56 : vector<3200x320xf32>
    %logistic3A_60 = arith.divf %logistic3A_58, %logistic3A_59 : vector<3200x320xf32>
    %mul3A_61 = arith.mulf %add3A_55, %logistic3A_60 : vector<3200x320xf32>
    %get3A_62 = arith.constant 0 : index
    %get3A_63 = arith.constant 0 : index
    %get3A_64 = vector.load %arg11[%get3A_62, %get3A_63] : memref<320x160xf32, #tpu.memory_space<vmem>>, vector<320x160xf32>
    %dot_general3A_65 = arith.constant dense<0.000000e+00> : vector<3200x160xf32>
    %dot_general3A_66 = tpu.matmul %mul3A_61, %get3A_64, %dot_general3A_65 {dimension_numbers = #tpu.dot_dimension_numbers<[1], [0], [0], [1], [0, 0, 1, 1], [], []>, transpose_lhs_hint = false} : vector<3200x320xf32>, vector<320x160xf32>, vector<3200x160xf32> -> vector<3200x160xf32>
    %get3A_67 = arith.constant 0 : index
    %get3A_68 = arith.constant 0 : index
    %get3A_69 = vector.load %arg12[%get3A_67, %get3A_68] : memref<1x160xf32, #tpu.memory_space<vmem>>, vector<1x160xf32>
    %add3A_70 = vector.broadcast %get3A_69 : vector<1x160xf32> to vector<3200x160xf32>
    %add3A_71 = arith.addf %dot_general3A_66, %add3A_70 : vector<3200x160xf32>
    %logistic3A_72 = arith.negf %add3A_71 : vector<3200x160xf32>
    %logistic3A_73 = math.exp %logistic3A_72 : vector<3200x160xf32>
    %logistic3A_74 = arith.constant 1.000000e+00 : f32
    %logistic3A_75 = vector.broadcast %logistic3A_74 : f32 to vector<3200x160xf32>
    %logistic3A_76 = arith.addf %logistic3A_75, %logistic3A_73 : vector<3200x160xf32>
    %logistic3A_77 = arith.divf %logistic3A_75, %logistic3A_76 : vector<3200x160xf32>
    %mul3A_78 = arith.mulf %add3A_71, %logistic3A_77 : vector<3200x160xf32>
    %get3A_79 = arith.constant 0 : index
    %get3A_80 = arith.constant 0 : index
    %get3A_81 = vector.load %arg13[%get3A_79, %get3A_80] : memref<160x128xf32, #tpu.memory_space<vmem>>, vector<160x128xf32>
    %dot_general3A_82 = arith.constant dense<0.000000e+00> : vector<3200x128xf32>
    %dot_general3A_83 = tpu.matmul %mul3A_78, %get3A_81, %dot_general3A_82 {dimension_numbers = #tpu.dot_dimension_numbers<[1], [0], [0], [1], [0, 0, 1, 1], [], []>, transpose_lhs_hint = false} : vector<3200x160xf32>, vector<160x128xf32>, vector<3200x128xf32> -> vector<3200x128xf32>
    %get3A_84 = arith.constant 0 : index
    %get3A_85 = arith.constant 0 : index
    %get3A_86 = vector.load %arg14[%get3A_84, %get3A_85] : memref<1x128xf32, #tpu.memory_space<vmem>>, vector<1x128xf32>
    %add3A_87 = vector.broadcast %get3A_86 : vector<1x128xf32> to vector<3200x128xf32>
    %add3A_88 = arith.addf %dot_general3A_83, %add3A_87 : vector<3200x128xf32>
    %logistic3A_89 = arith.negf %add3A_88 : vector<3200x128xf32>
    %logistic3A_90 = math.exp %logistic3A_89 : vector<3200x128xf32>
    %logistic3A_91 = arith.constant 1.000000e+00 : f32
    %logistic3A_92 = vector.broadcast %logistic3A_91 : f32 to vector<3200x128xf32>
    %logistic3A_93 = arith.addf %logistic3A_92, %logistic3A_90 : vector<3200x128xf32>
    %logistic3A_94 = arith.divf %logistic3A_92, %logistic3A_93 : vector<3200x128xf32>
    %mul3A_95 = arith.mulf %add3A_88, %logistic3A_94 : vector<3200x128xf32>
    %get3A_96 = arith.constant 0 : index
    %get3A_97 = arith.constant 0 : index
    %get3A_98 = vector.load %arg15[%get3A_96, %get3A_97] : memref<128x64xf32, #tpu.memory_space<vmem>>, vector<128x64xf32>
    %dot_general3A_99 = arith.constant dense<0.000000e+00> : vector<3200x64xf32>
    %dot_general3A_100 = tpu.matmul %mul3A_95, %get3A_98, %dot_general3A_99 {dimension_numbers = #tpu.dot_dimension_numbers<[1], [0], [0], [1], [0, 0, 1, 1], [], []>, transpose_lhs_hint = false} : vector<3200x128xf32>, vector<128x64xf32>, vector<3200x64xf32> -> vector<3200x64xf32>
    %get3A_101 = arith.constant 0 : index
    %get3A_102 = arith.constant 0 : index
    %get3A_103 = vector.load %arg16[%get3A_101, %get3A_102] : memref<1x64xf32, #tpu.memory_space<vmem>>, vector<1x64xf32>
    %add3A_104 = vector.broadcast %get3A_103 : vector<1x64xf32> to vector<3200x64xf32>
    %add3A_105 = arith.addf %dot_general3A_100, %add3A_104 : vector<3200x64xf32>
    %max3A = arith.constant 0.000000e+00 : f32
    %max3A_106 = vector.broadcast %max3A : f32 to vector<3200x64xf32>
    %max3A_107 = arith.maximumf %add3A_105, %max3A_106 : vector<3200x64xf32>
    %get3A_108 = arith.constant 0 : index
    %get3A_109 = arith.constant 0 : index
    %get3A_110 = vector.load %arg17[%get3A_108, %get3A_109] : memref<1x64xf32, #tpu.memory_space<vmem>>, vector<1x64xf32>
    %mul3A_111 = vector.broadcast %get3A_110 : vector<1x64xf32> to vector<3200x64xf32>
    %mul3A_112 = arith.mulf %max3A_107, %mul3A_111 : vector<3200x64xf32>
    %reduce_sum3A_113 = arith.constant dense<0.000000e+00> : vector<3200xf32>
    %reduce_sum3A_114 = vector.multi_reduction <add>, %mul3A_112, %reduce_sum3A_113 [1] : vector<3200x64xf32> to vector<3200xf32>
    %broadcast_in_dim3A_115 = vector.shape_cast %reduce_sum3A_114 : vector<3200xf32> to vector<3200x1xf32>
    %get3A_116 = arith.constant 0 : index
    %get3A_117 = arith.constant 0 : index
    %get3A_118 = vector.load %arg18[%get3A_116, %get3A_117] : memref<1x1xf32, #tpu.memory_space<vmem>>, vector<1x1xf32>
    %get3A_119 = vector.extract %get3A_118[0, 0] : f32 from vector<1x1xf32>
    %add3A_120 = vector.broadcast %get3A_119 : f32 to vector<3200x1xf32>
    %add3A_121 = arith.addf %broadcast_in_dim3A_115, %add3A_120 : vector<3200x1xf32>
    %logistic3A_122 = arith.negf %add3A_121 : vector<3200x1xf32>
    %logistic3A_123 = math.exp %logistic3A_122 : vector<3200x1xf32>
    %logistic3A_124 = arith.constant 1.000000e+00 : f32
    %logistic3A_125 = vector.broadcast %logistic3A_124 : f32 to vector<3200x1xf32>
    %logistic3A_126 = arith.addf %logistic3A_125, %logistic3A_123 : vector<3200x1xf32>
    %logistic3A_127 = arith.divf %logistic3A_125, %logistic3A_126 : vector<3200x1xf32>
    %mul3A_128 = vector.broadcast %logistic3A_127 : vector<3200x1xf32> to vector<3200x128xf32>
    %mul3A_129 = arith.mulf %mul3A_95, %mul3A_128 : vector<3200x128xf32>
    %get3A_130 = arith.constant 0 : index
    %get3A_131 = arith.constant 0 : index
    %get3A_132 = vector.load %arg19[%get3A_130, %get3A_131] : memref<128x128xf32, #tpu.memory_space<vmem>>, vector<128x128xf32>
    %dot_general3A_133 = arith.constant dense<0.000000e+00> : vector<3200x128xf32>
    %dot_general3A_134 = tpu.matmul %mul3A_129, %get3A_132, %dot_general3A_133 {dimension_numbers = #tpu.dot_dimension_numbers<[1], [0], [0], [1], [0, 0, 1, 1], [], []>, transpose_lhs_hint = false} : vector<3200x128xf32>, vector<128x128xf32>, vector<3200x128xf32> -> vector<3200x128xf32>
    %get3A_135 = arith.constant 0 : index
    %get3A_136 = arith.constant 0 : index
    %get3A_137 = vector.load %arg20[%get3A_135, %get3A_136] : memref<1x128xf32, #tpu.memory_space<vmem>>, vector<1x128xf32>
    %add3A_138 = vector.broadcast %get3A_137 : vector<1x128xf32> to vector<3200x128xf32>
    %add3A_139 = arith.addf %dot_general3A_134, %add3A_138 : vector<3200x128xf32>
    %logistic3A_140 = arith.negf %add3A_139 : vector<3200x128xf32>
    %logistic3A_141 = math.exp %logistic3A_140 : vector<3200x128xf32>
    %logistic3A_142 = arith.constant 1.000000e+00 : f32
    %logistic3A_143 = vector.broadcast %logistic3A_142 : f32 to vector<3200x128xf32>
    %logistic3A_144 = arith.addf %logistic3A_143, %logistic3A_141 : vector<3200x128xf32>
    %logistic3A_145 = arith.divf %logistic3A_143, %logistic3A_144 : vector<3200x128xf32>
    %mul3A_146 = arith.mulf %add3A_139, %logistic3A_145 : vector<3200x128xf32>
    %swap3A = arith.constant 0 : index
    %swap3A_147 = arith.constant 0 : index
    %swap3A_148 = vector.load %arg25[%swap3A, %swap3A_147] : memref<3200x128xf32, #tpu.memory_space<vmem>>, vector<3200x128xf32>
    tpu.vector_store %arg25[%swap3A, %swap3A_147], %mul3A_146 {strides = array<i32>} : memref<3200x128xf32, #tpu.memory_space<vmem>>, vector<3200x128xf32>,
    %get3A_149 = arith.constant 0 : index
    %get3A_150 = arith.constant 0 : index
    %get3A_151 = vector.load %arg21[%get3A_149, %get3A_150] : memref<128x32xf32, #tpu.memory_space<vmem>>, vector<128x32xf32>
    %dot_general3A_152 = arith.constant dense<0.000000e+00> : vector<3200x32xf32>
    %dot_general3A_153 = tpu.matmul %mul3A_129, %get3A_151, %dot_general3A_152 {dimension_numbers = #tpu.dot_dimension_numbers<[1], [0], [0], [1], [0, 0, 1, 1], [], []>, transpose_lhs_hint = false} : vector<3200x128xf32>, vector<128x32xf32>, vector<3200x32xf32> -> vector<3200x32xf32>
    %get3A_154 = arith.constant 0 : index
    %get3A_155 = arith.constant 0 : index
    %get3A_156 = vector.load %arg22[%get3A_154, %get3A_155] : memref<1x32xf32, #tpu.memory_space<vmem>>, vector<1x32xf32>
    %add3A_157 = vector.broadcast %get3A_156 : vector<1x32xf32> to vector<3200x32xf32>
    %add3A_158 = arith.addf %dot_general3A_153, %add3A_157 : vector<3200x32xf32>
    %logistic3A_159 = arith.negf %add3A_158 : vector<3200x32xf32>
    %logistic3A_160 = math.exp %logistic3A_159 : vector<3200x32xf32>
    %logistic3A_161 = arith.constant 1.000000e+00 : f32
    %logistic3A_162 = vector.broadcast %logistic3A_161 : f32 to vector<3200x32xf32>
    %logistic3A_163 = arith.addf %logistic3A_162, %logistic3A_160 : vector<3200x32xf32>
    %logistic3A_164 = arith.divf %logistic3A_162, %logistic3A_163 : vector<3200x32xf32>
    %mul3A_165 = arith.mulf %add3A_158, %logistic3A_164 : vector<3200x32xf32>
    %get3A_166 = arith.constant 0 : index
    %get3A_167 = arith.constant 0 : index
    %get3A_168 = vector.load %arg23[%get3A_166, %get3A_167] : memref<1x32xf32, #tpu.memory_space<vmem>>, vector<1x32xf32>
    %mul3A_169 = vector.broadcast %get3A_168 : vector<1x32xf32> to vector<3200x32xf32>
    %mul3A_170 = arith.mulf %mul3A_165, %mul3A_169 : vector<3200x32xf32>
    %reduce_sum3A_171 = arith.constant dense<0.000000e+00> : vector<3200xf32>
    %reduce_sum3A_172 = vector.multi_reduction <add>, %mul3A_170, %reduce_sum3A_171 [1] : vector<3200x32xf32> to vector<3200xf32>
    %broadcast_in_dim3A_173 = vector.shape_cast %reduce_sum3A_172 : vector<3200xf32> to vector<3200x1xf32>
    %get3A_174 = arith.constant 0 : index
    %get3A_175 = arith.constant 0 : index
    %get3A_176 = vector.load %arg24[%get3A_174, %get3A_175] : memref<1x1xf32, #tpu.memory_space<vmem>>, vector<1x1xf32>
    %get3A_177 = vector.extract %get3A_176[0, 0] : f32 from vector<1x1xf32>
    %add3A_178 = vector.broadcast %get3A_177 : f32 to vector<3200x1xf32>
    %add3A_179 = arith.addf %broadcast_in_dim3A_173, %add3A_178 : vector<3200x1xf32>
    %mul3A_180 = arith.constant 8.000000e-02 : f32
    %mul3A_181 = vector.broadcast %mul3A_180 : f32 to vector<3200x1xf32>
    %mul3A_182 = arith.mulf %add3A_179, %mul3A_181 : vector<3200x1xf32>
    %mul3A_183 = vector.broadcast %mul3A_182 : vector<3200x1xf32> to vector<3200x128xf32>
    %mul3A_184 = arith.mulf %sub3A, %mul3A_183 : vector<3200x128xf32>
    %swap3A_185 = arith.constant 0 : index
    %swap3A_186 = arith.constant 0 : index
    %swap3A_187 = vector.load %arg26[%swap3A_185, %swap3A_186] : memref<3200x128xf32, #tpu.memory_space<vmem>>, vector<3200x128xf32>
    tpu.vector_store %arg26[%swap3A_185, %swap3A_186], %mul3A_184 {strides = array<i32>} : memref<3200x128xf32, #tpu.memory_space<vmem>>, vector<3200x128xf32>,
    return
  }
  func.func @transform_0(%arg0: i32) -> (i32, i32) {
    %c0_i32 = arith.constant 0 : i32
    %c0_i32_0 = arith.constant 0 : i32
    return %arg0, %c0_i32 : i32, i32
  }
  func.func @transform_1(%arg0: i32) -> (i32, i32) {
    %c0_i32 = arith.constant 0 : i32
    %c0_i32_0 = arith.constant 0 : i32
    return %arg0, %c0_i32 : i32, i32
  }
  func.func @transform_2(%arg0: i32) -> (i32, i32) {
    %c0_i32 = arith.constant 0 : i32
    %c0_i32_0 = arith.constant 0 : i32
    return %arg0, %c0_i32 : i32, i32
  }
  func.func @transform_3(%arg0: i32) -> (i32, i32) {
    %c0_i32 = arith.constant 0 : i32
    %c0_i32_0 = arith.constant 0 : i32
    %c0_i32_1 = arith.constant 0 : i32
    return %c0_i32, %c0_i32_0 : i32, i32
  }
  func.func @transform_4(%arg0: i32) -> (i32, i32) {
    %c0_i32 = arith.constant 0 : i32
    %c0_i32_0 = arith.constant 0 : i32
    %c0_i32_1 = arith.constant 0 : i32
    return %c0_i32, %c0_i32_0 : i32, i32
  }
  func.func @transform_5(%arg0: i32) -> (i32, i32) {
    %c0_i32 = arith.constant 0 : i32
    %c0_i32_0 = arith.constant 0 : i32
    %c0_i32_1 = arith.constant 0 : i32
    return %c0_i32, %c0_i32_0 : i32, i32
  }
  func.func @transform_6(%arg0: i32) -> (i32, i32) {
    %c0_i32 = arith.constant 0 : i32
    %c0_i32_0 = arith.constant 0 : i32
    %c0_i32_1 = arith.constant 0 : i32
    return %c0_i32, %c0_i32_0 : i32, i32
  }
  func.func @transform_7(%arg0: i32) -> (i32, i32) {
    %c0_i32 = arith.constant 0 : i32
    %c0_i32_0 = arith.constant 0 : i32
    %c0_i32_1 = arith.constant 0 : i32
    return %c0_i32, %c0_i32_0 : i32, i32
  }
  func.func @transform_8(%arg0: i32) -> (i32, i32) {
    %c0_i32 = arith.constant 0 : i32
    %c0_i32_0 = arith.constant 0 : i32
    %c0_i32_1 = arith.constant 0 : i32
    return %c0_i32, %c0_i32_0 : i32, i32
  }
  func.func @transform_9(%arg0: i32) -> (i32, i32) {
    %c0_i32 = arith.constant 0 : i32
    %c0_i32_0 = arith.constant 0 : i32
    %c0_i32_1 = arith.constant 0 : i32
    return %c0_i32, %c0_i32_0 : i32, i32
  }
  func.func @transform_10(%arg0: i32) -> (i32, i32) {
    %c0_i32 = arith.constant 0 : i32
    %c0_i32_0 = arith.constant 0 : i32
    %c0_i32_1 = arith.constant 0 : i32
    return %c0_i32, %c0_i32_0 : i32, i32
  }
  func.func @transform_11(%arg0: i32) -> (i32, i32) {
    %c0_i32 = arith.constant 0 : i32
    %c0_i32_0 = arith.constant 0 : i32
    %c0_i32_1 = arith.constant 0 : i32
    return %c0_i32, %c0_i32_0 : i32, i32
  }
  func.func @transform_12(%arg0: i32) -> (i32, i32) {
    %c0_i32 = arith.constant 0 : i32
    %c0_i32_0 = arith.constant 0 : i32
    %c0_i32_1 = arith.constant 0 : i32
    return %c0_i32, %c0_i32_0 : i32, i32
  }
  func.func @transform_13(%arg0: i32) -> (i32, i32) {
    %c0_i32 = arith.constant 0 : i32
    %c0_i32_0 = arith.constant 0 : i32
    %c0_i32_1 = arith.constant 0 : i32
    return %c0_i32, %c0_i32_0 : i32, i32
  }
  func.func @transform_14(%arg0: i32) -> (i32, i32) {
    %c0_i32 = arith.constant 0 : i32
    %c0_i32_0 = arith.constant 0 : i32
    %c0_i32_1 = arith.constant 0 : i32
    return %c0_i32, %c0_i32_0 : i32, i32
  }
  func.func @transform_15(%arg0: i32) -> (i32, i32) {
    %c0_i32 = arith.constant 0 : i32
    %c0_i32_0 = arith.constant 0 : i32
    %c0_i32_1 = arith.constant 0 : i32
    return %c0_i32, %c0_i32_0 : i32, i32
  }
  func.func @transform_16(%arg0: i32) -> (i32, i32) {
    %c0_i32 = arith.constant 0 : i32
    %c0_i32_0 = arith.constant 0 : i32
    %c0_i32_1 = arith.constant 0 : i32
    return %c0_i32, %c0_i32_0 : i32, i32
  }
  func.func @transform_17(%arg0: i32) -> (i32, i32) {
    %c0_i32 = arith.constant 0 : i32
    %c0_i32_0 = arith.constant 0 : i32
    %c0_i32_1 = arith.constant 0 : i32
    return %c0_i32, %c0_i32_0 : i32, i32
  }
  func.func @transform_18(%arg0: i32) -> (i32, i32) {
    %c0_i32 = arith.constant 0 : i32
    %c0_i32_0 = arith.constant 0 : i32
    %c0_i32_1 = arith.constant 0 : i32
    return %c0_i32, %c0_i32_0 : i32, i32
  }
  func.func @transform_19(%arg0: i32) -> (i32, i32) {
    %c0_i32 = arith.constant 0 : i32
    %c0_i32_0 = arith.constant 0 : i32
    %c0_i32_1 = arith.constant 0 : i32
    return %c0_i32, %c0_i32_0 : i32, i32
  }
  func.func @transform_20(%arg0: i32) -> (i32, i32) {
    %c0_i32 = arith.constant 0 : i32
    %c0_i32_0 = arith.constant 0 : i32
    %c0_i32_1 = arith.constant 0 : i32
    return %c0_i32, %c0_i32_0 : i32, i32
  }
  func.func @transform_21(%arg0: i32) -> (i32, i32) {
    %c0_i32 = arith.constant 0 : i32
    %c0_i32_0 = arith.constant 0 : i32
    %c0_i32_1 = arith.constant 0 : i32
    return %c0_i32, %c0_i32_0 : i32, i32
  }
  func.func @transform_22(%arg0: i32) -> (i32, i32) {
    %c0_i32 = arith.constant 0 : i32
    %c0_i32_0 = arith.constant 0 : i32
    %c0_i32_1 = arith.constant 0 : i32
    return %c0_i32, %c0_i32_0 : i32, i32
  }
  func.func @transform_23(%arg0: i32) -> (i32, i32) {
    %c0_i32 = arith.constant 0 : i32
    %c0_i32_0 = arith.constant 0 : i32
    %c0_i32_1 = arith.constant 0 : i32
    return %c0_i32, %c0_i32_0 : i32, i32
  }
  func.func @transform_24(%arg0: i32) -> (i32, i32) {
    %c0_i32 = arith.constant 0 : i32
    %c0_i32_0 = arith.constant 0 : i32
    return %arg0, %c0_i32 : i32, i32
  }
  func.func @transform_25(%arg0: i32) -> (i32, i32) {
    %c0_i32 = arith.constant 0 : i32
    %c0_i32_0 = arith.constant 0 : i32
    return %arg0, %c0_i32 : i32, i32
  }
}

module attributes {stable_mosaic.version = 14 : i64} {
  func.func @_fin_body(%arg0: i32, %arg1: memref<2000x128xf32, #tpu.memory_space<vmem>>, %arg2: memref<2000x16xf32, #tpu.memory_space<vmem>>, %arg3: memref<1x128xf32, #tpu.memory_space<vmem>>, %arg4: memref<1x128xf32, #tpu.memory_space<vmem>>, %arg5: memref<1x1xf32, #tpu.memory_space<vmem>>, %arg6: memref<2000x128xf32, #tpu.memory_space<vmem>>, %arg7: memref<2000x128xf32, #tpu.memory_space<vmem>>, %arg8: memref<2000x128xf32, #tpu.memory_space<vmem>>, %arg9: memref<2000x128xf32, #tpu.memory_space<vmem>>, %arg10: memref<2000x128xf32, #tpu.memory_space<vmem>>, %arg11: memref<2000x16xf32, #tpu.memory_space<vmem>>) attributes {dimension_semantics = [#tpu.dimension_semantics<arbitrary>], iteration_bounds = array<i64: 5>, scalar_prefetch = 0 : i64, scratch_operands = 0 : i64, tpu.core_type = #tpu.core_type<tc>, window_params = [{transform_indices = @transform_0, window_bounds = array<i64: 2000, 128>}, {transform_indices = @transform_1, window_bounds = array<i64: 2000, 16>}, {pipeline_mode = #tpu.pipeline_mode<synchronous>, transform_indices = @transform_2, window_bounds = array<i64: 1, 128>}, {pipeline_mode = #tpu.pipeline_mode<synchronous>, transform_indices = @transform_3, window_bounds = array<i64: 1, 128>}, {pipeline_mode = #tpu.pipeline_mode<synchronous>, transform_indices = @transform_4, window_bounds = array<i64: 1, 1>}, {transform_indices = @transform_5, window_bounds = array<i64: 2000, 128>}, {transform_indices = @transform_6, window_bounds = array<i64: 2000, 128>}, {transform_indices = @transform_7, window_bounds = array<i64: 2000, 128>}, {transform_indices = @transform_8, window_bounds = array<i64: 2000, 128>}, {transform_indices = @transform_9, window_bounds = array<i64: 2000, 128>}, {transform_indices = @transform_10, window_bounds = array<i64: 2000, 16>}]} {
    %get3A = arith.constant 0 : index
    %get3A_0 = arith.constant 0 : index
    %get3A_1 = vector.load %arg5[%get3A, %get3A_0] : memref<1x1xf32, #tpu.memory_space<vmem>>, vector<1x1xf32>
    %get3A_2 = vector.extract %get3A_1[0, 0] : f32 from vector<1x1xf32>
    %logistic3A = arith.negf %get3A_2 : f32
    %logistic3A_3 = math.exp %logistic3A : f32
    %logistic3A_4 = arith.constant 1.000000e+00 : f32
    %logistic3A_5 = arith.addf %logistic3A_4, %logistic3A_3 : f32
    %logistic3A_6 = arith.divf %logistic3A_4, %logistic3A_5 : f32
    %get3A_7 = arith.constant 0 : index
    %get3A_8 = arith.constant 0 : index
    %get3A_9 = vector.load %arg6[%get3A_7, %get3A_8] : memref<2000x128xf32, #tpu.memory_space<vmem>>, vector<2000x128xf32>
    %get3A_10 = arith.constant 0 : index
    %get3A_11 = arith.constant 0 : index
    %get3A_12 = vector.load %arg8[%get3A_10, %get3A_11] : memref<2000x128xf32, #tpu.memory_space<vmem>>, vector<2000x128xf32>
    %get3A_13 = arith.constant 0 : index
    %get3A_14 = arith.constant 0 : index
    %get3A_15 = vector.load %arg7[%get3A_13, %get3A_14] : memref<2000x128xf32, #tpu.memory_space<vmem>>, vector<2000x128xf32>
    %add3A = arith.addf %get3A_9, %get3A_15 : vector<2000x128xf32>
    %get3A_16 = arith.constant 0 : index
    %get3A_17 = arith.constant 0 : index
    %get3A_18 = vector.load %arg9[%get3A_16, %get3A_17] : memref<2000x128xf32, #tpu.memory_space<vmem>>, vector<2000x128xf32>
    %add3A_19 = arith.addf %get3A_12, %get3A_18 : vector<2000x128xf32>
    %get3A_20 = arith.constant 0 : index
    %get3A_21 = arith.constant 0 : index
    %get3A_22 = vector.load %arg1[%get3A_20, %get3A_21] : memref<2000x128xf32, #tpu.memory_space<vmem>>, vector<2000x128xf32>
    %mul3A = vector.broadcast %logistic3A_6 : f32 to vector<2000x128xf32>
    %mul3A_23 = arith.mulf %mul3A, %add3A : vector<2000x128xf32>
    %add3A_24 = arith.addf %get3A_22, %mul3A_23 : vector<2000x128xf32>
    %reduce_sum3A = arith.constant dense<0.000000e+00> : vector<2000xf32>
    %reduce_sum3A_25 = vector.multi_reduction <add>, %add3A_24, %reduce_sum3A [1] : vector<2000x128xf32> to vector<2000xf32>
    %broadcast_in_dim3A = vector.shape_cast %reduce_sum3A_25 : vector<2000xf32> to vector<2000x1xf32>
    %div3A = arith.constant 1.280000e+02 : f32
    %div3A_26 = vector.broadcast %div3A : f32 to vector<2000x1xf32>
    %div3A_27 = arith.divf %broadcast_in_dim3A, %div3A_26 : vector<2000x1xf32>
    %sub3A = vector.broadcast %div3A_27 : vector<2000x1xf32> to vector<2000x128xf32>
    %sub3A_28 = arith.subf %add3A_24, %sub3A : vector<2000x128xf32>
    %mul3A_29 = arith.mulf %sub3A_28, %sub3A_28 : vector<2000x128xf32>
    %reduce_sum3A_30 = arith.constant dense<0.000000e+00> : vector<2000xf32>
    %reduce_sum3A_31 = vector.multi_reduction <add>, %mul3A_29, %reduce_sum3A_30 [1] : vector<2000x128xf32> to vector<2000xf32>
    %broadcast_in_dim3A_32 = vector.shape_cast %reduce_sum3A_31 : vector<2000xf32> to vector<2000x1xf32>
    %div3A_33 = arith.constant 1.280000e+02 : f32
    %div3A_34 = vector.broadcast %div3A_33 : f32 to vector<2000x1xf32>
    %div3A_35 = arith.divf %broadcast_in_dim3A_32, %div3A_34 : vector<2000x1xf32>
    %add3A_36 = arith.constant 9.99999974E-6 : f32
    %add3A_37 = vector.broadcast %add3A_36 : f32 to vector<2000x1xf32>
    %add3A_38 = arith.addf %div3A_35, %add3A_37 : vector<2000x1xf32>
    %rsqrt3A = math.rsqrt %add3A_38 : vector<2000x1xf32>
    %mul3A_39 = vector.broadcast %rsqrt3A : vector<2000x1xf32> to vector<2000x128xf32>
    %mul3A_40 = arith.mulf %sub3A_28, %mul3A_39 : vector<2000x128xf32>
    %get3A_41 = arith.constant 0 : index
    %get3A_42 = arith.constant 0 : index
    %get3A_43 = vector.load %arg3[%get3A_41, %get3A_42] : memref<1x128xf32, #tpu.memory_space<vmem>>, vector<1x128xf32>
    %mul3A_44 = vector.broadcast %get3A_43 : vector<1x128xf32> to vector<2000x128xf32>
    %mul3A_45 = arith.mulf %mul3A_40, %mul3A_44 : vector<2000x128xf32>
    %get3A_46 = arith.constant 0 : index
    %get3A_47 = arith.constant 0 : index
    %get3A_48 = vector.load %arg4[%get3A_46, %get3A_47] : memref<1x128xf32, #tpu.memory_space<vmem>>, vector<1x128xf32>
    %add3A_49 = vector.broadcast %get3A_48 : vector<1x128xf32> to vector<2000x128xf32>
    %add3A_50 = arith.addf %mul3A_45, %add3A_49 : vector<2000x128xf32>
    %swap3A = arith.constant 0 : index
    %swap3A_51 = arith.constant 0 : index
    %swap3A_52 = vector.load %arg10[%swap3A, %swap3A_51] : memref<2000x128xf32, #tpu.memory_space<vmem>>, vector<2000x128xf32>
    tpu.vector_store %arg10[%swap3A, %swap3A_51], %add3A_50 {strides = array<i32>} : memref<2000x128xf32, #tpu.memory_space<vmem>>, vector<2000x128xf32>,
    %get3A_53 = arith.constant 0 : index
    %get3A_54 = arith.constant 0 : index
    %get3A_55 = vector.load %arg2[%get3A_53, %get3A_54] : memref<2000x16xf32, #tpu.memory_space<vmem>>, vector<2000x16xf32>
    %slice3A = vector.extract_strided_slice %add3A_19 {offsets = [0, 0], sizes = [2000, 16], strides = [1, 1]} : vector<2000x128xf32> to vector<2000x16xf32>
    %add3A_56 = arith.addf %get3A_55, %slice3A : vector<2000x16xf32>
    %swap3A_57 = arith.constant 0 : index
    %swap3A_58 = arith.constant 0 : index
    %swap3A_59 = vector.load %arg11[%swap3A_57, %swap3A_58] : memref<2000x16xf32, #tpu.memory_space<vmem>>, vector<2000x16xf32>
    tpu.vector_store %arg11[%swap3A_57, %swap3A_58], %add3A_56 {strides = array<i32>} : memref<2000x16xf32, #tpu.memory_space<vmem>>, vector<2000x16xf32>,
    return
  }
  func.func @transform_0(%arg0: i32) -> (i32, i32) {
    %c0_i32 = arith.constant 0 : i32
    %c0_i32_0 = arith.constant 0 : i32
    return %arg0, %c0_i32 : i32, i32
  }
  func.func @transform_1(%arg0: i32) -> (i32, i32) {
    %c0_i32 = arith.constant 0 : i32
    %c0_i32_0 = arith.constant 0 : i32
    return %arg0, %c0_i32 : i32, i32
  }
  func.func @transform_2(%arg0: i32) -> (i32, i32) {
    %c0_i32 = arith.constant 0 : i32
    %c0_i32_0 = arith.constant 0 : i32
    %c0_i32_1 = arith.constant 0 : i32
    return %c0_i32, %c0_i32_0 : i32, i32
  }
  func.func @transform_3(%arg0: i32) -> (i32, i32) {
    %c0_i32 = arith.constant 0 : i32
    %c0_i32_0 = arith.constant 0 : i32
    %c0_i32_1 = arith.constant 0 : i32
    return %c0_i32, %c0_i32_0 : i32, i32
  }
  func.func @transform_4(%arg0: i32) -> (i32, i32) {
    %c0_i32 = arith.constant 0 : i32
    %c0_i32_0 = arith.constant 0 : i32
    %c0_i32_1 = arith.constant 0 : i32
    return %c0_i32, %c0_i32_0 : i32, i32
  }
  func.func @transform_5(%arg0: i32) -> (i32, i32) {
    %c0_i32 = arith.constant 0 : i32
    %c0_i32_0 = arith.constant 0 : i32
    return %arg0, %c0_i32 : i32, i32
  }
  func.func @transform_6(%arg0: i32) -> (i32, i32) {
    %c0_i32 = arith.constant 0 : i32
    %c0_i32_0 = arith.constant 0 : i32
    return %arg0, %c0_i32 : i32, i32
  }
  func.func @transform_7(%arg0: i32) -> (i32, i32) {
    %c0_i32 = arith.constant 0 : i32
    %c0_i32_0 = arith.constant 0 : i32
    return %arg0, %c0_i32 : i32, i32
  }
  func.func @transform_8(%arg0: i32) -> (i32, i32) {
    %c0_i32 = arith.constant 0 : i32
    %c0_i32_0 = arith.constant 0 : i32
    return %arg0, %c0_i32 : i32, i32
  }
  func.func @transform_9(%arg0: i32) -> (i32, i32) {
    %c0_i32 = arith.constant 0 : i32
    %c0_i32_0 = arith.constant 0 : i32
    return %arg0, %c0_i32 : i32, i32
  }
  func.func @transform_10(%arg0: i32) -> (i32, i32) {
    %c0_i32 = arith.constant 0 : i32
    %c0_i32_0 = arith.constant 0 : i32
    return %arg0, %c0_i32 : i32, i32
  }
}

</mosaic_0001>

<sc_bundles>
// kernel: kernel.12.cloned.1.call-start
scs
__scs_entry_jumppad:
0x0: {  	(pc) =	sbr.rel $0x88, $3  }
0x1: {  	(tag) =	ssettag $0x0;
	lr =	simm.s32 $0x1  }
0x2: {  	[smem:$0x3F88] =	sst lr;
	_ =	strace $0xD0000000  }
0x3: {  	_ = 	snop  }
0x4: {  	_ = 	snop  }
0x5: {  	_ = 	snop  }
0x6: {  	_ = 	snop  }
0x7: {  	_ = 	snop  }
__scs_overlays_trampoline_lowered:
0x8: {  	[smem:$0x3F97] =	sst s0  }
0x9: {  	[smem:$0x3F98] =	sst s1  }
0xa: {  	[smem:$0x3F99] =	sst s2  }
0xb: {  	[smem:$0x3F9A] =	sst s3  }
0xc: {  	[smem:$0x3F9B] =	sst s4  }
0xd: {  	[smem:$0x3F9C] =	sst s5  }
0xe: {  	[smem:$0x3F9D] =	sst s6  }
0xf: {  	[smem:$0x3F9E] =	sst s7  }
0x10: {  	[smem:$0x3F9F] =	sst s8  }
0x11: {  	[smem:$0x3FA0] =	sst s9;
	s0 =	simm.s32 @!p0 $0x0  }
0x12: {  	s1 =	sld [smem:$0x3F86];
	s0 =	simm.s32 @p0 $0x1  }
0x13: {  	[smem:$0x3FA1] =	sst s0;
	s0 =	simm.s32 @!p1 $0x0  }
0x14: {  	s2 =	sld [smem:$0x3F85];
	s0 =	simm.s32 @p1 $0x1  }
0x15: {  	[smem:$0x3FA2] =	sst s0;
	s0 =	simm.s32 @!p2 $0x0  }
0x16: {  	s3 =	sld [smem:$0x3FDB];
	s0 =	simm.s32 @p2 $0x1  }
0x17: {  	s4 =	simm.s32 $0x1BF5;
	[smem:$0x3FA4] =	sst s0  }
0x18: {  	s0 =	sld [smem:$0x3F87];
	_ =	swait.ge [sflag:s4], $0x0  }
0x19: {  	s7 =	sld [smem:$0x3F88]  }
0x1a: {  	s8 =	sadd.s32 $0xFFFFE003, lr  }
0x1b: {  	s9 =	sadd.s32 $0xFFFFFEF7, lr;
	s5 =	simm.s32 $0xFFFFFFFF;
	p2 =	slt.u32 s8, $0xFFFFF086  }
0x1c: {  	p1 =	slt.u32 s9, $0xF7A;
	s5 =	simm.s32 @!p2 $0x0  }
0x1d: {  	s5 =	simm.s32 @p1 $0x1;
	p0 =	seq.s32 s7, s2  }
0x1e: {  	s7 =	smul.u32 @!p0 $0xF7A, s2;
	p2 =	seq.s32 @!p0 s5, $0x0  }
0x1f: {  	s9 =	smul.u32 $0xF7A, s1;
	s8 =	simm.s32 @!p0 $0x1BF5;
	p2 =	por !p2, p0  }
0x20: {  	[sflag:s8] =	ssyncset.s32 @!p0 $0xFFFFF086;
	s6 =	sadd.s32 @!p0 s3, s7;
	s7 =	simm.s32 @!p0 $0x108  }
0x21: {  	s3 =	sadd.s32 s3, s9;
	s6 =	sadd.s32 @!p0 $0x88, s6;
	s7 =	simm.s32 @p2 $0x1082  }
0x22: {  	[simem:s7], [sflag:s8] =	dma.local @!p0 [hbm:s6], $0xF7A  }
0x23: {  	s9 =	sor.u32 $0xD0000000, s2;
	s6 =	simm.s32 $0x108;
	_ =	swait.ge @!p0 [sflag:s8], $0x0  }
0x24: {  	s3 =	sadd.s32 $0x88, s3;
	s6 =	simm.s32 @!p1 $0x1082;
	[sflag:s4] =	ssyncset.s32 $0xFFFFF086  }
0x25: {  	[simem:s6], [sflag:s4] =	dma.local [hbm:s3], $0xF7A  }
0x26: {  	[smem:$0x3F88] =	sst s1;
	(tag) =	ssettag s2;
	_ =	strace s9  }
0x27: {  	s1 =	sld [smem:$0x3F98]  }
0x28: {  	s2 =	sld [smem:$0x3F99]  }
0x29: {  	s4 =	sld [smem:$0x3F9B]  }
0x2a: {  	p0 =	seq.s32 s5, $0x0;
	s5 =	sld [smem:$0x3F9C]  }
0x2b: {  	s6 =	sld [smem:$0x3F9D]  }
0x2c: {  	s7 =	sld [smem:$0x3F9E]  }
0x2d: {  	s3 =	simm.s32 $0x108;
	s8 =	sld [smem:$0x3F9F]  }
0x2e: {  	s3 =	simm.s32 @!p0 $0x1082;
	s9 =	sld [smem:$0x3FA0]  }
0x2f: {  	lr =	sadd.s32 s0, s3;
	s0 =	sld [smem:$0x3F97]  }
0x30: {  	s3 =	sld [smem:$0x3F9A]  }
0x31: {  	[smem:$0x3FA3] =	sst s10  }
0x32: {  	s10 =	sld [smem:$0x3FA1];
	_ =	sdelay $0x3  }
0x33: {  	p0 =	seq.s32 s10, $0x1;
	s10 =	sld [smem:$0x3FA3];
	_ =	sdelay $0x3  }
0x34: {  	[smem:$0x3FA3] =	sst s10  }
0x35: {  	s10 =	sld [smem:$0x3FA2];
	_ =	sdelay $0x3  }
0x36: {  	p1 =	seq.s32 s10, $0x1;
	s10 =	sld [smem:$0x3FA3];
	_ =	sdelay $0x3  }
0x37: {  	[smem:$0x3FA3] =	sst s10  }
0x38: {  	s10 =	sld [smem:$0x3FA4]  }
0x39: {  	_ = 	snop;
	(pc) =	sbr.ind lr, $3  }
0x3a: {  	_ = 	snop  }
0x3b: {  	_ = 	snop  }
0x3c: {  	p2 =	seq.s32 s10, $0x1;
	s10 =	sld [smem:$0x3FA3]  }
0x3d: {  	_ =	shalt  }
0x3e: {  	_ =	shalt  }
0x3f: {  	_ =	shalt  }
0x40: {  	_ =	shalt  }
0x41: {  	_ =	shalt  }
0x42: {  	_ =	shalt  }
0x43: {  	_ =	shalt  }
0x44: {  	_ =	shalt  }
0x45: {  	_ =	shalt  }
0x46: {  	_ =	shalt  }
0x47: {  	_ =	shalt  }
0x48: {  	_ =	shalt  }
0x49: {  	_ =	shalt  }
0x4a: {  	_ =	shalt  }
0x4b: {  	_ =	shalt  }
0x4c: {  	_ =	shalt  }
0x4d: {  	_ =	shalt  }
0x4e: {  	_ =	shalt  }
0x4f: {  	_ =	shalt  }
0x50: {  	_ =	shalt  }
0x51: {  	_ =	shalt  }
0x52: {  	_ =	shalt  }
0x53: {  	_ =	shalt  }
0x54: {  	_ =	shalt  }
0x55: {  	_ =	shalt  }
0x56: {  	_ =	shalt  }
0x57: {  	_ =	shalt  }
0x58: {  	_ =	shalt  }
0x59: {  	_ =	shalt  }
0x5a: {  	_ =	shalt  }
0x5b: {  	_ =	shalt  }
0x5c: {  	_ =	shalt  }
0x5d: {  	_ =	shalt  }
0x5e: {  	_ =	shalt  }
0x5f: {  	_ =	shalt  }
0x60: {  	_ =	shalt  }
0x61: {  	_ =	shalt  }
0x62: {  	_ =	shalt  }
0x63: {  	_ =	shalt  }
0x64: {  	_ =	shalt  }
0x65: {  	_ =	shalt  }
0x66: {  	_ =	shalt  }
0x67: {  	_ =	shalt  }
0x68: {  	_ =	shalt  }
0x69: {  	_ =	shalt  }
0x6a: {  	_ =	shalt  }
0x6b: {  	_ =	shalt  }
0x6c: {  	_ =	shalt  }
0x6d: {  	_ =	shalt  }
0x6e: {  	_ =	shalt  }
0x6f: {  	_ =	shalt  }
0x70: {  	_ =	shalt  }
0x71: {  	_ =	shalt  }
0x72: {  	_ =	shalt  }
0x73: {  	_ =	shalt  }
0x74: {  	_ =	shalt  }
0x75: {  	_ =	shalt  }
0x76: {  	_ =	shalt  }
0x77: {  	_ =	shalt  }
0x78: {  	_ =	shalt  }
0x79: {  	_ =	shalt  }
0x7a: {  	_ =	shalt  }
0x7b: {  	_ =	shalt  }
0x7c: {  	_ =	shalt  }
0x7d: {  	_ =	shalt  }
0x7e: {  	_ =	shalt  }
0x7f: {  	_ =	shalt  }
0x80: {  	_ =	shalt  }
0x81: {  	_ =	shalt  }
0x82: {  	_ =	shalt  }
0x83: {  	_ =	shalt  }
0x84: {  	_ =	shalt  }
0x85: {  	_ =	shalt  }
0x86: {  	_ =	shalt  }
0x87: {  	_ =	shalt  }
.Lfunc_end0:
.L_simem_size_0:
called_computation.1_lowered:
.L_overlay_start_0:
0x88: {  	s2 =	sld [smem:$0x3FD9]  }
0x89: {  	s3 =	sld [smem:$0x3FFE];
	_ =	sdelay $0x1  }
0x8a: {  	s1 =	srdreg.scid  }
0x8b: {  	s0 =	sand.u32 $0x1, s1  }
0x8c: {  	s17 =	sshll.u32 s0, $0xA;
	s2 =	sadd.s32 s3, s2  }
0x8d: {  	s2 =	sadd.s32 s2, s17  }
0x8e: {  	[smem:$0x3FAF] =	sst s2  }
0x8f: {  	_ = 	snop  }
0x90: {  	(tm) =	ssettm $0x1  }
0x91: {  	s18 =	sld [smem:$0x3FFB];
	_ =	sdelay $0x3  }
0x92: {  	_ =	strace s18  }
0x93: {  	s2 =	sld [smem:$0x3FFC];
	_ =	sdelay $0x3  }
0x94: {  	_ =	strace s2  }
0x95: {  	s2 =	sld [smem:$0x3FFD];
	_ =	sdelay $0x3  }
0x96: {  	_ =	strace s2  }
0x97: {  	_ =	strace $0x8FFFFFFF  }
0x98: {  	s19 =	sld [smem:$0x3FDB];
	_ =	sdelay $0x1  }
0x99: {  	s20 =	simm.s32 $_scs_section_size  }
0x9a: {  	s4 =	simm.s32 $_size__tile_overlayer_lowered;
	s5 =	simm.s32 $_tile_overlayer_lowered  }
0x9b: {  	s6 =	simm.s32 $0x1BFF;
	s21 =	sshll.u32 s5, $0x1;
	s3 =	sadd.s32 s20, s19  }
0x9c: {  	s22 =	simm.s32 $0x0;
	s4 =	sshll.u32 s4, $0x1;
	s5 =	sadd.s32 s21, s3  }
0x9d: {  	[timem:s22], [sflag:s6] =	dma.local [hbm:s5], s4  }
0x9e: {  	_ =	swait.ge [sflag:s6], s4  }
0x9f: {  	s4 =	ssub.s32 $0x0, s4;
	[sflag:s6] =	ssyncset.done $0x0  }
0xa0: {  	[sflag:s6] =	ssyncadd.s32 s4;
	_ =	sdelay $0x1  }
0xa1: {  	s23 =	simm.s32 $0x1B8B  }
0xa2: {  	_ =	swait.ge [sflag:s23], $0x1  }
0xa3: {  	[sflag:s23] =	ssyncset.done $0x0  }
0xa4: {  	[sflag:s23] =	ssyncadd.s32 $0xFFFFFFFF  }
0xa5: {  	s4 =	sld [smem:$0x0]  }
0xa6: {  	s5 =	sand.u32 $0xFFFFFFFE, s1  }
0xa7: {  	p0 =	sne.s32 s1, s5  }
0xa8: {  	s5 =	sshll.u32 @p0 s5, $0xE  }
0xa9: {  	s5 =	sadd.s32 @p0 $0x11B8D, s5;
	s6 =	sshll.u32 @p0 s4, $0x11  }
0xaa: {  	s5 =	sor.u32 @p0 s6, s5  }
0xab: {  	[sflag:s5] =	ssyncadd.remote.s32 @p0 $0x1;
	_ =	sdelay $0x1  }
0xac: {  	s5 =	simm.s32 @p0 $0x1B8D  }
0xad: {  	_ =	swait.eq @p0 [sflag:s5], $0x1  }
0xae: {  	[sflag:s5] =	ssyncadd.s32 @p0 $0xFFFFFFFF  }
0xaf: {  	s6 =	sshll.u32 @!p0 s1, $0xE  }
0xb0: {  	s6 =	sor.u32 @!p0 $0x4000, s6;
	s5 =	simm.s32 @!p0 $0x1B8D  }
0xb1: {  	s4 =	sshll.u32 @!p0 s4, $0x11;
	s6 =	sadd.s32 @!p0 $0x11B8D, s6;
	_ =	swait.eq @!p0 [sflag:s5], $0x1  }
0xb2: {  	s4 =	sor.u32 @!p0 s4, s6;
	[sflag:s5] =	ssyncadd.s32 @!p0 $0xFFFFFFFF  }
0xb3: {  	s25 =	simm.s32 $0x1B8E;
	s24 =	sld [smem:$0x3FFE];
	[sflag:s4] =	ssyncadd.remote.s32 @!p0 $0x1  }
0xb4: {  	s26 =	simm.s32 $execute0_lowered;
	[smem:$0x3FD2] =	sst s25  }
0xb5: {  	s5 =	sshll.u32 s26, $0x1;
	_ =	strace $0x8000004C;
	[dreg:$0x1] =	wrdreg $0xFFFFFFFF  }
0xb6: {  	s28 =	simm.s32 $_size_execute0_lowered;
	s3 =	sadd.s32 s3, s5;
	[dreg:$0x0] =	wrdreg $0x0  }
0xb7: {  	s5 =	sshll.u32 s28, $0x1;
	[dreg:$0x2] =	wrdreg s3  }
0xb8: {  	[dreg:$0x3] =	wrdreg s5  }
0xb9: {  	[dreg:$0x4] =	wrdreg $0xC0  }
0xba: {  	_ =	task [dreg:s22], $0x5FFFF  }
0xbb: {  	[dreg:$0x1] =	wrdreg $0xFFFFFFFF  }
0xbc: {  	[dreg:$0x0] =	wrdreg $0x60  }
0xbd: {  	[dreg:$0x2] =	wrdreg s24  }
0xbe: {  	[dreg:$0x3] =	wrdreg $0x90000  }
0xbf: {  	[dreg:$0x4] =	wrdreg $0x9  }
0xc0: {  	_ =	task.clear_ibuf [dreg:s22], $0x5FFFF;
	_ =	strace $0x9000004C  }
0xc1: {  	s29 =	simm.s32 $0x9;
	_ =	strace $0x8000004E  }
0xc2: {  	_ =	swait.ge [sflag:s29], $0x1  }
0xc3: {  	[sflag:s29] =	ssyncadd.s32 $0xFFFFFFFF  }
0xc4: {  	_ =	strace $0x9000004E  }
0xc5: {  	_ =	sfence  }
0xc6: {  	s30 =	sld [smem:$0x0];
	_ =	sdelay $0x2  }
0xc7: {  	s31 =	sshll.u32 s1, $0xD;
	s1 =	sshrl.u32 s1, $0x2  }
0xc8: {  	s4 =	sand.u32 $0x4000, s31;
	s1 =	sadd.s32 s1, s30  }
0xc9: {  	s0 =	sor.u32 s4, s0;
	s1 =	sshll.u32 s1, $0x11  }
0xca: {  	s0 =	sor.u32 s1, s0  }
0xcb: {  	s0 =	sadd.s32 $0x8F2B, s0  }
0xcc: {  	[sflag:s0] =	ssyncadd.remote.s32 $0x1  }
0xcd: {  	_ =	sfence.sel $0xFFFF  }
0xce: {  	[dreg:$0x0] =	wrdreg $0xFFFFFFFF;
	(pc) =	sbr.abs _section_cstart, $3  }
0xcf: {  	[dreg:$0x1] =	wrdreg $0xFFFFFFFF  }
0xd0: {  	_ =	task.clear_ibuf [dreg:s22], $0x2FFFF;
	_ =	strace $0x9FFFFFFF  }
0xd1: {  	(tm) =	ssettm $0x7FFFFFFF  }
tec
execute0_lowered:
.L_overlay_start_1:
0x0: {  	(tag) =	ssettag $0x1  }
0x1: {  	s6 =	rddreg [dreg:$0x0]  }
0x2: {  	s1 =	rddreg [dreg:$0x1]  }
0x3: {  	s0 =	rddreg [dreg:$0x2];
	s2 =	simm.s32 $0x0  }
0x4: {  	s3 =	stileid.u32;
	s5 =	srdreg.scid;
	s15 =	simm.s32 $0x4000  }
0x5: {  	s16 =	simm.s32 $0x6800;
	s17 =	simm.s32 $0x1;
	s18 =	simm.s32 $0x50  }
0x6: {  	s19 =	simm.s32 $0x2;
	s20 =	simm.s32 $0x3E00;
	[smem:$0x7FF] =	sst s2  }
0x7: {  	s4 =	smul.u32 $0x27100, s3;
	s31 =	sshll.u32 s3, $0xB;
	s14 =	sand.u32 $0x1, s5  }
0x8: {  	s5 =	sadd.s32 $0x14A7C00, s6;
	p1 =	seq.s32 s3, $0x0;
	_ =	strace $0x8000004D  }
0x9: {  	s7 =	sadd.s32 s31, s6;
	s8 =	ssub.s32 $0x2, s14;
	p0 =	seq.s32 s14, $0x1  }
0xa: {  	s21 =	sor.u32 s3, s14;
	p3 =	sne.s32 s14, $0x0;
	s14 =	simm.s32 $0x3  }
0xb: {  	s12 =	sadd.s32 s4, s6;
	s4 =	sadd.s32 $0x1480A00, s6;
	s6 =	sadd.s32 $0x14CEE00, s6  }
.Ltmp0:
0xc: {  	s9 =	sshrl.u32 s8, $0x1;
	s7 =	sadd.s32 $0x142A800, s7;
	(pc) =	sbr.rel .LBB2_1-.Ltmp0, $4  }
0xd: {  	p1 =	por !p1, !p0;
	p4 =	sne.s32 s21, $0x0;
	s21 =	simm.s32 $0x0  }
0xe: {  	s10 =	ssub.s32 s8, s9;
	s8 =	sadd.s32 $0x16F9600, s12;
	s9 =	sadd.s32 $0x196A600, s12  }
0xf: {  	p2 =	por !p1, !p1;
	s11 =	sadd.s32 $0x16FA000, s12;
	p1 =	sne.s32 s3, $0x0  }
0x10: {  	s12 =	sadd.s32 $0x196B000, s12;
	s10 =	smax.u32 s10, $0x1;
	s13 =	sshrl.u32 @!p1 s1, $0x3  }
.LBB2_8:
0x11: {  	s24 =	sadd.s32 $0xFFFFFB00, s22;
	[sflag:s14] =	ssyncadd.s32 $0xFFFFD800  }
0x12: {  	[tilespmem:s16], [sflag:$0x2] =	stream.linear.gather [hbm4b:s24+s2], $0x2800, $0x38;
	[tilespmem:$0x1C880] =	vst v63  }
0x13: {  	_ =	swait.ge [sflag:s17], $0x2800  }
0x14: {  	[sflag:s17] =	ssyncset.done $0x0  }
0x15: {  	s23 =	sshra.s32 s23, $0x2;
	[sflag:s17] =	ssyncadd.s32 $0xFFFFD800  }
0x16: {  	[spmem:s1] =	stream.indirect.scatter.add.f32 [tilespmem:s15], [sflag:$0x3], $0x80, s23, s18, $0xb8;
	[tilespmem:$0x1C880] =	vst v63  }
0x17: {  	_ =	swait.ge [sflag:s14], $0x2800  }
0x18: {  	[sflag:s14] =	ssyncset.done $0x0  }
0x19: {  	[sflag:s14] =	ssyncadd.s32 $0xFFFFD800  }
0x1a: {  	[tilespmem:s15], [sflag:$0x1] =	stream.linear.gather [hbm4b:s22+s2], $0x2800, $0x38;
	[tilespmem:$0x1C880] =	vst v63  }
0x1b: {  	_ =	swait.ge [sflag:s19], $0x2800  }
0x1c: {  	[sflag:s19] =	ssyncset.done $0x0  }
0x1d: {  	s31 =	sadd.s32 $0x80, s23;
	[sflag:s19] =	ssyncadd.s32 $0xFFFFD800  }
0x1e: {  	[spmem:s1] =	stream.indirect.scatter.add.f32 [tilespmem:s16], [sflag:$0x3], $0x80, s31, s18, $0xb8;
	[tilespmem:$0x1C880] =	vst v63  }
0x1f: {  	_ =	swait.ge [sflag:s14], $0x2800  }
0x20: {  	[sflag:s14] =	ssyncset.done $0x0  }
0x21: {  	[sflag:s14] =	ssyncadd.s32 $0xFFFFD800  }
0x22: {  	_ =	swait.ge [sflag:s17], $0x2800  }
0x23: {  	[sflag:s17] =	ssyncset.done $0x0  }
0x24: {  	[sflag:s17] =	ssyncadd.s32 $0xFFFFD800  }
0x25: {  	[spmem:s1] =	stream.indirect.scatter.add.f32 [tilespmem:s15], [sflag:$0x3], $0x80, s20, s18, $0xb8;
	[tilespmem:$0x1C880] =	vst v63  }
0x26: {  	_ =	swait.ge [sflag:s14], $0x2800  }
0x27: {  	[sflag:s14] =	ssyncset.done $0x0  }
0x28: {  	[sflag:s14] =	ssyncadd.s32 $0xFFFFD800  }
.LBB2_9:
0x29: {  	s22 =	sshll.u32 @!p4 s3, $0x6  }
0x2a: {  	[bflag:$0x0] =	sbarrier.arrive $0xFFFF;
	s23 =	sshrl.u32 @!p4 s1, $0x3;
	s22 =	sor.u32 @!p4 $0x1C03, s22  }
0x2b: {  	[hbm:s5], [sflag:s22] =	dma.local @!p4 [spmem:s23], $0x27100  }
0x2c: {  	s22 =	simm.s32 @!p4 $0x3  }
0x2d: {  	s21 =	sadd.s32 $0x1, s21;
	_ =	swait.ge @!p4 [sflag:s22], $0x27100  }
0x2e: {  	p5 =	sne.s32 s21, s10;
	[sflag:s22] =	ssyncset.done @!p4 $0x0  }
0x2f: {  	s23 =	simm.s32 @p2 $0x1C03;
	[sflag:s22] =	ssyncadd.s32 @!p4 $0xFFFD8F00;
	s22 =	sshrl.u32 @p2 s1, $0x3  }
0x30: {  	[hbm:s6], [sflag:s23] =	dma.local @p2 [spmem:s22], $0x27100  }
.Ltmp1:
0x31: {  	_ = 	snop;
	(pc) =	sbr.rel @!p5 .LBB2_10-.Ltmp1, $4  }
0x32: {  	s22 =	simm.s32 @p2 $0x3  }
0x33: {  	_ =	swait.ge @p2 [sflag:s22], $0x27100  }
0x34: {  	[sflag:s22] =	ssyncset.done @p2 $0x0  }
0x35: {  	[sflag:s22] =	ssyncadd.s32 @p2 $0xFFFD8F00  }
.LBB2_1:
0x36: {  	s22 =	simm.s32 @!p1 $0x1C03  }
0x37: {  	[spmem:s13], [sflag:s22] =	dma.local @!p1 [hbm:s4], $0x27100  }
0x38: {  	s22 =	simm.s32 @!p1 $0x3  }
0x39: {  	_ =	swait.ge @!p1 [sflag:s22], $0x27100  }
0x3a: {  	[sflag:s22] =	ssyncset.done @!p1 $0x0  }
0x3b: {  	[sflag:s22] =	ssyncadd.s32 @!p1 $0xFFFD8F00  }
0x3c: {  	[tilespmem:s2], [sflag:$0x3] =	stream.linear.gather [hbm4b:s7+s2], $0x3E80, $0x38;
	[tilespmem:$0x1C880] =	vst v63  }
.Ltmp2:
0x3d: {  	_ =	swait.ge [sflag:s14], $0x3E80;
	(pc) =	sbr.rel @p3 .LBB2_5-.Ltmp2, $3  }
0x3e: {  	[sflag:s14] =	ssyncset.done $0x0  }
0x3f: {  	[sflag:s14] =	ssyncadd.s32 $0xFFFFC180  }
0x40: {  	[bflag:$0x0] =	sbarrier.arrive $0xFFFF;
	_ =	sdelay $0x1  }
0x41: {  	s22 =	simm.s32 $0x0  }
0x42: {  	[tilespmem:s15], [sflag:$0x1] =	stream.linear.gather [hbm4b:s8+s22], $0x2800, $0x38;
	[tilespmem:$0x1C880] =	vst v63  }
0x43: {  	s29 =	sadd.s32 $0xFFFFFB00, s11  }
0x44: {  	[tilespmem:s16], [sflag:$0x2] =	stream.linear.gather [hbm4b:s29+s2], $0x2800, $0x38;
	[tilespmem:$0x1C880] =	vst v63  }
0x45: {  	_ =	swait.ge [sflag:s17], $0x2800  }
0x46: {  	[sflag:s17] =	ssyncset.done $0x0  }
0x47: {  	s30 =	simm.s32 $0x0;
	[sflag:s17] =	ssyncadd.s32 $0xFFFFD800  }
0x48: {  	[spmem:s1] =	stream.indirect.scatter.add.f32 [tilespmem:s15], [sflag:$0x3], $0x80, s30, s18, $0xb8;
	[tilespmem:$0x1C880] =	vst v63  }
0x49: {  	_ =	swait.ge [sflag:s14], $0x2800  }
0x4a: {  	[sflag:s14] =	ssyncset.done $0x0  }
0x4b: {  	[sflag:s14] =	ssyncadd.s32 $0xFFFFD800  }
0x4c: {  	[tilespmem:s15], [sflag:$0x1] =	stream.linear.gather [hbm4b:s11+s2], $0x2800, $0x38;
	[tilespmem:$0x1C880] =	vst v63  }
0x4d: {  	_ =	swait.ge [sflag:s19], $0x2800  }
0x4e: {  	[sflag:s19] =	ssyncset.done $0x0  }
0x4f: {  	s31 =	simm.s32 $0x80;
	[sflag:s19] =	ssyncadd.s32 $0xFFFFD800  }
0x50: {  	[spmem:s1] =	stream.indirect.scatter.add.f32 [tilespmem:s16], [sflag:$0x3], $0x80, s31, s18, $0xb8;
	[tilespmem:$0x1C880] =	vst v63  }
0x51: {  	s23 =	simm.s32 $0x400;
	_ =	swait.ge [sflag:s14], $0x2800  }
0x52: {  	s24 =	simm.s32 $0x800;
	s22 =	sadd.s32 $0xA00, s11;
	[sflag:s14] =	ssyncset.done $0x0  }
.LBB2_3:
0x53: {  	p5 =	sne.s32 s24, $0xF400;
	s25 =	sadd.s32 $0xFFFFFB00, s22;
	[sflag:s14] =	ssyncadd.s32 $0xFFFFD800  }
0x54: {  	[tilespmem:s16], [sflag:$0x2] =	stream.linear.gather [hbm4b:s25+s2], $0x2800, $0x38;
	[tilespmem:$0x1C880] =	vst v63  }
0x55: {  	s25 =	smov.u32 s24;
	s24 =	sadd.s32 $0x400, s24;
	_ =	swait.ge [sflag:s17], $0x2800  }
0x56: {  	[sflag:s17] =	ssyncset.done $0x0  }
0x57: {  	s26 =	sshra.s32 s23, $0x2;
	s23 =	smov.u32 s25;
	[sflag:s17] =	ssyncadd.s32 $0xFFFFD800  }
0x58: {  	[spmem:s1] =	stream.indirect.scatter.add.f32 [tilespmem:s15], [sflag:$0x3], $0x80, s26, s18, $0xb8;
	[tilespmem:$0x1C880] =	vst v63  }
0x59: {  	_ =	swait.ge [sflag:s14], $0x2800  }
0x5a: {  	[sflag:s14] =	ssyncset.done $0x0  }
0x5b: {  	[sflag:s14] =	ssyncadd.s32 $0xFFFFD800  }
0x5c: {  	[tilespmem:s15], [sflag:$0x1] =	stream.linear.gather [hbm4b:s22+s2], $0x2800, $0x38;
	[tilespmem:$0x1C880] =	vst v63  }
0x5d: {  	_ =	swait.ge [sflag:s19], $0x2800  }
.Ltmp3:
0x5e: {  	[sflag:s19] =	ssyncset.done $0x0;
	(pc) =	sbr.rel @p5 .LBB2_3-.Ltmp3, $4  }
0x5f: {  	s25 =	sadd.s32 $0x80, s26;
	[sflag:s19] =	ssyncadd.s32 $0xFFFFD800  }
0x60: {  	[spmem:s1] =	stream.indirect.scatter.add.f32 [tilespmem:s16], [sflag:$0x3], $0x80, s25, s18, $0xb8;
	[tilespmem:$0x1C880] =	vst v63  }
0x61: {  	_ =	swait.ge [sflag:s14], $0x2800  }
0x62: {  	s22 =	sadd.s32 $0xA00, s22;
	[sflag:s14] =	ssyncset.done $0x0  }
0x63: {  	s24 =	sadd.s32 $0xFFFFFB00, s22;
	[sflag:s14] =	ssyncadd.s32 $0xFFFFD800  }
0x64: {  	[tilespmem:s16], [sflag:$0x2] =	stream.linear.gather [hbm4b:s24+s2], $0x2800, $0x38;
	[tilespmem:$0x1C880] =	vst v63  }
0x65: {  	_ =	swait.ge [sflag:s17], $0x2800  }
0x66: {  	[sflag:s17] =	ssyncset.done $0x0  }
0x67: {  	s23 =	sshra.s32 s23, $0x2;
	[sflag:s17] =	ssyncadd.s32 $0xFFFFD800  }
0x68: {  	[spmem:s1] =	stream.indirect.scatter.add.f32 [tilespmem:s15], [sflag:$0x3], $0x80, s23, s18, $0xb8;
	[tilespmem:$0x1C880] =	vst v63  }
0x69: {  	_ =	swait.ge [sflag:s14], $0x2800  }
0x6a: {  	[sflag:s14] =	ssyncset.done $0x0  }
0x6b: {  	[sflag:s14] =	ssyncadd.s32 $0xFFFFD800  }
0x6c: {  	[tilespmem:s15], [sflag:$0x1] =	stream.linear.gather [hbm4b:s22+s2], $0x2800, $0x38;
	[tilespmem:$0x1C880] =	vst v63  }
0x6d: {  	_ =	swait.ge [sflag:s19], $0x2800  }
0x6e: {  	[sflag:s19] =	ssyncset.done $0x0  }
0x6f: {  	s31 =	sadd.s32 $0x80, s23;
	[sflag:s19] =	ssyncadd.s32 $0xFFFFD800  }
0x70: {  	[spmem:s1] =	stream.indirect.scatter.add.f32 [tilespmem:s16], [sflag:$0x3], $0x80, s31, s18, $0xb8;
	[tilespmem:$0x1C880] =	vst v63  }
0x71: {  	_ =	swait.ge [sflag:s14], $0x2800  }
0x72: {  	[sflag:s14] =	ssyncset.done $0x0  }
0x73: {  	[sflag:s14] =	ssyncadd.s32 $0xFFFFD800  }
0x74: {  	_ =	swait.ge [sflag:s17], $0x2800  }
0x75: {  	[sflag:s17] =	ssyncset.done $0x0  }
0x76: {  	[sflag:s17] =	ssyncadd.s32 $0xFFFFD800  }
0x77: {  	[spmem:s1] =	stream.indirect.scatter.add.f32 [tilespmem:s15], [sflag:$0x3], $0x80, s20, s18, $0xb8;
	[tilespmem:$0x1C880] =	vst v63  }
0x78: {  	_ =	swait.ge [sflag:s14], $0x2800  }
0x79: {  	[sflag:s14] =	ssyncset.done $0x0  }
0x7a: {  	[sflag:s14] =	ssyncadd.s32 $0xFFFFD800  }
.LBB2_5:
.Ltmp4:
0x7b: {  	(pc) =	sbr.rel @!p0 .LBB2_9-.Ltmp4, $1  }
0x7c: {  	_ =	sdelay $0x3  }
0x7d: {  	s22 =	simm.s32 $0x0  }
0x7e: {  	[tilespmem:s15], [sflag:$0x1] =	stream.linear.gather [hbm4b:s9+s22], $0x2800, $0x38;
	[tilespmem:$0x1C880] =	vst v63  }
0x7f: {  	s29 =	sadd.s32 $0xFFFFFB00, s12  }
0x80: {  	[tilespmem:s16], [sflag:$0x2] =	stream.linear.gather [hbm4b:s29+s2], $0x2800, $0x38;
	[tilespmem:$0x1C880] =	vst v63  }
0x81: {  	_ =	swait.ge [sflag:s17], $0x2800  }
0x82: {  	[sflag:s17] =	ssyncset.done $0x0  }
0x83: {  	s30 =	simm.s32 $0x0;
	[sflag:s17] =	ssyncadd.s32 $0xFFFFD800  }
0x84: {  	[spmem:s1] =	stream.indirect.scatter.add.f32 [tilespmem:s15], [sflag:$0x3], $0x80, s30, s18, $0xb8;
	[tilespmem:$0x1C880] =	vst v63  }
0x85: {  	_ =	swait.ge [sflag:s14], $0x2800  }
0x86: {  	[sflag:s14] =	ssyncset.done $0x0  }
0x87: {  	[sflag:s14] =	ssyncadd.s32 $0xFFFFD800  }
0x88: {  	[tilespmem:s15], [sflag:$0x1] =	stream.linear.gather [hbm4b:s12+s2], $0x2800, $0x38;
	[tilespmem:$0x1C880] =	vst v63  }
0x89: {  	_ =	swait.ge [sflag:s19], $0x2800  }
0x8a: {  	[sflag:s19] =	ssyncset.done $0x0  }
0x8b: {  	s31 =	simm.s32 $0x80;
	[sflag:s19] =	ssyncadd.s32 $0xFFFFD800  }
0x8c: {  	[spmem:s1] =	stream.indirect.scatter.add.f32 [tilespmem:s16], [sflag:$0x3], $0x80, s31, s18, $0xb8;
	[tilespmem:$0x1C880] =	vst v63  }
0x8d: {  	s23 =	simm.s32 $0x400;
	_ =	swait.ge [sflag:s14], $0x2800  }
0x8e: {  	s24 =	simm.s32 $0x800;
	s22 =	sadd.s32 $0xA00, s12;
	[sflag:s14] =	ssyncset.done $0x0  }
.LBB2_7:
0x8f: {  	p5 =	sne.s32 s24, $0xF400;
	s25 =	sadd.s32 $0xFFFFFB00, s22;
	[sflag:s14] =	ssyncadd.s32 $0xFFFFD800  }
0x90: {  	[tilespmem:s16], [sflag:$0x2] =	stream.linear.gather [hbm4b:s25+s2], $0x2800, $0x38;
	[tilespmem:$0x1C880] =	vst v63  }
0x91: {  	s25 =	smov.u32 s24;
	s24 =	sadd.s32 $0x400, s24;
	_ =	swait.ge [sflag:s17], $0x2800  }
0x92: {  	[sflag:s17] =	ssyncset.done $0x0  }
0x93: {  	s26 =	sshra.s32 s23, $0x2;
	s23 =	smov.u32 s25;
	[sflag:s17] =	ssyncadd.s32 $0xFFFFD800  }
0x94: {  	[spmem:s1] =	stream.indirect.scatter.add.f32 [tilespmem:s15], [sflag:$0x3], $0x80, s26, s18, $0xb8;
	[tilespmem:$0x1C880] =	vst v63  }
0x95: {  	_ =	swait.ge [sflag:s14], $0x2800  }
0x96: {  	[sflag:s14] =	ssyncset.done $0x0  }
0x97: {  	[sflag:s14] =	ssyncadd.s32 $0xFFFFD800  }
0x98: {  	[tilespmem:s15], [sflag:$0x1] =	stream.linear.gather [hbm4b:s22+s2], $0x2800, $0x38;
	[tilespmem:$0x1C880] =	vst v63  }
0x99: {  	_ =	swait.ge [sflag:s19], $0x2800  }
.Ltmp5:
0x9a: {  	[sflag:s19] =	ssyncset.done $0x0;
	(pc) =	sbr.rel @p5 .LBB2_7-.Ltmp5, $4  }
0x9b: {  	s25 =	sadd.s32 $0x80, s26;
	[sflag:s19] =	ssyncadd.s32 $0xFFFFD800  }
0x9c: {  	[spmem:s1] =	stream.indirect.scatter.add.f32 [tilespmem:s16], [sflag:$0x3], $0x80, s25, s18, $0xb8;
	[tilespmem:$0x1C880] =	vst v63  }
0x9d: {  	_ =	swait.ge [sflag:s14], $0x2800  }
0x9e: {  	s22 =	sadd.s32 $0xA00, s22;
	[sflag:s14] =	ssyncset.done $0x0  }
.Ltmp6:
0x9f: {  	_ = 	snop;
	(pc) =	sbr.rel .LBB2_8-.Ltmp6, $1  }
0xa0: {  	_ =	sdelay $0x3  }
.LBB2_10:
0xa1: {  	_ =	sfence.sel $0x180000  }
0xa2: {  	[bflag:$0x0] =	sbarrier.arrive $0xFFFF  }
0xa3: {  	_ =	strace $0x9000004D  }
0xa4: {  	s0 =	sadd.s32 @!p1 $0x100000, s0;
	[bflag:$0x2] =	sbarrier.arrive $0xFFFF  }
0xa5: {  	[sflag:s0] =	ssyncadd.tile.s32 @!p1 $0x1;
	_ =	shalt  }
.Lfunc_end2:
_tile_overlayer_lowered:
.L_overlay_start_2:
0xa6: {  	(tag) =	ssettag $0x2  }
0xa7: {  	s0 =	rddreg [dreg:$0x0];
	s2 =	stileid.u32  }
0xa8: {  	s1 =	rddreg [dreg:$0x1];
	p0 =	sne.s32 s2, $0x0  }
0xa9: {  	s3 =	rddreg [dreg:$0x2];
	[bflag:$0x3] =	sbarrier.arrive $0xFFFF;
	s2 =	simm.s32 @!p0 $0x1C03  }
0xaa: {  	[timem:s3], [sflag:s2] =	dma.local @!p0 [hbm:s0], s1  }
0xab: {  	s0 =	simm.s32 @!p0 $0x3  }
0xac: {  	_ =	swait.ge @!p0 [sflag:s0], s1  }
0xad: {  	s1 =	ssub.s32 @!p0 $0x0, s1;
	[sflag:s0] =	ssyncset.done @!p0 $0x0  }
0xae: {  	[sflag:s0] =	ssyncadd.s32 @!p0 s1  }
0xaf: {  	[bflag:$0x3] =	sbarrier.arrive $0xFFFF  }
0xb0: {  	_ =	shalt  }

// kernel: kernel.15.cloned.1.call-start
scs
__scs_entry_jumppad:
0x0: {  	(pc) =	sbr.rel $0x88, $3  }
0x1: {  	(tag) =	ssettag $0x0;
	lr =	simm.s32 $0x1  }
0x2: {  	[smem:$0x3F88] =	sst lr;
	_ =	strace $0xD0000000  }
0x3: {  	_ = 	snop  }
0x4: {  	_ = 	snop  }
0x5: {  	_ = 	snop  }
0x6: {  	_ = 	snop  }
0x7: {  	_ = 	snop  }
__scs_overlays_trampoline_lowered:
0x8: {  	[smem:$0x3F97] =	sst s0  }
0x9: {  	[smem:$0x3F98] =	sst s1  }
0xa: {  	[smem:$0x3F99] =	sst s2  }
0xb: {  	[smem:$0x3F9A] =	sst s3  }
0xc: {  	[smem:$0x3F9B] =	sst s4  }
0xd: {  	[smem:$0x3F9C] =	sst s5  }
0xe: {  	[smem:$0x3F9D] =	sst s6  }
0xf: {  	[smem:$0x3F9E] =	sst s7  }
0x10: {  	[smem:$0x3F9F] =	sst s8  }
0x11: {  	[smem:$0x3FA0] =	sst s9;
	s0 =	simm.s32 @!p0 $0x0  }
0x12: {  	s1 =	sld [smem:$0x3F86];
	s0 =	simm.s32 @p0 $0x1  }
0x13: {  	[smem:$0x3FA1] =	sst s0;
	s0 =	simm.s32 @!p1 $0x0  }
0x14: {  	s2 =	sld [smem:$0x3F85];
	s0 =	simm.s32 @p1 $0x1  }
0x15: {  	[smem:$0x3FA2] =	sst s0;
	s0 =	simm.s32 @!p2 $0x0  }
0x16: {  	s3 =	sld [smem:$0x3FDB];
	s0 =	simm.s32 @p2 $0x1  }
0x17: {  	s4 =	simm.s32 $0x1BF5;
	[smem:$0x3FA4] =	sst s0  }
0x18: {  	s0 =	sld [smem:$0x3F87];
	_ =	swait.ge [sflag:s4], $0x0  }
0x19: {  	s7 =	sld [smem:$0x3F88]  }
0x1a: {  	s8 =	sadd.s32 $0xFFFFE003, lr  }
0x1b: {  	s9 =	sadd.s32 $0xFFFFFEF7, lr;
	s5 =	simm.s32 $0xFFFFFFFF;
	p2 =	slt.u32 s8, $0xFFFFF086  }
0x1c: {  	p1 =	slt.u32 s9, $0xF7A;
	s5 =	simm.s32 @!p2 $0x0  }
0x1d: {  	s5 =	simm.s32 @p1 $0x1;
	p0 =	seq.s32 s7, s2  }
0x1e: {  	s7 =	smul.u32 @!p0 $0xF7A, s2;
	p2 =	seq.s32 @!p0 s5, $0x0  }
0x1f: {  	s9 =	smul.u32 $0xF7A, s1;
	s8 =	simm.s32 @!p0 $0x1BF5;
	p2 =	por !p2, p0  }
0x20: {  	[sflag:s8] =	ssyncset.s32 @!p0 $0xFFFFF086;
	s6 =	sadd.s32 @!p0 s3, s7;
	s7 =	simm.s32 @!p0 $0x108  }
0x21: {  	s3 =	sadd.s32 s3, s9;
	s6 =	sadd.s32 @!p0 $0x88, s6;
	s7 =	simm.s32 @p2 $0x1082  }
0x22: {  	[simem:s7], [sflag:s8] =	dma.local @!p0 [hbm:s6], $0xF7A  }
0x23: {  	s9 =	sor.u32 $0xD0000000, s2;
	s6 =	simm.s32 $0x108;
	_ =	swait.ge @!p0 [sflag:s8], $0x0  }
0x24: {  	s3 =	sadd.s32 $0x88, s3;
	s6 =	simm.s32 @!p1 $0x1082;
	[sflag:s4] =	ssyncset.s32 $0xFFFFF086  }
0x25: {  	[simem:s6], [sflag:s4] =	dma.local [hbm:s3], $0xF7A  }
0x26: {  	[smem:$0x3F88] =	sst s1;
	(tag) =	ssettag s2;
	_ =	strace s9  }
0x27: {  	s1 =	sld [smem:$0x3F98]  }
0x28: {  	s2 =	sld [smem:$0x3F99]  }
0x29: {  	s4 =	sld [smem:$0x3F9B]  }
0x2a: {  	p0 =	seq.s32 s5, $0x0;
	s5 =	sld [smem:$0x3F9C]  }
0x2b: {  	s6 =	sld [smem:$0x3F9D]  }
0x2c: {  	s7 =	sld [smem:$0x3F9E]  }
0x2d: {  	s3 =	simm.s32 $0x108;
	s8 =	sld [smem:$0x3F9F]  }
0x2e: {  	s3 =	simm.s32 @!p0 $0x1082;
	s9 =	sld [smem:$0x3FA0]  }
0x2f: {  	lr =	sadd.s32 s0, s3;
	s0 =	sld [smem:$0x3F97]  }
0x30: {  	s3 =	sld [smem:$0x3F9A]  }
0x31: {  	[smem:$0x3FA3] =	sst s10  }
0x32: {  	s10 =	sld [smem:$0x3FA1];
	_ =	sdelay $0x3  }
0x33: {  	p0 =	seq.s32 s10, $0x1;
	s10 =	sld [smem:$0x3FA3];
	_ =	sdelay $0x3  }
0x34: {  	[smem:$0x3FA3] =	sst s10  }
0x35: {  	s10 =	sld [smem:$0x3FA2];
	_ =	sdelay $0x3  }
0x36: {  	p1 =	seq.s32 s10, $0x1;
	s10 =	sld [smem:$0x3FA3];
	_ =	sdelay $0x3  }
0x37: {  	[smem:$0x3FA3] =	sst s10  }
0x38: {  	s10 =	sld [smem:$0x3FA4]  }
0x39: {  	_ = 	snop;
	(pc) =	sbr.ind lr, $3  }
0x3a: {  	_ = 	snop  }
0x3b: {  	_ = 	snop  }
0x3c: {  	p2 =	seq.s32 s10, $0x1;
	s10 =	sld [smem:$0x3FA3]  }
0x3d: {  	_ =	shalt  }
0x3e: {  	_ =	shalt  }
0x3f: {  	_ =	shalt  }
0x40: {  	_ =	shalt  }
0x41: {  	_ =	shalt  }
0x42: {  	_ =	shalt  }
0x43: {  	_ =	shalt  }
0x44: {  	_ =	shalt  }
0x45: {  	_ =	shalt  }
0x46: {  	_ =	shalt  }
0x47: {  	_ =	shalt  }
0x48: {  	_ =	shalt  }
0x49: {  	_ =	shalt  }
0x4a: {  	_ =	shalt  }
0x4b: {  	_ =	shalt  }
0x4c: {  	_ =	shalt  }
0x4d: {  	_ =	shalt  }
0x4e: {  	_ =	shalt  }
0x4f: {  	_ =	shalt  }
0x50: {  	_ =	shalt  }
0x51: {  	_ =	shalt  }
0x52: {  	_ =	shalt  }
0x53: {  	_ =	shalt  }
0x54: {  	_ =	shalt  }
0x55: {  	_ =	shalt  }
0x56: {  	_ =	shalt  }
0x57: {  	_ =	shalt  }
0x58: {  	_ =	shalt  }
0x59: {  	_ =	shalt  }
0x5a: {  	_ =	shalt  }
0x5b: {  	_ =	shalt  }
0x5c: {  	_ =	shalt  }
0x5d: {  	_ =	shalt  }
0x5e: {  	_ =	shalt  }
0x5f: {  	_ =	shalt  }
0x60: {  	_ =	shalt  }
0x61: {  	_ =	shalt  }
0x62: {  	_ =	shalt  }
0x63: {  	_ =	shalt  }
0x64: {  	_ =	shalt  }
0x65: {  	_ =	shalt  }
0x66: {  	_ =	shalt  }
0x67: {  	_ =	shalt  }
0x68: {  	_ =	shalt  }
0x69: {  	_ =	shalt  }
0x6a: {  	_ =	shalt  }
0x6b: {  	_ =	shalt  }
0x6c: {  	_ =	shalt  }
0x6d: {  	_ =	shalt  }
0x6e: {  	_ =	shalt  }
0x6f: {  	_ =	shalt  }
0x70: {  	_ =	shalt  }
0x71: {  	_ =	shalt  }
0x72: {  	_ =	shalt  }
0x73: {  	_ =	shalt  }
0x74: {  	_ =	shalt  }
0x75: {  	_ =	shalt  }
0x76: {  	_ =	shalt  }
0x77: {  	_ =	shalt  }
0x78: {  	_ =	shalt  }
0x79: {  	_ =	shalt  }
0x7a: {  	_ =	shalt  }
0x7b: {  	_ =	shalt  }
0x7c: {  	_ =	shalt  }
0x7d: {  	_ =	shalt  }
0x7e: {  	_ =	shalt  }
0x7f: {  	_ =	shalt  }
0x80: {  	_ =	shalt  }
0x81: {  	_ =	shalt  }
0x82: {  	_ =	shalt  }
0x83: {  	_ =	shalt  }
0x84: {  	_ =	shalt  }
0x85: {  	_ =	shalt  }
0x86: {  	_ =	shalt  }
0x87: {  	_ =	shalt  }
.Lfunc_end0:
.L_simem_size_0:
called_computation.2_lowered:
.L_overlay_start_0:
0x88: {  	s2 =	sld [smem:$0x3FD9]  }
0x89: {  	s3 =	sld [smem:$0x3FFE];
	_ =	sdelay $0x1  }
0x8a: {  	s1 =	srdreg.scid  }
0x8b: {  	s0 =	sand.u32 $0x1, s1  }
0x8c: {  	s17 =	sshll.u32 s0, $0xA;
	s2 =	sadd.s32 s3, s2  }
0x8d: {  	s2 =	sadd.s32 s2, s17  }
0x8e: {  	[smem:$0x3FAF] =	sst s2  }
0x8f: {  	_ = 	snop  }
0x90: {  	(tm) =	ssettm $0x1  }
0x91: {  	s18 =	sld [smem:$0x3FFB];
	_ =	sdelay $0x3  }
0x92: {  	_ =	strace s18  }
0x93: {  	s2 =	sld [smem:$0x3FFC];
	_ =	sdelay $0x3  }
0x94: {  	_ =	strace s2  }
0x95: {  	s2 =	sld [smem:$0x3FFD];
	_ =	sdelay $0x3  }
0x96: {  	_ =	strace s2  }
0x97: {  	_ =	strace $0x8FFFFFFF  }
0x98: {  	s19 =	sld [smem:$0x3FDB];
	_ =	sdelay $0x1  }
0x99: {  	s20 =	simm.s32 $_scs_section_size  }
0x9a: {  	s4 =	simm.s32 $_size__tile_overlayer_lowered;
	s5 =	simm.s32 $_tile_overlayer_lowered  }
0x9b: {  	s6 =	simm.s32 $0x1BFF;
	s21 =	sshll.u32 s5, $0x1;
	s3 =	sadd.s32 s20, s19  }
0x9c: {  	s22 =	simm.s32 $0x0;
	s4 =	sshll.u32 s4, $0x1;
	s5 =	sadd.s32 s21, s3  }
0x9d: {  	[timem:s22], [sflag:s6] =	dma.local [hbm:s5], s4  }
0x9e: {  	_ =	swait.ge [sflag:s6], s4  }
0x9f: {  	s4 =	ssub.s32 $0x0, s4;
	[sflag:s6] =	ssyncset.done $0x0  }
0xa0: {  	[sflag:s6] =	ssyncadd.s32 s4;
	_ =	sdelay $0x1  }
0xa1: {  	s23 =	simm.s32 $0x1B8B  }
0xa2: {  	_ =	swait.ge [sflag:s23], $0x1  }
0xa3: {  	[sflag:s23] =	ssyncset.done $0x0  }
0xa4: {  	[sflag:s23] =	ssyncadd.s32 $0xFFFFFFFF  }
0xa5: {  	s4 =	sld [smem:$0x0]  }
0xa6: {  	s5 =	sand.u32 $0xFFFFFFFE, s1  }
0xa7: {  	p0 =	sne.s32 s1, s5  }
0xa8: {  	s5 =	sshll.u32 @p0 s5, $0xE  }
0xa9: {  	s5 =	sadd.s32 @p0 $0x11B8D, s5;
	s6 =	sshll.u32 @p0 s4, $0x11  }
0xaa: {  	s5 =	sor.u32 @p0 s6, s5  }
0xab: {  	[sflag:s5] =	ssyncadd.remote.s32 @p0 $0x1;
	_ =	sdelay $0x1  }
0xac: {  	s5 =	simm.s32 @p0 $0x1B8D  }
0xad: {  	_ =	swait.eq @p0 [sflag:s5], $0x1  }
0xae: {  	[sflag:s5] =	ssyncadd.s32 @p0 $0xFFFFFFFF  }
0xaf: {  	s6 =	sshll.u32 @!p0 s1, $0xE  }
0xb0: {  	s6 =	sor.u32 @!p0 $0x4000, s6;
	s5 =	simm.s32 @!p0 $0x1B8D  }
0xb1: {  	s4 =	sshll.u32 @!p0 s4, $0x11;
	s6 =	sadd.s32 @!p0 $0x11B8D, s6;
	_ =	swait.eq @!p0 [sflag:s5], $0x1  }
0xb2: {  	s4 =	sor.u32 @!p0 s4, s6;
	[sflag:s5] =	ssyncadd.s32 @!p0 $0xFFFFFFFF  }
0xb3: {  	s25 =	simm.s32 $0x1B8E;
	s24 =	sld [smem:$0x3FFE];
	[sflag:s4] =	ssyncadd.remote.s32 @!p0 $0x1  }
0xb4: {  	s26 =	simm.s32 $execute0_lowered;
	[smem:$0x3FD2] =	sst s25  }
0xb5: {  	s5 =	sshll.u32 s26, $0x1;
	_ =	strace $0x80000049;
	[dreg:$0x1] =	wrdreg $0xFFFFFFFF  }
0xb6: {  	s28 =	simm.s32 $_size_execute0_lowered;
	s3 =	sadd.s32 s3, s5;
	[dreg:$0x0] =	wrdreg $0x0  }
0xb7: {  	s5 =	sshll.u32 s28, $0x1;
	[dreg:$0x2] =	wrdreg s3  }
0xb8: {  	[dreg:$0x3] =	wrdreg s5  }
0xb9: {  	[dreg:$0x4] =	wrdreg $0xC0  }
0xba: {  	_ =	task [dreg:s22], $0x5FFFF  }
0xbb: {  	[dreg:$0x1] =	wrdreg $0xFFFFFFFF  }
0xbc: {  	[dreg:$0x0] =	wrdreg $0x60  }
0xbd: {  	[dreg:$0x2] =	wrdreg s24  }
0xbe: {  	[dreg:$0x3] =	wrdreg $0xA  }
0xbf: {  	_ =	task.clear_ibuf [dreg:s22], $0x4FFFF;
	_ =	strace $0x90000049  }
0xc0: {  	s29 =	simm.s32 $0xA;
	_ =	strace $0x8000004B  }
0xc1: {  	_ =	swait.ge [sflag:s29], $0x1  }
0xc2: {  	[sflag:s29] =	ssyncadd.s32 $0xFFFFFFFF  }
0xc3: {  	_ =	strace $0x9000004B  }
0xc4: {  	_ =	sfence  }
0xc5: {  	s30 =	sld [smem:$0x0];
	_ =	sdelay $0x2  }
0xc6: {  	s31 =	sshll.u32 s1, $0xD;
	s1 =	sshrl.u32 s1, $0x2  }
0xc7: {  	s4 =	sand.u32 $0x4000, s31;
	s1 =	sadd.s32 s1, s30  }
0xc8: {  	s0 =	sor.u32 s4, s0;
	s1 =	sshll.u32 s1, $0x11  }
0xc9: {  	s0 =	sor.u32 s1, s0  }
0xca: {  	s0 =	sadd.s32 $0x8F2B, s0  }
0xcb: {  	[sflag:s0] =	ssyncadd.remote.s32 $0x1  }
0xcc: {  	_ =	sfence.sel $0xFFFF  }
0xcd: {  	[dreg:$0x0] =	wrdreg $0xFFFFFFFF;
	(pc) =	sbr.abs _section_cstart, $3  }
0xce: {  	[dreg:$0x1] =	wrdreg $0xFFFFFFFF  }
0xcf: {  	_ =	task.clear_ibuf [dreg:s22], $0x2FFFF;
	_ =	strace $0x9FFFFFFF  }
0xd0: {  	(tm) =	ssettm $0x7FFFFFFF  }
0xd1: {  	_ =	shalt  }
tec
execute0_lowered:
.L_overlay_start_1:
0x0: {  	(tag) =	ssettag $0x1  }
0x1: {  	s0 =	rddreg [dreg:$0x0];
	s1 =	srdreg.scid  }
0x2: {  	s9 =	stileid.u32;
	s2 =	simm.s32 $0x0;
	s11 =	simm.s32 $0x8000  }
0x3: {  	s12 =	simm.s32 $0x8800;
	s13 =	simm.s32 $0x9000;
	s14 =	simm.s32 $0x9800  }
0x4: {  	s15 =	simm.s32 $0xA000;
	s16 =	simm.s32 $0xA800;
	s17 =	simm.s32 $0xB000  }
0x5: {  	s24 =	simm.s32 $0xD800;
	s18 =	simm.s32 $0xB800;
	s25 =	simm.s32 $0xE000  }
0x6: {  	s19 =	simm.s32 $0xC000;
	s26 =	simm.s32 $0xE800;
	s20 =	simm.s32 $0xC800  }
0x7: {  	s28 =	simm.s32 $0x11800;
	s29 =	simm.s32 $0x1;
	s30 =	simm.s32 $0x2  }
0x8: {  	s31 =	simm.s32 $0x0;
	s1 =	sand.u32 $0x1, s1;
	s3 =	sshll.u32 s9, $0x1  }
0x9: {  	[smem:$0x7FF] =	sst s2;
	s7 =	sadd.s32 $0xA66800, s0;
	s9 =	smul.u32 $0x4E200, s9  }
0xa: {  	s4 =	sor.u32 s1, s3;
	_ =	strace $0x8000004A;
	[dreg:$0x4] =	wrdreg s24  }
0xb: {  	s3 =	sadd.s32 $0x2A800, s0;
	s6 =	ssub.s32 $0x2, s1;
	[dreg:$0x5] =	wrdreg s25  }
0xc: {  	s1 =	smul.u32 $0x27100, s1;
	[dreg:$0x6] =	wrdreg s26;
	s24 =	simm.s32 $0x10000  }
0xd: {  	s25 =	simm.s32 $0x10800;
	s26 =	simm.s32 $0x11000;
	s5 =	sshll.u32 s4, $0xB  }
0xe: {  	s8 =	sshrl.u32 s6, $0x1;
	s4 =	smul.u32 $0x138800, s4;
	s5 =	sadd.s32 s5, s0  }
0xf: {  	s0 =	sadd.s32 $0xF48800, s0;
	s8 =	ssub.s32 s6, s8;
	s21 =	sadd.s32 $0xA46800, s5  }
0x10: {  	s4 =	sshrl.u32 s4, $0x3;
	s5 =	sadd.s32 $0xA56800, s5;
	s22 =	sadd.s32 s9, s0  }
0x11: {  	s9 =	sadd.s32 s9, s7;
	s8 =	smax.u32 s8, $0x1;
	[dreg:$0x7] =	wrdreg s21  }
0x12: {  	[dreg:$0x8] =	wrdreg s5;
	s4 =	sadd.s32 $0x26C00, s4;
	s5 =	sadd.s32 s1, s22  }
0x13: {  	v2 =	vlaneseq.u32;
	s23 =	sadd.s32 s1, s9;
	s9 =	simm.s32 $0x3;
	s21 =	simm.s32 $0xD000  }
0x14: {  	vm0 =	vmmov $0xffff;
	v1 =	vshrl.u32 v2, $0x3;
	s22 =	simm.s32 $0xF000;
	s6 =	sadd.s32 s7, s4;
	[dreg:$0x2] =	wrdreg s5  }
0x15: {  	v0 =	vand.u32 $0x7, v2;
	v2 =	vor.u32 $0x8, v2;
	v1 =	vmul.u32 $0x8, v1;
	s7 =	sadd.s32 s0, s4;
	[dreg:$0x3] =	wrdreg s23;
	s23 =	simm.s32 $0xF800  }
.LBB2_1:
0x16: {  	s0 =	rddreg [dreg:$0x7]  }
0x17: {  	[tilespmem:s2], [sflag:$0x3] =	stream.linear.gather [hbm4b:s0+s2], $0x3E80, $0x38;
	[tilespmem:$0x12000] =	vst v63  }
0x18: {  	_ =	swait.ge [sflag:s9], $0x3E80  }
0x19: {  	[sflag:s9] =	ssyncset.done $0x0  }
0x1a: {  	s1 =	simm.s32 $0x4000;
	s10 =	rddreg [dreg:$0x8];
	[sflag:s9] =	ssyncadd.s32 $0xFFFFC180  }
0x1b: {  	[tilespmem:s1], [sflag:$0x3] =	stream.linear.gather [hbm4b:s10+s2], $0x3E80, $0x38;
	[tilespmem:$0x12000] =	vst v63  }
0x1c: {  	_ =	swait.ge [sflag:s9], $0x3E80  }
0x1d: {  	[sflag:s9] =	ssyncset.done $0x0  }
0x1e: {  	[sflag:s9] =	ssyncadd.s32 $0xFFFFC180  }
0x1f: {  	v3 =	vld [tilespmem:$0x0];
	_ =	sdelay $0x4  }
0x20: {  	v4 =	vshll.u32 v3, $0x1  }
0x21: {  	v3 =	vand.u32 $0x7, v3;
	v4 =	vand.u32 $0xFFFFFFF0, v4  }
0x22: {  	v3 =	vor.u32 v3, v4  }
0x23: {  	v4 =	vperm.xlane v3, v0;
	_ =	sdelay $0x1  }
0x24: {  	v3 =	vperm.xlane v3, v2;
	v4 =	vadd.s32 v1, v4;
	_ =	sdelay $0x1  }
0x25: {  	v3 =	vadd.s32 v1, v3;
	_ =	sdelay $0x2  }
0x26: {  	[tilespmem:s11], [sflag:$0x1] =	stream.indirect_vreg.gather [hbm4b:s3+s2], $0x80, v4, vm0, $0xb8;
	[tilespmem:$0x12000] =	vst v63  }
0x27: {  	_ = 	snop  }
0x28: {  	[tilespmem:s12], [sflag:$0x1] =	stream.indirect_vreg.gather [hbm4b:s3+s2], $0x80, v3, vm0, $0xb8;
	[tilespmem:$0x12000] =	vst v63  }
0x29: {  	v3 =	vld [tilespmem:$0x10];
	_ =	sdelay $0x4  }
0x2a: {  	v59 =	vshll.u32 v3, $0x1  }
0x2b: {  	v3 =	vand.u32 $0x7, v3;
	v4 =	vand.u32 $0xFFFFFFF0, v59  }
0x2c: {  	v3 =	vor.u32 v3, v4  }
0x2d: {  	v4 =	vperm.xlane v3, v0;
	_ =	sdelay $0x1  }
0x2e: {  	v3 =	vperm.xlane v3, v2;
	v4 =	vadd.s32 v1, v4;
	_ =	sdelay $0x1  }
0x2f: {  	v3 =	vadd.s32 v1, v3;
	_ =	sdelay $0x2  }
0x30: {  	[tilespmem:s13], [sflag:$0x1] =	stream.indirect_vreg.gather [hbm4b:s3+s2], $0x80, v4, vm0, $0xb8;
	[tilespmem:$0x12000] =	vst v63  }
0x31: {  	_ = 	snop  }
0x32: {  	[tilespmem:s14], [sflag:$0x1] =	stream.indirect_vreg.gather [hbm4b:s3+s2], $0x80, v3, vm0, $0xb8;
	[tilespmem:$0x12000] =	vst v63  }
0x33: {  	v3 =	vld.msk [tilespmem:$0x20], $0xff;
	_ =	sdelay $0x4  }
0x34: {  	v60 =	vshll.u32 v3, $0x1  }
0x35: {  	v3 =	vand.u32 $0x7, v3;
	v4 =	vand.u32 $0xFFFFFFF0, v60  }
0x36: {  	v3 =	vor.u32 v3, v4  }
0x37: {  	v3 =	vperm.xlane v3, v0;
	_ =	sdelay $0x1  }
0x38: {  	v3 =	vadd.s32 v1, v3;
	_ =	sdelay $0x4  }
0x39: {  	[tilespmem:s15], [sflag:$0x1] =	stream.indirect_vreg.gather [hbm4b:s3+s2], $0x80, v3, vm0, $0xb8;
	[tilespmem:$0x12000] =	vst v63  }
0x3a: {  	v3 =	vld [tilespmem:$0x4000];
	_ =	sdelay $0x4  }
0x3b: {  	v61 =	vshll.u32 v3, $0x1  }
0x3c: {  	v3 =	vand.u32 $0x7, v3;
	v4 =	vand.u32 $0xFFFFFFF0, v61  }
0x3d: {  	v3 =	vor.u32 v3, v4  }
0x3e: {  	v4 =	vperm.xlane v3, v0;
	_ =	sdelay $0x1  }
0x3f: {  	v3 =	vperm.xlane v3, v2;
	v4 =	vadd.s32 v1, v4;
	_ =	sdelay $0x1  }
0x40: {  	v3 =	vadd.s32 v1, v3;
	_ =	sdelay $0x2  }
0x41: {  	[tilespmem:s16], [sflag:$0x1] =	stream.indirect_vreg.gather [hbm4b:s3+s2], $0x80, v4, vm0, $0xb8;
	[tilespmem:$0x12000] =	vst v63  }
0x42: {  	_ = 	snop  }
0x43: {  	[tilespmem:s17], [sflag:$0x1] =	stream.indirect_vreg.gather [hbm4b:s3+s2], $0x80, v3, vm0, $0xb8;
	[tilespmem:$0x12000] =	vst v63  }
0x44: {  	v3 =	vld [tilespmem:$0x4010];
	_ =	sdelay $0x4  }
0x45: {  	v62 =	vshll.u32 v3, $0x1  }
0x46: {  	v3 =	vand.u32 $0x7, v3;
	v4 =	vand.u32 $0xFFFFFFF0, v62  }
0x47: {  	v3 =	vor.u32 v3, v4  }
0x48: {  	v4 =	vperm.xlane v3, v0;
	_ =	sdelay $0x1  }
0x49: {  	v3 =	vperm.xlane v3, v2;
	v4 =	vadd.s32 v1, v4;
	_ =	sdelay $0x1  }
0x4a: {  	v3 =	vadd.s32 v1, v3;
	_ =	sdelay $0x2  }
0x4b: {  	[tilespmem:s18], [sflag:$0x1] =	stream.indirect_vreg.gather [hbm4b:s3+s2], $0x80, v4, vm0, $0xb8;
	[tilespmem:$0x12000] =	vst v63  }
0x4c: {  	_ = 	snop  }
0x4d: {  	[tilespmem:s19], [sflag:$0x1] =	stream.indirect_vreg.gather [hbm4b:s3+s2], $0x80, v3, vm0, $0xb8;
	[tilespmem:$0x12000] =	vst v63  }
0x4e: {  	v3 =	vld.msk [tilespmem:$0x4020], $0xff;
	_ =	sdelay $0x4  }
0x4f: {  	v63 =	vshll.u32 v3, $0x1  }
0x50: {  	v3 =	vand.u32 $0x7, v3;
	v4 =	vand.u32 $0xFFFFFFF0, v63  }
0x51: {  	v3 =	vor.u32 v3, v4  }
0x52: {  	v3 =	vperm.xlane v3, v0;
	_ =	sdelay $0x1  }
0x53: {  	v3 =	vadd.s32 v1, v3;
	_ =	sdelay $0x3  }
0x54: {  	s0 =	simm.s32 $0x4090;
	s1 =	simm.s32 $0x90;
	s10 =	simm.s32 $0x0  }
0x55: {  	[tilespmem:s20], [sflag:$0x1] =	stream.indirect_vreg.gather [hbm4b:s3+s2], $0x80, v3, vm0, $0xb8;
	[tilespmem:$0x12000] =	vst v63  }
.LBB2_2:
0x56: {  	v3 =	vld [tilespmem:s1+$0xFFFFFFF0];
	_ =	sdelay $0x4  }
0x57: {  	v4 =	vshll.u32 v3, $0x1  }
0x58: {  	v3 =	vand.u32 $0x7, v3;
	v4 =	vand.u32 $0xFFFFFFF0, v4  }
0x59: {  	v3 =	vor.u32 v3, v4  }
0x5a: {  	v4 =	vperm.xlane v3, v0;
	_ =	sdelay $0x1  }
0x5b: {  	v3 =	vperm.xlane v3, v2;
	v4 =	vadd.s32 v1, v4;
	_ =	sdelay $0x1  }
0x5c: {  	v3 =	vadd.s32 v1, v3;
	_ =	sdelay $0x2  }
0x5d: {  	[tilespmem:s21], [sflag:$0x2] =	stream.indirect_vreg.gather [hbm4b:s3+s2], $0x80, v4, vm0, $0xb8;
	[tilespmem:$0x12000] =	vst v63  }
0x5e: {  	s4 =	rddreg [dreg:$0x4]  }
0x5f: {  	[tilespmem:s4], [sflag:$0x2] =	stream.indirect_vreg.gather [hbm4b:s3+s2], $0x80, v3, vm0, $0xb8;
	[tilespmem:$0x12000] =	vst v63  }
0x60: {  	v3 =	vld [tilespmem:s1+$0x0];
	_ =	sdelay $0x4  }
0x61: {  	v53 =	vshll.u32 v3, $0x1  }
0x62: {  	v3 =	vand.u32 $0x7, v3;
	v4 =	vand.u32 $0xFFFFFFF0, v53  }
0x63: {  	v3 =	vor.u32 v3, v4  }
0x64: {  	v4 =	vperm.xlane v3, v0;
	_ =	sdelay $0x1  }
0x65: {  	v3 =	vperm.xlane v3, v2;
	v4 =	vadd.s32 v1, v4;
	_ =	sdelay $0x1  }
0x66: {  	v3 =	vadd.s32 v1, v3;
	_ =	sdelay $0x1  }
0x67: {  	s4 =	rddreg [dreg:$0x5]  }
0x68: {  	[tilespmem:s4], [sflag:$0x2] =	stream.indirect_vreg.gather [hbm4b:s3+s2], $0x80, v4, vm0, $0xb8;
	[tilespmem:$0x12000] =	vst v63  }
0x69: {  	s5 =	rddreg [dreg:$0x6]  }
0x6a: {  	[tilespmem:s5], [sflag:$0x2] =	stream.indirect_vreg.gather [hbm4b:s3+s2], $0x80, v3, vm0, $0xb8;
	[tilespmem:$0x12000] =	vst v63  }
0x6b: {  	v3 =	vld.msk [tilespmem:s1+$0x10], $0xff;
	_ =	sdelay $0x4  }
0x6c: {  	v54 =	vshll.u32 v3, $0x1  }
0x6d: {  	v3 =	vand.u32 $0x7, v3;
	v4 =	vand.u32 $0xFFFFFFF0, v54  }
0x6e: {  	v3 =	vor.u32 v3, v4  }
0x6f: {  	v3 =	vperm.xlane v3, v0;
	_ =	sdelay $0x1  }
0x70: {  	v3 =	vadd.s32 v1, v3;
	_ =	sdelay $0x4  }
0x71: {  	[tilespmem:s22], [sflag:$0x2] =	stream.indirect_vreg.gather [hbm4b:s3+s2], $0x80, v3, vm0, $0xb8;
	[tilespmem:$0x12000] =	vst v63  }
0x72: {  	v3 =	vld [tilespmem:s0+$0xFFFFFFF0];
	_ =	sdelay $0x4  }
0x73: {  	v55 =	vshll.u32 v3, $0x1  }
0x74: {  	v3 =	vand.u32 $0x7, v3;
	v4 =	vand.u32 $0xFFFFFFF0, v55  }
0x75: {  	v3 =	vor.u32 v3, v4  }
0x76: {  	v4 =	vperm.xlane v3, v0;
	_ =	sdelay $0x1  }
0x77: {  	v3 =	vperm.xlane v3, v2;
	v4 =	vadd.s32 v1, v4;
	_ =	sdelay $0x1  }
0x78: {  	v3 =	vadd.s32 v1, v3;
	_ =	sdelay $0x2  }
0x79: {  	[tilespmem:s23], [sflag:$0x2] =	stream.indirect_vreg.gather [hbm4b:s3+s2], $0x80, v4, vm0, $0xb8;
	[tilespmem:$0x12000] =	vst v63  }
0x7a: {  	_ = 	snop  }
0x7b: {  	[tilespmem:s24], [sflag:$0x2] =	stream.indirect_vreg.gather [hbm4b:s3+s2], $0x80, v3, vm0, $0xb8;
	[tilespmem:$0x12000] =	vst v63  }
0x7c: {  	v3 =	vld [tilespmem:s0+$0x0];
	_ =	sdelay $0x4  }
0x7d: {  	v56 =	vshll.u32 v3, $0x1  }
0x7e: {  	v3 =	vand.u32 $0x7, v3;
	v4 =	vand.u32 $0xFFFFFFF0, v56  }
0x7f: {  	v3 =	vor.u32 v3, v4  }
0x80: {  	v4 =	vperm.xlane v3, v0;
	_ =	sdelay $0x1  }
0x81: {  	v3 =	vperm.xlane v3, v2;
	v4 =	vadd.s32 v1, v4;
	_ =	sdelay $0x1  }
0x82: {  	v3 =	vadd.s32 v1, v3;
	_ =	sdelay $0x2  }
0x83: {  	[tilespmem:s25], [sflag:$0x2] =	stream.indirect_vreg.gather [hbm4b:s3+s2], $0x80, v4, vm0, $0xb8;
	[tilespmem:$0x12000] =	vst v63  }
0x84: {  	_ = 	snop  }
0x85: {  	[tilespmem:s26], [sflag:$0x2] =	stream.indirect_vreg.gather [hbm4b:s3+s2], $0x80, v3, vm0, $0xb8;
	[tilespmem:$0x12000] =	vst v63  }
0x86: {  	v3 =	vld.msk [tilespmem:s0+$0x10], $0xff;
	_ =	sdelay $0x4  }
0x87: {  	v57 =	vshll.u32 v3, $0x1  }
0x88: {  	v3 =	vand.u32 $0x7, v3;
	v4 =	vand.u32 $0xFFFFFFF0, v57  }
0x89: {  	v3 =	vor.u32 v3, v4  }
0x8a: {  	v3 =	vperm.xlane v3, v0;
	_ =	sdelay $0x1  }
0x8b: {  	v3 =	vadd.s32 v1, v3;
	_ =	sdelay $0x4  }
0x8c: {  	[tilespmem:s28], [sflag:$0x2] =	stream.indirect_vreg.gather [hbm4b:s3+s2], $0x80, v3, vm0, $0xb8;
	[tilespmem:$0x12000] =	vst v63  }
0x8d: {  	_ =	swait.ge [sflag:s29], $0x2800  }
0x8e: {  	[sflag:s29] =	ssyncset.done $0x0  }
0x8f: {  	[sflag:s29] =	ssyncadd.s32 $0xFFFFD800  }
0x90: {  	_ =	swait.ge [sflag:s29], $0x2800  }
0x91: {  	s5 =	rddreg [dreg:$0x3];
	[sflag:s29] =	ssyncset.done $0x0  }
0x92: {  	[sflag:s29] =	ssyncadd.s32 $0xFFFFD800;
	s4 =	sadd.s32 s10, s5  }
0x93: {  	[hbm4b:s4+s2] =	stream.linear.scatter [tilespmem:s11], [sflag:$0x3], $0x2800, $0x38;
	[tilespmem:$0x12000] =	vst v63  }
0x94: {  	_ =	swait.ge [sflag:s9], $0x2800  }
0x95: {  	s5 =	rddreg [dreg:$0x2];
	[sflag:s9] =	ssyncset.done $0x0  }
0x96: {  	[sflag:s9] =	ssyncadd.s32 $0xFFFFD800;
	s5 =	sadd.s32 s10, s5  }
0x97: {  	[hbm4b:s5+s2] =	stream.linear.scatter [tilespmem:s16], [sflag:$0x3], $0x2800, $0x38;
	[tilespmem:$0x12000] =	vst v63  }
0x98: {  	_ =	swait.ge [sflag:s9], $0x2800  }
0x99: {  	[sflag:s9] =	ssyncset.done $0x0  }
0x9a: {  	[sflag:s9] =	ssyncadd.s32 $0xFFFFD800  }
0x9b: {  	v3 =	vld [tilespmem:s1+$0x70];
	_ =	sdelay $0x4  }
0x9c: {  	v58 =	vshll.u32 v3, $0x1  }
0x9d: {  	v3 =	vand.u32 $0x7, v3;
	v4 =	vand.u32 $0xFFFFFFF0, v58  }
0x9e: {  	v3 =	vor.u32 v3, v4  }
0x9f: {  	v4 =	vperm.xlane v3, v0;
	_ =	sdelay $0x1  }
0xa0: {  	v3 =	vperm.xlane v3, v2;
	v4 =	vadd.s32 v1, v4;
	_ =	sdelay $0x1  }
0xa1: {  	v3 =	vadd.s32 v1, v3;
	_ =	sdelay $0x2  }
0xa2: {  	[tilespmem:s11], [sflag:$0x1] =	stream.indirect_vreg.gather [hbm4b:s3+s2], $0x80, v4, vm0, $0xb8;
	[tilespmem:$0x12000] =	vst v63  }
0xa3: {  	_ = 	snop  }
0xa4: {  	[tilespmem:s12], [sflag:$0x1] =	stream.indirect_vreg.gather [hbm4b:s3+s2], $0x80, v3, vm0, $0xb8;
	[tilespmem:$0x12000] =	vst v63  }
0xa5: {  	v3 =	vld [tilespmem:s1+$0x80];
	_ =	sdelay $0x4  }
0xa6: {  	v59 =	vshll.u32 v3, $0x1  }
0xa7: {  	v3 =	vand.u32 $0x7, v3;
	v4 =	vand.u32 $0xFFFFFFF0, v59  }
0xa8: {  	v3 =	vor.u32 v3, v4  }
0xa9: {  	v4 =	vperm.xlane v3, v0;
	_ =	sdelay $0x1  }
0xaa: {  	v3 =	vperm.xlane v3, v2;
	v4 =	vadd.s32 v1, v4;
	_ =	sdelay $0x1  }
0xab: {  	v3 =	vadd.s32 v1, v3;
	_ =	sdelay $0x2  }
0xac: {  	[tilespmem:s13], [sflag:$0x1] =	stream.indirect_vreg.gather [hbm4b:s3+s2], $0x80, v4, vm0, $0xb8;
	[tilespmem:$0x12000] =	vst v63  }
0xad: {  	_ = 	snop  }
0xae: {  	[tilespmem:s14], [sflag:$0x1] =	stream.indirect_vreg.gather [hbm4b:s3+s2], $0x80, v3, vm0, $0xb8;
	[tilespmem:$0x12000] =	vst v63  }
0xaf: {  	v3 =	vld.msk [tilespmem:s1+$0x90], $0xff;
	_ =	sdelay $0x4  }
0xb0: {  	v60 =	vshll.u32 v3, $0x1  }
0xb1: {  	v3 =	vand.u32 $0x7, v3;
	v4 =	vand.u32 $0xFFFFFFF0, v60  }
0xb2: {  	v3 =	vor.u32 v3, v4  }
0xb3: {  	v3 =	vperm.xlane v3, v0;
	_ =	sdelay $0x1  }
0xb4: {  	v3 =	vadd.s32 v1, v3;
	_ =	sdelay $0x4  }
0xb5: {  	[tilespmem:s15], [sflag:$0x1] =	stream.indirect_vreg.gather [hbm4b:s3+s2], $0x80, v3, vm0, $0xb8;
	[tilespmem:$0x12000] =	vst v63  }
0xb6: {  	v3 =	vld [tilespmem:s0+$0x70];
	_ =	sdelay $0x4  }
0xb7: {  	v61 =	vshll.u32 v3, $0x1  }
0xb8: {  	v3 =	vand.u32 $0x7, v3;
	v4 =	vand.u32 $0xFFFFFFF0, v61  }
0xb9: {  	v3 =	vor.u32 v3, v4  }
0xba: {  	v4 =	vperm.xlane v3, v0;
	_ =	sdelay $0x1  }
0xbb: {  	v3 =	vperm.xlane v3, v2;
	v4 =	vadd.s32 v1, v4;
	_ =	sdelay $0x1  }
0xbc: {  	v3 =	vadd.s32 v1, v3;
	_ =	sdelay $0x2  }
0xbd: {  	[tilespmem:s16], [sflag:$0x1] =	stream.indirect_vreg.gather [hbm4b:s3+s2], $0x80, v4, vm0, $0xb8;
	[tilespmem:$0x12000] =	vst v63  }
0xbe: {  	_ = 	snop  }
0xbf: {  	[tilespmem:s17], [sflag:$0x1] =	stream.indirect_vreg.gather [hbm4b:s3+s2], $0x80, v3, vm0, $0xb8;
	[tilespmem:$0x12000] =	vst v63  }
0xc0: {  	v3 =	vld [tilespmem:s0+$0x80];
	_ =	sdelay $0x4  }
0xc1: {  	v62 =	vshll.u32 v3, $0x1  }
0xc2: {  	v3 =	vand.u32 $0x7, v3;
	v4 =	vand.u32 $0xFFFFFFF0, v62  }
0xc3: {  	v3 =	vor.u32 v3, v4  }
0xc4: {  	v4 =	vperm.xlane v3, v0;
	_ =	sdelay $0x1  }
0xc5: {  	v3 =	vperm.xlane v3, v2;
	v4 =	vadd.s32 v1, v4;
	_ =	sdelay $0x1  }
0xc6: {  	v3 =	vadd.s32 v1, v3;
	_ =	sdelay $0x2  }
0xc7: {  	[tilespmem:s18], [sflag:$0x1] =	stream.indirect_vreg.gather [hbm4b:s3+s2], $0x80, v4, vm0, $0xb8;
	[tilespmem:$0x12000] =	vst v63  }
0xc8: {  	_ = 	snop  }
0xc9: {  	[tilespmem:s19], [sflag:$0x1] =	stream.indirect_vreg.gather [hbm4b:s3+s2], $0x80, v3, vm0, $0xb8;
	[tilespmem:$0x12000] =	vst v63  }
0xca: {  	v3 =	vld.msk [tilespmem:s0+$0x90], $0xff;
	_ =	sdelay $0x4  }
0xcb: {  	v63 =	vshll.u32 v3, $0x1  }
0xcc: {  	v3 =	vand.u32 $0x7, v3;
	v4 =	vand.u32 $0xFFFFFFF0, v63  }
0xcd: {  	v3 =	vor.u32 v3, v4  }
0xce: {  	v3 =	vperm.xlane v3, v0;
	_ =	sdelay $0x1  }
0xcf: {  	v3 =	vadd.s32 v1, v3;
	_ =	sdelay $0x4  }
0xd0: {  	[tilespmem:s20], [sflag:$0x1] =	stream.indirect_vreg.gather [hbm4b:s3+s2], $0x80, v3, vm0, $0xb8;
	[tilespmem:$0x12000] =	vst v63  }
0xd1: {  	_ =	swait.ge [sflag:s30], $0x2800  }
0xd2: {  	[sflag:s30] =	ssyncset.done $0x0  }
0xd3: {  	[sflag:s30] =	ssyncadd.s32 $0xFFFFD800  }
0xd4: {  	_ =	swait.ge [sflag:s30], $0x2800  }
0xd5: {  	[sflag:s30] =	ssyncset.done $0x0  }
0xd6: {  	s4 =	sadd.s32 $0x500, s4;
	[sflag:s30] =	ssyncadd.s32 $0xFFFFD800  }
0xd7: {  	[hbm4b:s4+s2] =	stream.linear.scatter [tilespmem:s21], [sflag:$0x3], $0x2800, $0x38;
	[tilespmem:$0x12000] =	vst v63  }
0xd8: {  	_ =	swait.ge [sflag:s9], $0x2800  }
0xd9: {  	p0 =	sne.s32 s10, $0x26200;
	[sflag:s9] =	ssyncset.done $0x0  }
.Ltmp0:
0xda: {  	s5 =	sadd.s32 $0x500, s5;
	[sflag:s9] =	ssyncadd.s32 $0xFFFFD800;
	(pc) =	sbr.rel @p0 .LBB2_2-.Ltmp0, $4  }
0xdb: {  	[hbm4b:s5+s2] =	stream.linear.scatter [tilespmem:s23], [sflag:$0x3], $0x2800, $0x38;
	[tilespmem:$0x12000] =	vst v63  }
0xdc: {  	_ =	swait.ge [sflag:s9], $0x2800  }
0xdd: {  	s10 =	sadd.s32 $0xA00, s10;
	[sflag:s9] =	ssyncset.done $0x0  }
0xde: {  	s1 =	sadd.s32 $0x100, s1;
	s0 =	sadd.s32 $0x100, s0;
	[sflag:s9] =	ssyncadd.s32 $0xFFFFD800  }
0xdf: {  	_ =	swait.ge [sflag:s29], $0x2800  }
0xe0: {  	[sflag:s29] =	ssyncset.done $0x0  }
0xe1: {  	[sflag:s29] =	ssyncadd.s32 $0xFFFFD800  }
0xe2: {  	_ =	swait.ge [sflag:s29], $0x2800  }
0xe3: {  	[sflag:s29] =	ssyncset.done $0x0  }
0xe4: {  	[sflag:s29] =	ssyncadd.s32 $0xFFFFD800  }
0xe5: {  	[hbm4b:s6+s2] =	stream.linear.scatter [tilespmem:s11], [sflag:$0x3], $0x2800, $0x38;
	[tilespmem:$0x12000] =	vst v63  }
0xe6: {  	s31 =	sadd.s32 $0x1, s31;
	_ =	swait.ge [sflag:s9], $0x2800  }
0xe7: {  	p0 =	sne.s32 s31, s8;
	[sflag:s9] =	ssyncset.done $0x0  }
.Ltmp1:
0xe8: {  	[sflag:s9] =	ssyncadd.s32 $0xFFFFD800;
	(pc) =	sbr.rel @p0 .LBB2_1-.Ltmp1, $4  }
0xe9: {  	[hbm4b:s7+s2] =	stream.linear.scatter [tilespmem:s16], [sflag:$0x3], $0x2800, $0x38;
	[tilespmem:$0x12000] =	vst v63  }
0xea: {  	_ =	swait.ge [sflag:s9], $0x2800  }
0xeb: {  	[sflag:s9] =	ssyncset.done $0x0  }
0xec: {  	[sflag:s9] =	ssyncadd.s32 $0xFFFFD800  }
0xed: {  	_ =	sfence.sel $0x180000  }
0xee: {  	[bflag:$0x0] =	sbarrier.arrive $0xFFFF  }
0xef: {  	_ =	strace $0x9000004A  }
0xf0: {  	s0 =	stileid.u32;
	[bflag:$0x2] =	sbarrier.arrive $0xFFFF  }
0xf1: {  	p0 =	sne.s32 s0, $0x0;
	s0 =	rddreg [dreg:$0x1]  }
0xf2: {  	s0 =	sadd.s32 @!p0 $0x100000, s0  }
0xf3: {  	[sflag:s0] =	ssyncadd.tile.s32 @!p0 $0x1;
	_ =	shalt  }
.Lfunc_end2:
_tile_overlayer_lowered:
.L_overlay_start_2:
0xf4: {  	(tag) =	ssettag $0x2  }
0xf5: {  	s0 =	rddreg [dreg:$0x0];
	s2 =	stileid.u32  }
0xf6: {  	s1 =	rddreg [dreg:$0x1];
	p0 =	sne.s32 s2, $0x0  }
0xf7: {  	s3 =	rddreg [dreg:$0x2];
	[bflag:$0x3] =	sbarrier.arrive $0xFFFF;
	s2 =	simm.s32 @!p0 $0x1C03  }
0xf8: {  	[timem:s3], [sflag:s2] =	dma.local @!p0 [hbm:s0], s1  }
0xf9: {  	s0 =	simm.s32 @!p0 $0x3  }
0xfa: {  	_ =	swait.ge @!p0 [sflag:s0], s1  }
0xfb: {  	s1 =	ssub.s32 @!p0 $0x0, s1;
	[sflag:s0] =	ssyncset.done @!p0 $0x0  }
0xfc: {  	[sflag:s0] =	ssyncadd.s32 @!p0 s1  }
0xfd: {  	[bflag:$0x3] =	sbarrier.arrive $0xFFFF  }
0xfe: {  	_ =	shalt  }

// kernel: kernel.18.cloned.1.call-start
scs
__scs_entry_jumppad:
0x0: {  	(pc) =	sbr.rel $0x88, $3  }
0x1: {  	(tag) =	ssettag $0x0;
	lr =	simm.s32 $0x1  }
0x2: {  	[smem:$0x3F88] =	sst lr;
	_ =	strace $0xD0000000  }
0x3: {  	_ = 	snop  }
0x4: {  	_ = 	snop  }
0x5: {  	_ = 	snop  }
0x6: {  	_ = 	snop  }
0x7: {  	_ = 	snop  }
__scs_overlays_trampoline_lowered:
0x8: {  	[smem:$0x3F97] =	sst s0  }
0x9: {  	[smem:$0x3F98] =	sst s1  }
0xa: {  	[smem:$0x3F99] =	sst s2  }
0xb: {  	[smem:$0x3F9A] =	sst s3  }
0xc: {  	[smem:$0x3F9B] =	sst s4  }
0xd: {  	[smem:$0x3F9C] =	sst s5  }
0xe: {  	[smem:$0x3F9D] =	sst s6  }
0xf: {  	[smem:$0x3F9E] =	sst s7  }
0x10: {  	[smem:$0x3F9F] =	sst s8  }
0x11: {  	[smem:$0x3FA0] =	sst s9;
	s0 =	simm.s32 @!p0 $0x0  }
0x12: {  	s1 =	sld [smem:$0x3F86];
	s0 =	simm.s32 @p0 $0x1  }
0x13: {  	[smem:$0x3FA1] =	sst s0;
	s0 =	simm.s32 @!p1 $0x0  }
0x14: {  	s2 =	sld [smem:$0x3F85];
	s0 =	simm.s32 @p1 $0x1  }
0x15: {  	[smem:$0x3FA2] =	sst s0;
	s0 =	simm.s32 @!p2 $0x0  }
0x16: {  	s3 =	sld [smem:$0x3FDB];
	s0 =	simm.s32 @p2 $0x1  }
0x17: {  	s4 =	simm.s32 $0x1BF5;
	[smem:$0x3FA4] =	sst s0  }
0x18: {  	s0 =	sld [smem:$0x3F87];
	_ =	swait.ge [sflag:s4], $0x0  }
0x19: {  	s7 =	sld [smem:$0x3F88]  }
0x1a: {  	s8 =	sadd.s32 $0xFFFFE003, lr  }
0x1b: {  	s9 =	sadd.s32 $0xFFFFFEF7, lr;
	s5 =	simm.s32 $0xFFFFFFFF;
	p2 =	slt.u32 s8, $0xFFFFF086  }
0x1c: {  	p1 =	slt.u32 s9, $0xF7A;
	s5 =	simm.s32 @!p2 $0x0  }
0x1d: {  	s5 =	simm.s32 @p1 $0x1;
	p0 =	seq.s32 s7, s2  }
0x1e: {  	s7 =	smul.u32 @!p0 $0xF7A, s2;
	p2 =	seq.s32 @!p0 s5, $0x0  }
0x1f: {  	s9 =	smul.u32 $0xF7A, s1;
	s8 =	simm.s32 @!p0 $0x1BF5;
	p2 =	por !p2, p0  }
0x20: {  	[sflag:s8] =	ssyncset.s32 @!p0 $0xFFFFF086;
	s6 =	sadd.s32 @!p0 s3, s7;
	s7 =	simm.s32 @!p0 $0x108  }
0x21: {  	s3 =	sadd.s32 s3, s9;
	s6 =	sadd.s32 @!p0 $0x88, s6;
	s7 =	simm.s32 @p2 $0x1082  }
0x22: {  	[simem:s7], [sflag:s8] =	dma.local @!p0 [hbm:s6], $0xF7A  }
0x23: {  	s9 =	sor.u32 $0xD0000000, s2;
	s6 =	simm.s32 $0x108;
	_ =	swait.ge @!p0 [sflag:s8], $0x0  }
0x24: {  	s3 =	sadd.s32 $0x88, s3;
	s6 =	simm.s32 @!p1 $0x1082;
	[sflag:s4] =	ssyncset.s32 $0xFFFFF086  }
0x25: {  	[simem:s6], [sflag:s4] =	dma.local [hbm:s3], $0xF7A  }
0x26: {  	[smem:$0x3F88] =	sst s1;
	(tag) =	ssettag s2;
	_ =	strace s9  }
0x27: {  	s1 =	sld [smem:$0x3F98]  }
0x28: {  	s2 =	sld [smem:$0x3F99]  }
0x29: {  	s4 =	sld [smem:$0x3F9B]  }
0x2a: {  	p0 =	seq.s32 s5, $0x0;
	s5 =	sld [smem:$0x3F9C]  }
0x2b: {  	s6 =	sld [smem:$0x3F9D]  }
0x2c: {  	s7 =	sld [smem:$0x3F9E]  }
0x2d: {  	s3 =	simm.s32 $0x108;
	s8 =	sld [smem:$0x3F9F]  }
0x2e: {  	s3 =	simm.s32 @!p0 $0x1082;
	s9 =	sld [smem:$0x3FA0]  }
0x2f: {  	lr =	sadd.s32 s0, s3;
	s0 =	sld [smem:$0x3F97]  }
0x30: {  	s3 =	sld [smem:$0x3F9A]  }
0x31: {  	[smem:$0x3FA3] =	sst s10  }
0x32: {  	s10 =	sld [smem:$0x3FA1];
	_ =	sdelay $0x3  }
0x33: {  	p0 =	seq.s32 s10, $0x1;
	s10 =	sld [smem:$0x3FA3];
	_ =	sdelay $0x3  }
0x34: {  	[smem:$0x3FA3] =	sst s10  }
0x35: {  	s10 =	sld [smem:$0x3FA2];
	_ =	sdelay $0x3  }
0x36: {  	p1 =	seq.s32 s10, $0x1;
	s10 =	sld [smem:$0x3FA3];
	_ =	sdelay $0x3  }
0x37: {  	[smem:$0x3FA3] =	sst s10  }
0x38: {  	s10 =	sld [smem:$0x3FA4]  }
0x39: {  	_ = 	snop;
	(pc) =	sbr.ind lr, $3  }
0x3a: {  	_ = 	snop  }
0x3b: {  	_ = 	snop  }
0x3c: {  	p2 =	seq.s32 s10, $0x1;
	s10 =	sld [smem:$0x3FA3]  }
0x3d: {  	_ =	shalt  }
0x3e: {  	_ =	shalt  }
0x3f: {  	_ =	shalt  }
0x40: {  	_ =	shalt  }
0x41: {  	_ =	shalt  }
0x42: {  	_ =	shalt  }
0x43: {  	_ =	shalt  }
0x44: {  	_ =	shalt  }
0x45: {  	_ =	shalt  }
0x46: {  	_ =	shalt  }
0x47: {  	_ =	shalt  }
0x48: {  	_ =	shalt  }
0x49: {  	_ =	shalt  }
0x4a: {  	_ =	shalt  }
0x4b: {  	_ =	shalt  }
0x4c: {  	_ =	shalt  }
0x4d: {  	_ =	shalt  }
0x4e: {  	_ =	shalt  }
0x4f: {  	_ =	shalt  }
0x50: {  	_ =	shalt  }
0x51: {  	_ =	shalt  }
0x52: {  	_ =	shalt  }
0x53: {  	_ =	shalt  }
0x54: {  	_ =	shalt  }
0x55: {  	_ =	shalt  }
0x56: {  	_ =	shalt  }
0x57: {  	_ =	shalt  }
0x58: {  	_ =	shalt  }
0x59: {  	_ =	shalt  }
0x5a: {  	_ =	shalt  }
0x5b: {  	_ =	shalt  }
0x5c: {  	_ =	shalt  }
0x5d: {  	_ =	shalt  }
0x5e: {  	_ =	shalt  }
0x5f: {  	_ =	shalt  }
0x60: {  	_ =	shalt  }
0x61: {  	_ =	shalt  }
0x62: {  	_ =	shalt  }
0x63: {  	_ =	shalt  }
0x64: {  	_ =	shalt  }
0x65: {  	_ =	shalt  }
0x66: {  	_ =	shalt  }
0x67: {  	_ =	shalt  }
0x68: {  	_ =	shalt  }
0x69: {  	_ =	shalt  }
0x6a: {  	_ =	shalt  }
0x6b: {  	_ =	shalt  }
0x6c: {  	_ =	shalt  }
0x6d: {  	_ =	shalt  }
0x6e: {  	_ =	shalt  }
0x6f: {  	_ =	shalt  }
0x70: {  	_ =	shalt  }
0x71: {  	_ =	shalt  }
0x72: {  	_ =	shalt  }
0x73: {  	_ =	shalt  }
0x74: {  	_ =	shalt  }
0x75: {  	_ =	shalt  }
0x76: {  	_ =	shalt  }
0x77: {  	_ =	shalt  }
0x78: {  	_ =	shalt  }
0x79: {  	_ =	shalt  }
0x7a: {  	_ =	shalt  }
0x7b: {  	_ =	shalt  }
0x7c: {  	_ =	shalt  }
0x7d: {  	_ =	shalt  }
0x7e: {  	_ =	shalt  }
0x7f: {  	_ =	shalt  }
0x80: {  	_ =	shalt  }
0x81: {  	_ =	shalt  }
0x82: {  	_ =	shalt  }
0x83: {  	_ =	shalt  }
0x84: {  	_ =	shalt  }
0x85: {  	_ =	shalt  }
0x86: {  	_ =	shalt  }
0x87: {  	_ =	shalt  }
.Lfunc_end0:
.L_simem_size_0:
called_computation.3_lowered:
.L_overlay_start_0:
0x88: {  	s2 =	sld [smem:$0x3FD9]  }
0x89: {  	s3 =	sld [smem:$0x3FFE];
	_ =	sdelay $0x1  }
0x8a: {  	s1 =	srdreg.scid  }
0x8b: {  	s0 =	sand.u32 $0x1, s1  }
0x8c: {  	s17 =	sshll.u32 s0, $0xA;
	s2 =	sadd.s32 s3, s2  }
0x8d: {  	s2 =	sadd.s32 s2, s17  }
0x8e: {  	[smem:$0x3FAF] =	sst s2  }
0x8f: {  	_ = 	snop  }
0x90: {  	(tm) =	ssettm $0x1  }
0x91: {  	s18 =	sld [smem:$0x3FFB];
	_ =	sdelay $0x3  }
0x92: {  	_ =	strace s18  }
0x93: {  	s2 =	sld [smem:$0x3FFC];
	_ =	sdelay $0x3  }
0x94: {  	_ =	strace s2  }
0x95: {  	s2 =	sld [smem:$0x3FFD];
	_ =	sdelay $0x3  }
0x96: {  	_ =	strace s2  }
0x97: {  	_ =	strace $0x8FFFFFFF  }
0x98: {  	s19 =	sld [smem:$0x3FDB];
	_ =	sdelay $0x1  }
0x99: {  	s20 =	simm.s32 $_scs_section_size  }
0x9a: {  	s4 =	simm.s32 $_size__tile_overlayer_lowered;
	s5 =	simm.s32 $_tile_overlayer_lowered  }
0x9b: {  	s6 =	simm.s32 $0x1BFF;
	s21 =	sshll.u32 s5, $0x1;
	s3 =	sadd.s32 s20, s19  }
0x9c: {  	s22 =	simm.s32 $0x0;
	s4 =	sshll.u32 s4, $0x1;
	s5 =	sadd.s32 s21, s3  }
0x9d: {  	[timem:s22], [sflag:s6] =	dma.local [hbm:s5], s4  }
0x9e: {  	_ =	swait.ge [sflag:s6], s4  }
0x9f: {  	s4 =	ssub.s32 $0x0, s4;
	[sflag:s6] =	ssyncset.done $0x0  }
0xa0: {  	[sflag:s6] =	ssyncadd.s32 s4;
	_ =	sdelay $0x1  }
0xa1: {  	s23 =	simm.s32 $0x1B8B  }
0xa2: {  	_ =	swait.ge [sflag:s23], $0x1  }
0xa3: {  	[sflag:s23] =	ssyncset.done $0x0  }
0xa4: {  	[sflag:s23] =	ssyncadd.s32 $0xFFFFFFFF  }
0xa5: {  	s4 =	sld [smem:$0x0]  }
0xa6: {  	s5 =	sand.u32 $0xFFFFFFFE, s1  }
0xa7: {  	p0 =	sne.s32 s1, s5  }
0xa8: {  	s5 =	sshll.u32 @p0 s5, $0xE  }
0xa9: {  	s5 =	sadd.s32 @p0 $0x11B8D, s5;
	s6 =	sshll.u32 @p0 s4, $0x11  }
0xaa: {  	s5 =	sor.u32 @p0 s6, s5  }
0xab: {  	[sflag:s5] =	ssyncadd.remote.s32 @p0 $0x1;
	_ =	sdelay $0x1  }
0xac: {  	s5 =	simm.s32 @p0 $0x1B8D  }
0xad: {  	_ =	swait.eq @p0 [sflag:s5], $0x1  }
0xae: {  	[sflag:s5] =	ssyncadd.s32 @p0 $0xFFFFFFFF  }
0xaf: {  	s6 =	sshll.u32 @!p0 s1, $0xE  }
0xb0: {  	s6 =	sor.u32 @!p0 $0x4000, s6;
	s5 =	simm.s32 @!p0 $0x1B8D  }
0xb1: {  	s4 =	sshll.u32 @!p0 s4, $0x11;
	s6 =	sadd.s32 @!p0 $0x11B8D, s6;
	_ =	swait.eq @!p0 [sflag:s5], $0x1  }
0xb2: {  	s4 =	sor.u32 @!p0 s4, s6;
	[sflag:s5] =	ssyncadd.s32 @!p0 $0xFFFFFFFF  }
0xb3: {  	s25 =	simm.s32 $0x1B8E;
	s24 =	sld [smem:$0x3FFE];
	[sflag:s4] =	ssyncadd.remote.s32 @!p0 $0x1  }
0xb4: {  	s26 =	simm.s32 $execute0_lowered;
	[smem:$0x3FD2] =	sst s25  }
0xb5: {  	s5 =	sshll.u32 s26, $0x1;
	_ =	strace $0x8000004F;
	[dreg:$0x1] =	wrdreg $0xFFFFFFFF  }
0xb6: {  	s28 =	simm.s32 $_size_execute0_lowered;
	s3 =	sadd.s32 s3, s5;
	[dreg:$0x0] =	wrdreg $0x0  }
0xb7: {  	s5 =	sshll.u32 s28, $0x1;
	[dreg:$0x2] =	wrdreg s3  }
0xb8: {  	[dreg:$0x3] =	wrdreg s5  }
0xb9: {  	[dreg:$0x4] =	wrdreg $0xC0  }
0xba: {  	_ =	task [dreg:s22], $0x5FFFF  }
0xbb: {  	[dreg:$0x1] =	wrdreg $0xFFFFFFFF  }
0xbc: {  	[dreg:$0x0] =	wrdreg $0x60  }
0xbd: {  	[dreg:$0x2] =	wrdreg s24  }
0xbe: {  	[dreg:$0x3] =	wrdreg $0x90000  }
0xbf: {  	[dreg:$0x4] =	wrdreg $0xA  }
0xc0: {  	_ =	task.clear_ibuf [dreg:s22], $0x5FFFF;
	_ =	strace $0x9000004F  }
0xc1: {  	s29 =	simm.s32 $0xA;
	_ =	strace $0x80000051  }
0xc2: {  	_ =	swait.ge [sflag:s29], $0x1  }
0xc3: {  	[sflag:s29] =	ssyncadd.s32 $0xFFFFFFFF  }
0xc4: {  	_ =	strace $0x90000051  }
0xc5: {  	_ =	sfence  }
0xc6: {  	s30 =	sld [smem:$0x0];
	_ =	sdelay $0x2  }
0xc7: {  	s31 =	sshll.u32 s1, $0xD;
	s1 =	sshrl.u32 s1, $0x2  }
0xc8: {  	s4 =	sand.u32 $0x4000, s31;
	s1 =	sadd.s32 s1, s30  }
0xc9: {  	s0 =	sor.u32 s4, s0;
	s1 =	sshll.u32 s1, $0x11  }
0xca: {  	s0 =	sor.u32 s1, s0  }
0xcb: {  	s0 =	sadd.s32 $0x8F2B, s0  }
0xcc: {  	[sflag:s0] =	ssyncadd.remote.s32 $0x1  }
0xcd: {  	_ =	sfence.sel $0xFFFF  }
0xce: {  	[dreg:$0x0] =	wrdreg $0xFFFFFFFF;
	(pc) =	sbr.abs _section_cstart, $3  }
0xcf: {  	[dreg:$0x1] =	wrdreg $0xFFFFFFFF  }
0xd0: {  	_ =	task.clear_ibuf [dreg:s22], $0x2FFFF;
	_ =	strace $0x9FFFFFFF  }
0xd1: {  	(tm) =	ssettm $0x7FFFFFFF  }
tec
execute0_lowered:
.L_overlay_start_1:
0x0: {  	(tag) =	ssettag $0x1  }
0x1: {  	s6 =	rddreg [dreg:$0x0]  }
0x2: {  	s1 =	rddreg [dreg:$0x1]  }
0x3: {  	s0 =	rddreg [dreg:$0x2];
	s2 =	simm.s32 $0x0  }
0x4: {  	s3 =	stileid.u32;
	s5 =	srdreg.scid;
	s15 =	simm.s32 $0x4000  }
0x5: {  	s16 =	simm.s32 $0x6800;
	s17 =	simm.s32 $0x1;
	s18 =	simm.s32 $0x50  }
0x6: {  	s19 =	simm.s32 $0x2;
	s20 =	simm.s32 $0x3E00;
	[smem:$0x7FF] =	sst s2  }
0x7: {  	s4 =	smul.u32 $0x27100, s3;
	s31 =	sshll.u32 s3, $0xB;
	s14 =	sand.u32 $0x1, s5  }
0x8: {  	s5 =	sadd.s32 $0x1432800, s6;
	p1 =	seq.s32 s3, $0x0;
	_ =	strace $0x80000050  }
0x9: {  	s7 =	sadd.s32 s31, s6;
	s8 =	ssub.s32 $0x2, s14;
	p0 =	seq.s32 s14, $0x1  }
0xa: {  	s21 =	sor.u32 s3, s14;
	p3 =	sne.s32 s14, $0x0;
	s14 =	simm.s32 $0x3  }
0xb: {  	s12 =	sadd.s32 s4, s6;
	s4 =	sadd.s32 $0x1480A00, s6;
	s6 =	sadd.s32 $0x14F6000, s6  }
.Ltmp0:
0xc: {  	s9 =	sshrl.u32 s8, $0x1;
	s7 =	sadd.s32 $0xA800, s7;
	(pc) =	sbr.rel .LBB2_1-.Ltmp0, $4  }
0xd: {  	p1 =	por !p1, !p0;
	p4 =	sne.s32 s21, $0x0;
	s21 =	simm.s32 $0x0  }
0xe: {  	s10 =	ssub.s32 s8, s9;
	s8 =	sadd.s32 $0x2E9A00, s12;
	s9 =	sadd.s32 $0x55AA00, s12  }
0xf: {  	p2 =	por !p1, !p1;
	s11 =	sadd.s32 $0x2EA400, s12;
	p1 =	sne.s32 s3, $0x0  }
0x10: {  	s12 =	sadd.s32 $0x55B400, s12;
	s10 =	smax.u32 s10, $0x1;
	s13 =	sshrl.u32 @!p1 s1, $0x3  }
.LBB2_8:
0x11: {  	s24 =	sadd.s32 $0xFFFFFB00, s22;
	[sflag:s14] =	ssyncadd.s32 $0xFFFFD800  }
0x12: {  	[tilespmem:s16], [sflag:$0x2] =	stream.linear.gather [hbm4b:s24+s2], $0x2800, $0x38;
	[tilespmem:$0x1C880] =	vst v63  }
0x13: {  	_ =	swait.ge [sflag:s17], $0x2800  }
0x14: {  	[sflag:s17] =	ssyncset.done $0x0  }
0x15: {  	s23 =	sshra.s32 s23, $0x2;
	[sflag:s17] =	ssyncadd.s32 $0xFFFFD800  }
0x16: {  	[spmem:s1] =	stream.indirect.scatter.add.f32 [tilespmem:s15], [sflag:$0x3], $0x80, s23, s18, $0xb8;
	[tilespmem:$0x1C880] =	vst v63  }
0x17: {  	_ =	swait.ge [sflag:s14], $0x2800  }
0x18: {  	[sflag:s14] =	ssyncset.done $0x0  }
0x19: {  	[sflag:s14] =	ssyncadd.s32 $0xFFFFD800  }
0x1a: {  	[tilespmem:s15], [sflag:$0x1] =	stream.linear.gather [hbm4b:s22+s2], $0x2800, $0x38;
	[tilespmem:$0x1C880] =	vst v63  }
0x1b: {  	_ =	swait.ge [sflag:s19], $0x2800  }
0x1c: {  	[sflag:s19] =	ssyncset.done $0x0  }
0x1d: {  	s31 =	sadd.s32 $0x80, s23;
	[sflag:s19] =	ssyncadd.s32 $0xFFFFD800  }
0x1e: {  	[spmem:s1] =	stream.indirect.scatter.add.f32 [tilespmem:s16], [sflag:$0x3], $0x80, s31, s18, $0xb8;
	[tilespmem:$0x1C880] =	vst v63  }
0x1f: {  	_ =	swait.ge [sflag:s14], $0x2800  }
0x20: {  	[sflag:s14] =	ssyncset.done $0x0  }
0x21: {  	[sflag:s14] =	ssyncadd.s32 $0xFFFFD800  }
0x22: {  	_ =	swait.ge [sflag:s17], $0x2800  }
0x23: {  	[sflag:s17] =	ssyncset.done $0x0  }
0x24: {  	[sflag:s17] =	ssyncadd.s32 $0xFFFFD800  }
0x25: {  	[spmem:s1] =	stream.indirect.scatter.add.f32 [tilespmem:s15], [sflag:$0x3], $0x80, s20, s18, $0xb8;
	[tilespmem:$0x1C880] =	vst v63  }
0x26: {  	_ =	swait.ge [sflag:s14], $0x2800  }
0x27: {  	[sflag:s14] =	ssyncset.done $0x0  }
0x28: {  	[sflag:s14] =	ssyncadd.s32 $0xFFFFD800  }
.LBB2_9:
0x29: {  	s22 =	sshll.u32 @!p4 s3, $0x6  }
0x2a: {  	[bflag:$0x0] =	sbarrier.arrive $0xFFFF;
	s23 =	sshrl.u32 @!p4 s1, $0x3;
	s22 =	sor.u32 @!p4 $0x1C03, s22  }
0x2b: {  	[hbm:s5], [sflag:s22] =	dma.local @!p4 [spmem:s23], $0x27100  }
0x2c: {  	s22 =	simm.s32 @!p4 $0x3  }
0x2d: {  	s21 =	sadd.s32 $0x1, s21;
	_ =	swait.ge @!p4 [sflag:s22], $0x27100  }
0x2e: {  	p5 =	sne.s32 s21, s10;
	[sflag:s22] =	ssyncset.done @!p4 $0x0  }
0x2f: {  	s23 =	simm.s32 @p2 $0x1C03;
	[sflag:s22] =	ssyncadd.s32 @!p4 $0xFFFD8F00;
	s22 =	sshrl.u32 @p2 s1, $0x3  }
0x30: {  	[hbm:s6], [sflag:s23] =	dma.local @p2 [spmem:s22], $0x27100  }
.Ltmp1:
0x31: {  	_ = 	snop;
	(pc) =	sbr.rel @!p5 .LBB2_10-.Ltmp1, $4  }
0x32: {  	s22 =	simm.s32 @p2 $0x3  }
0x33: {  	_ =	swait.ge @p2 [sflag:s22], $0x27100  }
0x34: {  	[sflag:s22] =	ssyncset.done @p2 $0x0  }
0x35: {  	[sflag:s22] =	ssyncadd.s32 @p2 $0xFFFD8F00  }
.LBB2_1:
0x36: {  	s22 =	simm.s32 @!p1 $0x1C03  }
0x37: {  	[spmem:s13], [sflag:s22] =	dma.local @!p1 [hbm:s4], $0x27100  }
0x38: {  	s22 =	simm.s32 @!p1 $0x3  }
0x39: {  	_ =	swait.ge @!p1 [sflag:s22], $0x27100  }
0x3a: {  	[sflag:s22] =	ssyncset.done @!p1 $0x0  }
0x3b: {  	[sflag:s22] =	ssyncadd.s32 @!p1 $0xFFFD8F00  }
0x3c: {  	[tilespmem:s2], [sflag:$0x3] =	stream.linear.gather [hbm4b:s7+s2], $0x3E80, $0x38;
	[tilespmem:$0x1C880] =	vst v63  }
.Ltmp2:
0x3d: {  	_ =	swait.ge [sflag:s14], $0x3E80;
	(pc) =	sbr.rel @p3 .LBB2_5-.Ltmp2, $3  }
0x3e: {  	[sflag:s14] =	ssyncset.done $0x0  }
0x3f: {  	[sflag:s14] =	ssyncadd.s32 $0xFFFFC180  }
0x40: {  	[bflag:$0x0] =	sbarrier.arrive $0xFFFF;
	_ =	sdelay $0x1  }
0x41: {  	s22 =	simm.s32 $0x0  }
0x42: {  	[tilespmem:s15], [sflag:$0x1] =	stream.linear.gather [hbm4b:s8+s22], $0x2800, $0x38;
	[tilespmem:$0x1C880] =	vst v63  }
0x43: {  	s29 =	sadd.s32 $0xFFFFFB00, s11  }
0x44: {  	[tilespmem:s16], [sflag:$0x2] =	stream.linear.gather [hbm4b:s29+s2], $0x2800, $0x38;
	[tilespmem:$0x1C880] =	vst v63  }
0x45: {  	_ =	swait.ge [sflag:s17], $0x2800  }
0x46: {  	[sflag:s17] =	ssyncset.done $0x0  }
0x47: {  	s30 =	simm.s32 $0x0;
	[sflag:s17] =	ssyncadd.s32 $0xFFFFD800  }
0x48: {  	[spmem:s1] =	stream.indirect.scatter.add.f32 [tilespmem:s15], [sflag:$0x3], $0x80, s30, s18, $0xb8;
	[tilespmem:$0x1C880] =	vst v63  }
0x49: {  	_ =	swait.ge [sflag:s14], $0x2800  }
0x4a: {  	[sflag:s14] =	ssyncset.done $0x0  }
0x4b: {  	[sflag:s14] =	ssyncadd.s32 $0xFFFFD800  }
0x4c: {  	[tilespmem:s15], [sflag:$0x1] =	stream.linear.gather [hbm4b:s11+s2], $0x2800, $0x38;
	[tilespmem:$0x1C880] =	vst v63  }
0x4d: {  	_ =	swait.ge [sflag:s19], $0x2800  }
0x4e: {  	[sflag:s19] =	ssyncset.done $0x0  }
0x4f: {  	s31 =	simm.s32 $0x80;
	[sflag:s19] =	ssyncadd.s32 $0xFFFFD800  }
0x50: {  	[spmem:s1] =	stream.indirect.scatter.add.f32 [tilespmem:s16], [sflag:$0x3], $0x80, s31, s18, $0xb8;
	[tilespmem:$0x1C880] =	vst v63  }
0x51: {  	s23 =	simm.s32 $0x400;
	_ =	swait.ge [sflag:s14], $0x2800  }
0x52: {  	s24 =	simm.s32 $0x800;
	s22 =	sadd.s32 $0xA00, s11;
	[sflag:s14] =	ssyncset.done $0x0  }
.LBB2_3:
0x53: {  	p5 =	sne.s32 s24, $0xF400;
	s25 =	sadd.s32 $0xFFFFFB00, s22;
	[sflag:s14] =	ssyncadd.s32 $0xFFFFD800  }
0x54: {  	[tilespmem:s16], [sflag:$0x2] =	stream.linear.gather [hbm4b:s25+s2], $0x2800, $0x38;
	[tilespmem:$0x1C880] =	vst v63  }
0x55: {  	s25 =	smov.u32 s24;
	s24 =	sadd.s32 $0x400, s24;
	_ =	swait.ge [sflag:s17], $0x2800  }
0x56: {  	[sflag:s17] =	ssyncset.done $0x0  }
0x57: {  	s26 =	sshra.s32 s23, $0x2;
	s23 =	smov.u32 s25;
	[sflag:s17] =	ssyncadd.s32 $0xFFFFD800  }
0x58: {  	[spmem:s1] =	stream.indirect.scatter.add.f32 [tilespmem:s15], [sflag:$0x3], $0x80, s26, s18, $0xb8;
	[tilespmem:$0x1C880] =	vst v63  }
0x59: {  	_ =	swait.ge [sflag:s14], $0x2800  }
0x5a: {  	[sflag:s14] =	ssyncset.done $0x0  }
0x5b: {  	[sflag:s14] =	ssyncadd.s32 $0xFFFFD800  }
0x5c: {  	[tilespmem:s15], [sflag:$0x1] =	stream.linear.gather [hbm4b:s22+s2], $0x2800, $0x38;
	[tilespmem:$0x1C880] =	vst v63  }
0x5d: {  	_ =	swait.ge [sflag:s19], $0x2800  }
.Ltmp3:
0x5e: {  	[sflag:s19] =	ssyncset.done $0x0;
	(pc) =	sbr.rel @p5 .LBB2_3-.Ltmp3, $4  }
0x5f: {  	s25 =	sadd.s32 $0x80, s26;
	[sflag:s19] =	ssyncadd.s32 $0xFFFFD800  }
0x60: {  	[spmem:s1] =	stream.indirect.scatter.add.f32 [tilespmem:s16], [sflag:$0x3], $0x80, s25, s18, $0xb8;
	[tilespmem:$0x1C880] =	vst v63  }
0x61: {  	_ =	swait.ge [sflag:s14], $0x2800  }
0x62: {  	s22 =	sadd.s32 $0xA00, s22;
	[sflag:s14] =	ssyncset.done $0x0  }
0x63: {  	s24 =	sadd.s32 $0xFFFFFB00, s22;
	[sflag:s14] =	ssyncadd.s32 $0xFFFFD800  }
0x64: {  	[tilespmem:s16], [sflag:$0x2] =	stream.linear.gather [hbm4b:s24+s2], $0x2800, $0x38;
	[tilespmem:$0x1C880] =	vst v63  }
0x65: {  	_ =	swait.ge [sflag:s17], $0x2800  }
0x66: {  	[sflag:s17] =	ssyncset.done $0x0  }
0x67: {  	s23 =	sshra.s32 s23, $0x2;
	[sflag:s17] =	ssyncadd.s32 $0xFFFFD800  }
0x68: {  	[spmem:s1] =	stream.indirect.scatter.add.f32 [tilespmem:s15], [sflag:$0x3], $0x80, s23, s18, $0xb8;
	[tilespmem:$0x1C880] =	vst v63  }
0x69: {  	_ =	swait.ge [sflag:s14], $0x2800  }
0x6a: {  	[sflag:s14] =	ssyncset.done $0x0  }
0x6b: {  	[sflag:s14] =	ssyncadd.s32 $0xFFFFD800  }
0x6c: {  	[tilespmem:s15], [sflag:$0x1] =	stream.linear.gather [hbm4b:s22+s2], $0x2800, $0x38;
	[tilespmem:$0x1C880] =	vst v63  }
0x6d: {  	_ =	swait.ge [sflag:s19], $0x2800  }
0x6e: {  	[sflag:s19] =	ssyncset.done $0x0  }
0x6f: {  	s31 =	sadd.s32 $0x80, s23;
	[sflag:s19] =	ssyncadd.s32 $0xFFFFD800  }
0x70: {  	[spmem:s1] =	stream.indirect.scatter.add.f32 [tilespmem:s16], [sflag:$0x3], $0x80, s31, s18, $0xb8;
	[tilespmem:$0x1C880] =	vst v63  }
0x71: {  	_ =	swait.ge [sflag:s14], $0x2800  }
0x72: {  	[sflag:s14] =	ssyncset.done $0x0  }
0x73: {  	[sflag:s14] =	ssyncadd.s32 $0xFFFFD800  }
0x74: {  	_ =	swait.ge [sflag:s17], $0x2800  }
0x75: {  	[sflag:s17] =	ssyncset.done $0x0  }
0x76: {  	[sflag:s17] =	ssyncadd.s32 $0xFFFFD800  }
0x77: {  	[spmem:s1] =	stream.indirect.scatter.add.f32 [tilespmem:s15], [sflag:$0x3], $0x80, s20, s18, $0xb8;
	[tilespmem:$0x1C880] =	vst v63  }
0x78: {  	_ =	swait.ge [sflag:s14], $0x2800  }
0x79: {  	[sflag:s14] =	ssyncset.done $0x0  }
0x7a: {  	[sflag:s14] =	ssyncadd.s32 $0xFFFFD800  }
.LBB2_5:
.Ltmp4:
0x7b: {  	(pc) =	sbr.rel @!p0 .LBB2_9-.Ltmp4, $1  }
0x7c: {  	_ =	sdelay $0x3  }
0x7d: {  	s22 =	simm.s32 $0x0  }
0x7e: {  	[tilespmem:s15], [sflag:$0x1] =	stream.linear.gather [hbm4b:s9+s22], $0x2800, $0x38;
	[tilespmem:$0x1C880] =	vst v63  }
0x7f: {  	s29 =	sadd.s32 $0xFFFFFB00, s12  }
0x80: {  	[tilespmem:s16], [sflag:$0x2] =	stream.linear.gather [hbm4b:s29+s2], $0x2800, $0x38;
	[tilespmem:$0x1C880] =	vst v63  }
0x81: {  	_ =	swait.ge [sflag:s17], $0x2800  }
0x82: {  	[sflag:s17] =	ssyncset.done $0x0  }
0x83: {  	s30 =	simm.s32 $0x0;
	[sflag:s17] =	ssyncadd.s32 $0xFFFFD800  }
0x84: {  	[spmem:s1] =	stream.indirect.scatter.add.f32 [tilespmem:s15], [sflag:$0x3], $0x80, s30, s18, $0xb8;
	[tilespmem:$0x1C880] =	vst v63  }
0x85: {  	_ =	swait.ge [sflag:s14], $0x2800  }
0x86: {  	[sflag:s14] =	ssyncset.done $0x0  }
0x87: {  	[sflag:s14] =	ssyncadd.s32 $0xFFFFD800  }
0x88: {  	[tilespmem:s15], [sflag:$0x1] =	stream.linear.gather [hbm4b:s12+s2], $0x2800, $0x38;
	[tilespmem:$0x1C880] =	vst v63  }
0x89: {  	_ =	swait.ge [sflag:s19], $0x2800  }
0x8a: {  	[sflag:s19] =	ssyncset.done $0x0  }
0x8b: {  	s31 =	simm.s32 $0x80;
	[sflag:s19] =	ssyncadd.s32 $0xFFFFD800  }
0x8c: {  	[spmem:s1] =	stream.indirect.scatter.add.f32 [tilespmem:s16], [sflag:$0x3], $0x80, s31, s18, $0xb8;
	[tilespmem:$0x1C880] =	vst v63  }
0x8d: {  	s23 =	simm.s32 $0x400;
	_ =	swait.ge [sflag:s14], $0x2800  }
0x8e: {  	s24 =	simm.s32 $0x800;
	s22 =	sadd.s32 $0xA00, s12;
	[sflag:s14] =	ssyncset.done $0x0  }
.LBB2_7:
0x8f: {  	p5 =	sne.s32 s24, $0xF400;
	s25 =	sadd.s32 $0xFFFFFB00, s22;
	[sflag:s14] =	ssyncadd.s32 $0xFFFFD800  }
0x90: {  	[tilespmem:s16], [sflag:$0x2] =	stream.linear.gather [hbm4b:s25+s2], $0x2800, $0x38;
	[tilespmem:$0x1C880] =	vst v63  }
0x91: {  	s25 =	smov.u32 s24;
	s24 =	sadd.s32 $0x400, s24;
	_ =	swait.ge [sflag:s17], $0x2800  }
0x92: {  	[sflag:s17] =	ssyncset.done $0x0  }
0x93: {  	s26 =	sshra.s32 s23, $0x2;
	s23 =	smov.u32 s25;
	[sflag:s17] =	ssyncadd.s32 $0xFFFFD800  }
0x94: {  	[spmem:s1] =	stream.indirect.scatter.add.f32 [tilespmem:s15], [sflag:$0x3], $0x80, s26, s18, $0xb8;
	[tilespmem:$0x1C880] =	vst v63  }
0x95: {  	_ =	swait.ge [sflag:s14], $0x2800  }
0x96: {  	[sflag:s14] =	ssyncset.done $0x0  }
0x97: {  	[sflag:s14] =	ssyncadd.s32 $0xFFFFD800  }
0x98: {  	[tilespmem:s15], [sflag:$0x1] =	stream.linear.gather [hbm4b:s22+s2], $0x2800, $0x38;
	[tilespmem:$0x1C880] =	vst v63  }
0x99: {  	_ =	swait.ge [sflag:s19], $0x2800  }
.Ltmp5:
0x9a: {  	[sflag:s19] =	ssyncset.done $0x0;
	(pc) =	sbr.rel @p5 .LBB2_7-.Ltmp5, $4  }
0x9b: {  	s25 =	sadd.s32 $0x80, s26;
	[sflag:s19] =	ssyncadd.s32 $0xFFFFD800  }
0x9c: {  	[spmem:s1] =	stream.indirect.scatter.add.f32 [tilespmem:s16], [sflag:$0x3], $0x80, s25, s18, $0xb8;
	[tilespmem:$0x1C880] =	vst v63  }
0x9d: {  	_ =	swait.ge [sflag:s14], $0x2800  }
0x9e: {  	s22 =	sadd.s32 $0xA00, s22;
	[sflag:s14] =	ssyncset.done $0x0  }
.Ltmp6:
0x9f: {  	_ = 	snop;
	(pc) =	sbr.rel .LBB2_8-.Ltmp6, $1  }
0xa0: {  	_ =	sdelay $0x3  }
.LBB2_10:
0xa1: {  	_ =	sfence.sel $0x180000  }
0xa2: {  	[bflag:$0x0] =	sbarrier.arrive $0xFFFF  }
0xa3: {  	_ =	strace $0x90000050  }
0xa4: {  	s0 =	sadd.s32 @!p1 $0x100000, s0;
	[bflag:$0x2] =	sbarrier.arrive $0xFFFF  }
0xa5: {  	[sflag:s0] =	ssyncadd.tile.s32 @!p1 $0x1;
	_ =	shalt  }
.Lfunc_end2:
_tile_overlayer_lowered:
.L_overlay_start_2:
0xa6: {  	(tag) =	ssettag $0x2  }
0xa7: {  	s0 =	rddreg [dreg:$0x0];
	s2 =	stileid.u32  }
0xa8: {  	s1 =	rddreg [dreg:$0x1];
	p0 =	sne.s32 s2, $0x0  }
0xa9: {  	s3 =	rddreg [dreg:$0x2];
	[bflag:$0x3] =	sbarrier.arrive $0xFFFF;
	s2 =	simm.s32 @!p0 $0x1C03  }
0xaa: {  	[timem:s3], [sflag:s2] =	dma.local @!p0 [hbm:s0], s1  }
0xab: {  	s0 =	simm.s32 @!p0 $0x3  }
0xac: {  	_ =	swait.ge @!p0 [sflag:s0], s1  }
0xad: {  	s1 =	ssub.s32 @!p0 $0x0, s1;
	[sflag:s0] =	ssyncset.done @!p0 $0x0  }
0xae: {  	[sflag:s0] =	ssyncadd.s32 @!p0 s1  }
0xaf: {  	[bflag:$0x3] =	sbarrier.arrive $0xFFFF  }
0xb0: {  	_ =	shalt  }

// kernel: kernel.9.cloned.1.call-start
scs
__scs_entry_jumppad:
0x0: {  	(pc) =	sbr.rel $0x88, $3  }
0x1: {  	(tag) =	ssettag $0x0;
	lr =	simm.s32 $0x1  }
0x2: {  	[smem:$0x3F88] =	sst lr;
	_ =	strace $0xD0000000  }
0x3: {  	_ = 	snop  }
0x4: {  	_ = 	snop  }
0x5: {  	_ = 	snop  }
0x6: {  	_ = 	snop  }
0x7: {  	_ = 	snop  }
__scs_overlays_trampoline_lowered:
0x8: {  	[smem:$0x3F97] =	sst s0  }
0x9: {  	[smem:$0x3F98] =	sst s1  }
0xa: {  	[smem:$0x3F99] =	sst s2  }
0xb: {  	[smem:$0x3F9A] =	sst s3  }
0xc: {  	[smem:$0x3F9B] =	sst s4  }
0xd: {  	[smem:$0x3F9C] =	sst s5  }
0xe: {  	[smem:$0x3F9D] =	sst s6  }
0xf: {  	[smem:$0x3F9E] =	sst s7  }
0x10: {  	[smem:$0x3F9F] =	sst s8  }
0x11: {  	[smem:$0x3FA0] =	sst s9;
	s0 =	simm.s32 @!p0 $0x0  }
0x12: {  	s1 =	sld [smem:$0x3F86];
	s0 =	simm.s32 @p0 $0x1  }
0x13: {  	[smem:$0x3FA1] =	sst s0;
	s0 =	simm.s32 @!p1 $0x0  }
0x14: {  	s2 =	sld [smem:$0x3F85];
	s0 =	simm.s32 @p1 $0x1  }
0x15: {  	[smem:$0x3FA2] =	sst s0;
	s0 =	simm.s32 @!p2 $0x0  }
0x16: {  	s3 =	sld [smem:$0x3FDB];
	s0 =	simm.s32 @p2 $0x1  }
0x17: {  	s4 =	simm.s32 $0x1BF5;
	[smem:$0x3FA4] =	sst s0  }
0x18: {  	s0 =	sld [smem:$0x3F87];
	_ =	swait.ge [sflag:s4], $0x0  }
0x19: {  	s7 =	sld [smem:$0x3F88]  }
0x1a: {  	s8 =	sadd.s32 $0xFFFFE003, lr  }
0x1b: {  	s9 =	sadd.s32 $0xFFFFFEF7, lr;
	s5 =	simm.s32 $0xFFFFFFFF;
	p2 =	slt.u32 s8, $0xFFFFF086  }
0x1c: {  	p1 =	slt.u32 s9, $0xF7A;
	s5 =	simm.s32 @!p2 $0x0  }
0x1d: {  	s5 =	simm.s32 @p1 $0x1;
	p0 =	seq.s32 s7, s2  }
0x1e: {  	s7 =	smul.u32 @!p0 $0xF7A, s2;
	p2 =	seq.s32 @!p0 s5, $0x0  }
0x1f: {  	s9 =	smul.u32 $0xF7A, s1;
	s8 =	simm.s32 @!p0 $0x1BF5;
	p2 =	por !p2, p0  }
0x20: {  	[sflag:s8] =	ssyncset.s32 @!p0 $0xFFFFF086;
	s6 =	sadd.s32 @!p0 s3, s7;
	s7 =	simm.s32 @!p0 $0x108  }
0x21: {  	s3 =	sadd.s32 s3, s9;
	s6 =	sadd.s32 @!p0 $0x88, s6;
	s7 =	simm.s32 @p2 $0x1082  }
0x22: {  	[simem:s7], [sflag:s8] =	dma.local @!p0 [hbm:s6], $0xF7A  }
0x23: {  	s9 =	sor.u32 $0xD0000000, s2;
	s6 =	simm.s32 $0x108;
	_ =	swait.ge @!p0 [sflag:s8], $0x0  }
0x24: {  	s3 =	sadd.s32 $0x88, s3;
	s6 =	simm.s32 @!p1 $0x1082;
	[sflag:s4] =	ssyncset.s32 $0xFFFFF086  }
0x25: {  	[simem:s6], [sflag:s4] =	dma.local [hbm:s3], $0xF7A  }
0x26: {  	[smem:$0x3F88] =	sst s1;
	(tag) =	ssettag s2;
	_ =	strace s9  }
0x27: {  	s1 =	sld [smem:$0x3F98]  }
0x28: {  	s2 =	sld [smem:$0x3F99]  }
0x29: {  	s4 =	sld [smem:$0x3F9B]  }
0x2a: {  	p0 =	seq.s32 s5, $0x0;
	s5 =	sld [smem:$0x3F9C]  }
0x2b: {  	s6 =	sld [smem:$0x3F9D]  }
0x2c: {  	s7 =	sld [smem:$0x3F9E]  }
0x2d: {  	s3 =	simm.s32 $0x108;
	s8 =	sld [smem:$0x3F9F]  }
0x2e: {  	s3 =	simm.s32 @!p0 $0x1082;
	s9 =	sld [smem:$0x3FA0]  }
0x2f: {  	lr =	sadd.s32 s0, s3;
	s0 =	sld [smem:$0x3F97]  }
0x30: {  	s3 =	sld [smem:$0x3F9A]  }
0x31: {  	[smem:$0x3FA3] =	sst s10  }
0x32: {  	s10 =	sld [smem:$0x3FA1];
	_ =	sdelay $0x3  }
0x33: {  	p0 =	seq.s32 s10, $0x1;
	s10 =	sld [smem:$0x3FA3];
	_ =	sdelay $0x3  }
0x34: {  	[smem:$0x3FA3] =	sst s10  }
0x35: {  	s10 =	sld [smem:$0x3FA2];
	_ =	sdelay $0x3  }
0x36: {  	p1 =	seq.s32 s10, $0x1;
	s10 =	sld [smem:$0x3FA3];
	_ =	sdelay $0x3  }
0x37: {  	[smem:$0x3FA3] =	sst s10  }
0x38: {  	s10 =	sld [smem:$0x3FA4]  }
0x39: {  	_ = 	snop;
	(pc) =	sbr.ind lr, $3  }
0x3a: {  	_ = 	snop  }
0x3b: {  	_ = 	snop  }
0x3c: {  	p2 =	seq.s32 s10, $0x1;
	s10 =	sld [smem:$0x3FA3]  }
0x3d: {  	_ =	shalt  }
0x3e: {  	_ =	shalt  }
0x3f: {  	_ =	shalt  }
0x40: {  	_ =	shalt  }
0x41: {  	_ =	shalt  }
0x42: {  	_ =	shalt  }
0x43: {  	_ =	shalt  }
0x44: {  	_ =	shalt  }
0x45: {  	_ =	shalt  }
0x46: {  	_ =	shalt  }
0x47: {  	_ =	shalt  }
0x48: {  	_ =	shalt  }
0x49: {  	_ =	shalt  }
0x4a: {  	_ =	shalt  }
0x4b: {  	_ =	shalt  }
0x4c: {  	_ =	shalt  }
0x4d: {  	_ =	shalt  }
0x4e: {  	_ =	shalt  }
0x4f: {  	_ =	shalt  }
0x50: {  	_ =	shalt  }
0x51: {  	_ =	shalt  }
0x52: {  	_ =	shalt  }
0x53: {  	_ =	shalt  }
0x54: {  	_ =	shalt  }
0x55: {  	_ =	shalt  }
0x56: {  	_ =	shalt  }
0x57: {  	_ =	shalt  }
0x58: {  	_ =	shalt  }
0x59: {  	_ =	shalt  }
0x5a: {  	_ =	shalt  }
0x5b: {  	_ =	shalt  }
0x5c: {  	_ =	shalt  }
0x5d: {  	_ =	shalt  }
0x5e: {  	_ =	shalt  }
0x5f: {  	_ =	shalt  }
0x60: {  	_ =	shalt  }
0x61: {  	_ =	shalt  }
0x62: {  	_ =	shalt  }
0x63: {  	_ =	shalt  }
0x64: {  	_ =	shalt  }
0x65: {  	_ =	shalt  }
0x66: {  	_ =	shalt  }
0x67: {  	_ =	shalt  }
0x68: {  	_ =	shalt  }
0x69: {  	_ =	shalt  }
0x6a: {  	_ =	shalt  }
0x6b: {  	_ =	shalt  }
0x6c: {  	_ =	shalt  }
0x6d: {  	_ =	shalt  }
0x6e: {  	_ =	shalt  }
0x6f: {  	_ =	shalt  }
0x70: {  	_ =	shalt  }
0x71: {  	_ =	shalt  }
0x72: {  	_ =	shalt  }
0x73: {  	_ =	shalt  }
0x74: {  	_ =	shalt  }
0x75: {  	_ =	shalt  }
0x76: {  	_ =	shalt  }
0x77: {  	_ =	shalt  }
0x78: {  	_ =	shalt  }
0x79: {  	_ =	shalt  }
0x7a: {  	_ =	shalt  }
0x7b: {  	_ =	shalt  }
0x7c: {  	_ =	shalt  }
0x7d: {  	_ =	shalt  }
0x7e: {  	_ =	shalt  }
0x7f: {  	_ =	shalt  }
0x80: {  	_ =	shalt  }
0x81: {  	_ =	shalt  }
0x82: {  	_ =	shalt  }
0x83: {  	_ =	shalt  }
0x84: {  	_ =	shalt  }
0x85: {  	_ =	shalt  }
0x86: {  	_ =	shalt  }
0x87: {  	_ =	shalt  }
.Lfunc_end0:
.L_simem_size_0:
called_computation_lowered:
.L_overlay_start_0:
0x88: {  	s2 =	sld [smem:$0x3FD9]  }
0x89: {  	s3 =	sld [smem:$0x3FFE];
	_ =	sdelay $0x1  }
0x8a: {  	s1 =	srdreg.scid  }
0x8b: {  	s0 =	sand.u32 $0x1, s1  }
0x8c: {  	s16 =	sshll.u32 s0, $0xA;
	s2 =	sadd.s32 s3, s2  }
0x8d: {  	s2 =	sadd.s32 s2, s16  }
0x8e: {  	[smem:$0x3FAF] =	sst s2  }
0x8f: {  	_ = 	snop  }
0x90: {  	(tm) =	ssettm $0x1  }
0x91: {  	s17 =	sld [smem:$0x3FFB];
	_ =	sdelay $0x3  }
0x92: {  	_ =	strace s17  }
0x93: {  	s2 =	sld [smem:$0x3FFC];
	_ =	sdelay $0x3  }
0x94: {  	_ =	strace s2  }
0x95: {  	s2 =	sld [smem:$0x3FFD];
	_ =	sdelay $0x3  }
0x96: {  	_ =	strace s2  }
0x97: {  	_ =	strace $0x8FFFFFFF  }
0x98: {  	s18 =	sld [smem:$0x3FDB];
	_ =	sdelay $0x1  }
0x99: {  	s19 =	simm.s32 $_scs_section_size  }
0x9a: {  	s4 =	simm.s32 $_size__tile_overlayer_lowered;
	s5 =	simm.s32 $_tile_overlayer_lowered  }
0x9b: {  	s22 =	simm.s32 $0x1BFF;
	s21 =	sshll.u32 s5, $0x1;
	s2 =	sadd.s32 s19, s18  }
0x9c: {  	s6 =	simm.s32 $0x0;
	s20 =	sshll.u32 s4, $0x1;
	s4 =	sadd.s32 s21, s2  }
0x9d: {  	[timem:s6], [sflag:s22] =	dma.local [hbm:s4], s20  }
0x9e: {  	_ =	swait.ge [sflag:s22], s20  }
0x9f: {  	s3 =	ssub.s32 $0x0, s20;
	[sflag:s22] =	ssyncset.done $0x0  }
0xa0: {  	[sflag:s22] =	ssyncadd.s32 s3;
	_ =	sdelay $0x1  }
0xa1: {  	s23 =	simm.s32 $0x1B8B  }
0xa2: {  	_ =	swait.ge [sflag:s23], $0x1  }
0xa3: {  	[sflag:s23] =	ssyncset.done $0x0  }
0xa4: {  	s25 =	simm.s32 $0x1B8E;
	s24 =	sld [smem:$0x3FFE];
	[sflag:s23] =	ssyncadd.s32 $0xFFFFFFFF  }
0xa5: {  	s26 =	simm.s32 $execute0_lowered;
	[smem:$0x3FD2] =	sst s25  }
0xa6: {  	s4 =	sshll.u32 s26, $0x1;
	_ =	strace $0x80000046;
	[dreg:$0x1] =	wrdreg $0xFFFFFFFF  }
0xa7: {  	s28 =	simm.s32 $_size_execute0_lowered;
	s2 =	sadd.s32 s2, s4;
	[dreg:$0x0] =	wrdreg $0x0  }
0xa8: {  	s4 =	sshll.u32 s28, $0x1;
	[dreg:$0x2] =	wrdreg s2  }
0xa9: {  	[dreg:$0x3] =	wrdreg s4  }
0xaa: {  	[dreg:$0x4] =	wrdreg $0xC0  }
0xab: {  	_ =	task [dreg:s6], $0x5FFFF  }
0xac: {  	[dreg:$0x1] =	wrdreg $0xFFFFFFFF  }
0xad: {  	[dreg:$0x0] =	wrdreg $0x60  }
0xae: {  	[dreg:$0x2] =	wrdreg s24  }
0xaf: {  	[dreg:$0x3] =	wrdreg $0x9  }
0xb0: {  	_ =	task.clear_ibuf [dreg:s6], $0x4FFFF;
	_ =	strace $0x90000046  }
0xb1: {  	s29 =	simm.s32 $0x9;
	_ =	strace $0x80000048  }
0xb2: {  	_ =	swait.ge [sflag:s29], $0x1  }
0xb3: {  	[sflag:s29] =	ssyncadd.s32 $0xFFFFFFFF  }
0xb4: {  	_ =	strace $0x90000048  }
0xb5: {  	_ =	sfence  }
0xb6: {  	s30 =	sld [smem:$0x0];
	_ =	sdelay $0x2  }
0xb7: {  	s31 =	sshll.u32 s1, $0xD;
	s1 =	sshrl.u32 s1, $0x2  }
0xb8: {  	s3 =	sand.u32 $0x4000, s31;
	s1 =	sadd.s32 s1, s30  }
0xb9: {  	s0 =	sor.u32 s3, s0;
	s1 =	sshll.u32 s1, $0x11  }
0xba: {  	s0 =	sor.u32 s1, s0  }
0xbb: {  	s0 =	sadd.s32 $0x8F2B, s0  }
0xbc: {  	[sflag:s0] =	ssyncadd.remote.s32 $0x1  }
0xbd: {  	_ =	sfence.sel $0xFFFF  }
0xbe: {  	[dreg:$0x0] =	wrdreg $0xFFFFFFFF;
	(pc) =	sbr.abs _section_cstart, $3  }
0xbf: {  	[dreg:$0x1] =	wrdreg $0xFFFFFFFF  }
0xc0: {  	_ =	task.clear_ibuf [dreg:s6], $0x2FFFF;
	_ =	strace $0x9FFFFFFF  }
0xc1: {  	(tm) =	ssettm $0x7FFFFFFF  }
tec
execute0_lowered:
.L_overlay_start_1:
0x0: {  	(tag) =	ssettag $0x1  }
0x1: {  	s0 =	rddreg [dreg:$0x0];
	s1 =	srdreg.scid  }
0x2: {  	s9 =	stileid.u32;
	s2 =	simm.s32 $0x0;
	s11 =	simm.s32 $0x8000  }
0x3: {  	s12 =	simm.s32 $0x8800;
	s13 =	simm.s32 $0x9000;
	s14 =	simm.s32 $0x9800  }
0x4: {  	s15 =	simm.s32 $0xA000;
	s16 =	simm.s32 $0xA800;
	s17 =	simm.s32 $0xB000  }
0x5: {  	s24 =	simm.s32 $0xD800;
	s18 =	simm.s32 $0xB800;
	s25 =	simm.s32 $0xE000  }
0x6: {  	s19 =	simm.s32 $0xC000;
	s26 =	simm.s32 $0xE800;
	s20 =	simm.s32 $0xC800  }
0x7: {  	s28 =	simm.s32 $0x11800;
	s29 =	simm.s32 $0x1;
	s30 =	simm.s32 $0x2  }
0x8: {  	s31 =	simm.s32 $0x0;
	s1 =	sand.u32 $0x1, s1;
	s3 =	sshll.u32 s9, $0x1  }
0x9: {  	[smem:$0x7FF] =	sst s2;
	s7 =	sadd.s32 $0x78A00, s0;
	s9 =	smul.u32 $0x4E200, s9  }
0xa: {  	s4 =	sor.u32 s1, s3;
	_ =	strace $0x80000047;
	[dreg:$0x4] =	wrdreg s24  }
0xb: {  	s3 =	sadd.s32 $0x2A800, s0;
	s6 =	ssub.s32 $0x2, s1;
	[dreg:$0x5] =	wrdreg s25  }
0xc: {  	s1 =	smul.u32 $0x27100, s1;
	[dreg:$0x6] =	wrdreg s26;
	s24 =	simm.s32 $0x10000  }
0xd: {  	s25 =	simm.s32 $0x10800;
	s26 =	simm.s32 $0x11000;
	s5 =	sshll.u32 s4, $0xB  }
0xe: {  	s8 =	sshrl.u32 s6, $0x1;
	s4 =	smul.u32 $0x138800, s4;
	s5 =	sadd.s32 s5, s0  }
0xf: {  	s0 =	sadd.s32 $0x55AA00, s0;
	s8 =	ssub.s32 s6, s8;
	s21 =	sadd.s32 $0xA800, s5  }
0x10: {  	s4 =	sshrl.u32 s4, $0x3;
	s5 =	sadd.s32 $0x1A800, s5;
	s22 =	sadd.s32 s9, s0  }
0x11: {  	s9 =	sadd.s32 s9, s7;
	s8 =	smax.u32 s8, $0x1;
	[dreg:$0x7] =	wrdreg s21  }
0x12: {  	[dreg:$0x8] =	wrdreg s5;
	s4 =	sadd.s32 $0x26C00, s4;
	s5 =	sadd.s32 s1, s22  }
0x13: {  	v2 =	vlaneseq.u32;
	s23 =	sadd.s32 s1, s9;
	s9 =	simm.s32 $0x3;
	s21 =	simm.s32 $0xD000  }
0x14: {  	vm0 =	vmmov $0xffff;
	v1 =	vshrl.u32 v2, $0x3;
	s22 =	simm.s32 $0xF000;
	s6 =	sadd.s32 s7, s4;
	[dreg:$0x2] =	wrdreg s5  }
0x15: {  	v0 =	vand.u32 $0x7, v2;
	v2 =	vor.u32 $0x8, v2;
	v1 =	vmul.u32 $0x8, v1;
	s7 =	sadd.s32 s0, s4;
	[dreg:$0x3] =	wrdreg s23;
	s23 =	simm.s32 $0xF800  }
.LBB2_1:
0x16: {  	s0 =	rddreg [dreg:$0x7]  }
0x17: {  	[tilespmem:s2], [sflag:$0x3] =	stream.linear.gather [hbm4b:s0+s2], $0x3E80, $0x38;
	[tilespmem:$0x12000] =	vst v63  }
0x18: {  	_ =	swait.ge [sflag:s9], $0x3E80  }
0x19: {  	[sflag:s9] =	ssyncset.done $0x0  }
0x1a: {  	s1 =	simm.s32 $0x4000;
	s10 =	rddreg [dreg:$0x8];
	[sflag:s9] =	ssyncadd.s32 $0xFFFFC180  }
0x1b: {  	[tilespmem:s1], [sflag:$0x3] =	stream.linear.gather [hbm4b:s10+s2], $0x3E80, $0x38;
	[tilespmem:$0x12000] =	vst v63  }
0x1c: {  	_ =	swait.ge [sflag:s9], $0x3E80  }
0x1d: {  	[sflag:s9] =	ssyncset.done $0x0  }
0x1e: {  	[sflag:s9] =	ssyncadd.s32 $0xFFFFC180  }
0x1f: {  	v3 =	vld [tilespmem:$0x0];
	_ =	sdelay $0x4  }
0x20: {  	v4 =	vshll.u32 v3, $0x1  }
0x21: {  	v3 =	vand.u32 $0x7, v3;
	v4 =	vand.u32 $0xFFFFFFF0, v4  }
0x22: {  	v3 =	vor.u32 v3, v4  }
0x23: {  	v4 =	vperm.xlane v3, v0;
	_ =	sdelay $0x1  }
0x24: {  	v3 =	vperm.xlane v3, v2;
	v4 =	vadd.s32 v1, v4;
	_ =	sdelay $0x1  }
0x25: {  	v3 =	vadd.s32 v1, v3;
	_ =	sdelay $0x2  }
0x26: {  	[tilespmem:s11], [sflag:$0x1] =	stream.indirect_vreg.gather [hbm4b:s3+s2], $0x80, v4, vm0, $0xb8;
	[tilespmem:$0x12000] =	vst v63  }
0x27: {  	_ = 	snop  }
0x28: {  	[tilespmem:s12], [sflag:$0x1] =	stream.indirect_vreg.gather [hbm4b:s3+s2], $0x80, v3, vm0, $0xb8;
	[tilespmem:$0x12000] =	vst v63  }
0x29: {  	v3 =	vld [tilespmem:$0x10];
	_ =	sdelay $0x4  }
0x2a: {  	v59 =	vshll.u32 v3, $0x1  }
0x2b: {  	v3 =	vand.u32 $0x7, v3;
	v4 =	vand.u32 $0xFFFFFFF0, v59  }
0x2c: {  	v3 =	vor.u32 v3, v4  }
0x2d: {  	v4 =	vperm.xlane v3, v0;
	_ =	sdelay $0x1  }
0x2e: {  	v3 =	vperm.xlane v3, v2;
	v4 =	vadd.s32 v1, v4;
	_ =	sdelay $0x1  }
0x2f: {  	v3 =	vadd.s32 v1, v3;
	_ =	sdelay $0x2  }
0x30: {  	[tilespmem:s13], [sflag:$0x1] =	stream.indirect_vreg.gather [hbm4b:s3+s2], $0x80, v4, vm0, $0xb8;
	[tilespmem:$0x12000] =	vst v63  }
0x31: {  	_ = 	snop  }
0x32: {  	[tilespmem:s14], [sflag:$0x1] =	stream.indirect_vreg.gather [hbm4b:s3+s2], $0x80, v3, vm0, $0xb8;
	[tilespmem:$0x12000] =	vst v63  }
0x33: {  	v3 =	vld.msk [tilespmem:$0x20], $0xff;
	_ =	sdelay $0x4  }
0x34: {  	v60 =	vshll.u32 v3, $0x1  }
0x35: {  	v3 =	vand.u32 $0x7, v3;
	v4 =	vand.u32 $0xFFFFFFF0, v60  }
0x36: {  	v3 =	vor.u32 v3, v4  }
0x37: {  	v3 =	vperm.xlane v3, v0;
	_ =	sdelay $0x1  }
0x38: {  	v3 =	vadd.s32 v1, v3;
	_ =	sdelay $0x4  }
0x39: {  	[tilespmem:s15], [sflag:$0x1] =	stream.indirect_vreg.gather [hbm4b:s3+s2], $0x80, v3, vm0, $0xb8;
	[tilespmem:$0x12000] =	vst v63  }
0x3a: {  	v3 =	vld [tilespmem:$0x4000];
	_ =	sdelay $0x4  }
0x3b: {  	v61 =	vshll.u32 v3, $0x1  }
0x3c: {  	v3 =	vand.u32 $0x7, v3;
	v4 =	vand.u32 $0xFFFFFFF0, v61  }
0x3d: {  	v3 =	vor.u32 v3, v4  }
0x3e: {  	v4 =	vperm.xlane v3, v0;
	_ =	sdelay $0x1  }
0x3f: {  	v3 =	vperm.xlane v3, v2;
	v4 =	vadd.s32 v1, v4;
	_ =	sdelay $0x1  }
0x40: {  	v3 =	vadd.s32 v1, v3;
	_ =	sdelay $0x2  }
0x41: {  	[tilespmem:s16], [sflag:$0x1] =	stream.indirect_vreg.gather [hbm4b:s3+s2], $0x80, v4, vm0, $0xb8;
	[tilespmem:$0x12000] =	vst v63  }
0x42: {  	_ = 	snop  }
0x43: {  	[tilespmem:s17], [sflag:$0x1] =	stream.indirect_vreg.gather [hbm4b:s3+s2], $0x80, v3, vm0, $0xb8;
	[tilespmem:$0x12000] =	vst v63  }
0x44: {  	v3 =	vld [tilespmem:$0x4010];
	_ =	sdelay $0x4  }
0x45: {  	v62 =	vshll.u32 v3, $0x1  }
0x46: {  	v3 =	vand.u32 $0x7, v3;
	v4 =	vand.u32 $0xFFFFFFF0, v62  }
0x47: {  	v3 =	vor.u32 v3, v4  }
0x48: {  	v4 =	vperm.xlane v3, v0;
	_ =	sdelay $0x1  }
0x49: {  	v3 =	vperm.xlane v3, v2;
	v4 =	vadd.s32 v1, v4;
	_ =	sdelay $0x1  }
0x4a: {  	v3 =	vadd.s32 v1, v3;
	_ =	sdelay $0x2  }
0x4b: {  	[tilespmem:s18], [sflag:$0x1] =	stream.indirect_vreg.gather [hbm4b:s3+s2], $0x80, v4, vm0, $0xb8;
	[tilespmem:$0x12000] =	vst v63  }
0x4c: {  	_ = 	snop  }
0x4d: {  	[tilespmem:s19], [sflag:$0x1] =	stream.indirect_vreg.gather [hbm4b:s3+s2], $0x80, v3, vm0, $0xb8;
	[tilespmem:$0x12000] =	vst v63  }
0x4e: {  	v3 =	vld.msk [tilespmem:$0x4020], $0xff;
	_ =	sdelay $0x4  }
0x4f: {  	v63 =	vshll.u32 v3, $0x1  }
0x50: {  	v3 =	vand.u32 $0x7, v3;
	v4 =	vand.u32 $0xFFFFFFF0, v63  }
0x51: {  	v3 =	vor.u32 v3, v4  }
0x52: {  	v3 =	vperm.xlane v3, v0;
	_ =	sdelay $0x1  }
0x53: {  	v3 =	vadd.s32 v1, v3;
	_ =	sdelay $0x3  }
0x54: {  	s0 =	simm.s32 $0x4090;
	s1 =	simm.s32 $0x90;
	s10 =	simm.s32 $0x0  }
0x55: {  	[tilespmem:s20], [sflag:$0x1] =	stream.indirect_vreg.gather [hbm4b:s3+s2], $0x80, v3, vm0, $0xb8;
	[tilespmem:$0x12000] =	vst v63  }
.LBB2_2:
0x56: {  	v3 =	vld [tilespmem:s1+$0xFFFFFFF0];
	_ =	sdelay $0x4  }
0x57: {  	v4 =	vshll.u32 v3, $0x1  }
0x58: {  	v3 =	vand.u32 $0x7, v3;
	v4 =	vand.u32 $0xFFFFFFF0, v4  }
0x59: {  	v3 =	vor.u32 v3, v4  }
0x5a: {  	v4 =	vperm.xlane v3, v0;
	_ =	sdelay $0x1  }
0x5b: {  	v3 =	vperm.xlane v3, v2;
	v4 =	vadd.s32 v1, v4;
	_ =	sdelay $0x1  }
0x5c: {  	v3 =	vadd.s32 v1, v3;
	_ =	sdelay $0x2  }
0x5d: {  	[tilespmem:s21], [sflag:$0x2] =	stream.indirect_vreg.gather [hbm4b:s3+s2], $0x80, v4, vm0, $0xb8;
	[tilespmem:$0x12000] =	vst v63  }
0x5e: {  	s4 =	rddreg [dreg:$0x4]  }
0x5f: {  	[tilespmem:s4], [sflag:$0x2] =	stream.indirect_vreg.gather [hbm4b:s3+s2], $0x80, v3, vm0, $0xb8;
	[tilespmem:$0x12000] =	vst v63  }
0x60: {  	v3 =	vld [tilespmem:s1+$0x0];
	_ =	sdelay $0x4  }
0x61: {  	v53 =	vshll.u32 v3, $0x1  }
0x62: {  	v3 =	vand.u32 $0x7, v3;
	v4 =	vand.u32 $0xFFFFFFF0, v53  }
0x63: {  	v3 =	vor.u32 v3, v4  }
0x64: {  	v4 =	vperm.xlane v3, v0;
	_ =	sdelay $0x1  }
0x65: {  	v3 =	vperm.xlane v3, v2;
	v4 =	vadd.s32 v1, v4;
	_ =	sdelay $0x1  }
0x66: {  	v3 =	vadd.s32 v1, v3;
	_ =	sdelay $0x1  }
0x67: {  	s4 =	rddreg [dreg:$0x5]  }
0x68: {  	[tilespmem:s4], [sflag:$0x2] =	stream.indirect_vreg.gather [hbm4b:s3+s2], $0x80, v4, vm0, $0xb8;
	[tilespmem:$0x12000] =	vst v63  }
0x69: {  	s5 =	rddreg [dreg:$0x6]  }
0x6a: {  	[tilespmem:s5], [sflag:$0x2] =	stream.indirect_vreg.gather [hbm4b:s3+s2], $0x80, v3, vm0, $0xb8;
	[tilespmem:$0x12000] =	vst v63  }
0x6b: {  	v3 =	vld.msk [tilespmem:s1+$0x10], $0xff;
	_ =	sdelay $0x4  }
0x6c: {  	v54 =	vshll.u32 v3, $0x1  }
0x6d: {  	v3 =	vand.u32 $0x7, v3;
	v4 =	vand.u32 $0xFFFFFFF0, v54  }
0x6e: {  	v3 =	vor.u32 v3, v4  }
0x6f: {  	v3 =	vperm.xlane v3, v0;
	_ =	sdelay $0x1  }
0x70: {  	v3 =	vadd.s32 v1, v3;
	_ =	sdelay $0x4  }
0x71: {  	[tilespmem:s22], [sflag:$0x2] =	stream.indirect_vreg.gather [hbm4b:s3+s2], $0x80, v3, vm0, $0xb8;
	[tilespmem:$0x12000] =	vst v63  }
0x72: {  	v3 =	vld [tilespmem:s0+$0xFFFFFFF0];
	_ =	sdelay $0x4  }
0x73: {  	v55 =	vshll.u32 v3, $0x1  }
0x74: {  	v3 =	vand.u32 $0x7, v3;
	v4 =	vand.u32 $0xFFFFFFF0, v55  }
0x75: {  	v3 =	vor.u32 v3, v4  }
0x76: {  	v4 =	vperm.xlane v3, v0;
	_ =	sdelay $0x1  }
0x77: {  	v3 =	vperm.xlane v3, v2;
	v4 =	vadd.s32 v1, v4;
	_ =	sdelay $0x1  }
0x78: {  	v3 =	vadd.s32 v1, v3;
	_ =	sdelay $0x2  }
0x79: {  	[tilespmem:s23], [sflag:$0x2] =	stream.indirect_vreg.gather [hbm4b:s3+s2], $0x80, v4, vm0, $0xb8;
	[tilespmem:$0x12000] =	vst v63  }
0x7a: {  	_ = 	snop  }
0x7b: {  	[tilespmem:s24], [sflag:$0x2] =	stream.indirect_vreg.gather [hbm4b:s3+s2], $0x80, v3, vm0, $0xb8;
	[tilespmem:$0x12000] =	vst v63  }
0x7c: {  	v3 =	vld [tilespmem:s0+$0x0];
	_ =	sdelay $0x4  }
0x7d: {  	v56 =	vshll.u32 v3, $0x1  }
0x7e: {  	v3 =	vand.u32 $0x7, v3;
	v4 =	vand.u32 $0xFFFFFFF0, v56  }
0x7f: {  	v3 =	vor.u32 v3, v4  }
0x80: {  	v4 =	vperm.xlane v3, v0;
	_ =	sdelay $0x1  }
0x81: {  	v3 =	vperm.xlane v3, v2;
	v4 =	vadd.s32 v1, v4;
	_ =	sdelay $0x1  }
0x82: {  	v3 =	vadd.s32 v1, v3;
	_ =	sdelay $0x2  }
0x83: {  	[tilespmem:s25], [sflag:$0x2] =	stream.indirect_vreg.gather [hbm4b:s3+s2], $0x80, v4, vm0, $0xb8;
	[tilespmem:$0x12000] =	vst v63  }
0x84: {  	_ = 	snop  }
0x85: {  	[tilespmem:s26], [sflag:$0x2] =	stream.indirect_vreg.gather [hbm4b:s3+s2], $0x80, v3, vm0, $0xb8;
	[tilespmem:$0x12000] =	vst v63  }
0x86: {  	v3 =	vld.msk [tilespmem:s0+$0x10], $0xff;
	_ =	sdelay $0x4  }
0x87: {  	v57 =	vshll.u32 v3, $0x1  }
0x88: {  	v3 =	vand.u32 $0x7, v3;
	v4 =	vand.u32 $0xFFFFFFF0, v57  }
0x89: {  	v3 =	vor.u32 v3, v4  }
0x8a: {  	v3 =	vperm.xlane v3, v0;
	_ =	sdelay $0x1  }
0x8b: {  	v3 =	vadd.s32 v1, v3;
	_ =	sdelay $0x4  }
0x8c: {  	[tilespmem:s28], [sflag:$0x2] =	stream.indirect_vreg.gather [hbm4b:s3+s2], $0x80, v3, vm0, $0xb8;
	[tilespmem:$0x12000] =	vst v63  }
0x8d: {  	_ =	swait.ge [sflag:s29], $0x2800  }
0x8e: {  	[sflag:s29] =	ssyncset.done $0x0  }
0x8f: {  	[sflag:s29] =	ssyncadd.s32 $0xFFFFD800  }
0x90: {  	_ =	swait.ge [sflag:s29], $0x2800  }
0x91: {  	s5 =	rddreg [dreg:$0x3];
	[sflag:s29] =	ssyncset.done $0x0  }
0x92: {  	[sflag:s29] =	ssyncadd.s32 $0xFFFFD800;
	s4 =	sadd.s32 s10, s5  }
0x93: {  	[hbm4b:s4+s2] =	stream.linear.scatter [tilespmem:s11], [sflag:$0x3], $0x2800, $0x38;
	[tilespmem:$0x12000] =	vst v63  }
0x94: {  	_ =	swait.ge [sflag:s9], $0x2800  }
0x95: {  	s5 =	rddreg [dreg:$0x2];
	[sflag:s9] =	ssyncset.done $0x0  }
0x96: {  	[sflag:s9] =	ssyncadd.s32 $0xFFFFD800;
	s5 =	sadd.s32 s10, s5  }
0x97: {  	[hbm4b:s5+s2] =	stream.linear.scatter [tilespmem:s16], [sflag:$0x3], $0x2800, $0x38;
	[tilespmem:$0x12000] =	vst v63  }
0x98: {  	_ =	swait.ge [sflag:s9], $0x2800  }
0x99: {  	[sflag:s9] =	ssyncset.done $0x0  }
0x9a: {  	[sflag:s9] =	ssyncadd.s32 $0xFFFFD800  }
0x9b: {  	v3 =	vld [tilespmem:s1+$0x70];
	_ =	sdelay $0x4  }
0x9c: {  	v58 =	vshll.u32 v3, $0x1  }
0x9d: {  	v3 =	vand.u32 $0x7, v3;
	v4 =	vand.u32 $0xFFFFFFF0, v58  }
0x9e: {  	v3 =	vor.u32 v3, v4  }
0x9f: {  	v4 =	vperm.xlane v3, v0;
	_ =	sdelay $0x1  }
0xa0: {  	v3 =	vperm.xlane v3, v2;
	v4 =	vadd.s32 v1, v4;
	_ =	sdelay $0x1  }
0xa1: {  	v3 =	vadd.s32 v1, v3;
	_ =	sdelay $0x2  }
0xa2: {  	[tilespmem:s11], [sflag:$0x1] =	stream.indirect_vreg.gather [hbm4b:s3+s2], $0x80, v4, vm0, $0xb8;
	[tilespmem:$0x12000] =	vst v63  }
0xa3: {  	_ = 	snop  }
0xa4: {  	[tilespmem:s12], [sflag:$0x1] =	stream.indirect_vreg.gather [hbm4b:s3+s2], $0x80, v3, vm0, $0xb8;
	[tilespmem:$0x12000] =	vst v63  }
0xa5: {  	v3 =	vld [tilespmem:s1+$0x80];
	_ =	sdelay $0x4  }
0xa6: {  	v59 =	vshll.u32 v3, $0x1  }
0xa7: {  	v3 =	vand.u32 $0x7, v3;
	v4 =	vand.u32 $0xFFFFFFF0, v59  }
0xa8: {  	v3 =	vor.u32 v3, v4  }
0xa9: {  	v4 =	vperm.xlane v3, v0;
	_ =	sdelay $0x1  }
0xaa: {  	v3 =	vperm.xlane v3, v2;
	v4 =	vadd.s32 v1, v4;
	_ =	sdelay $0x1  }
0xab: {  	v3 =	vadd.s32 v1, v3;
	_ =	sdelay $0x2  }
0xac: {  	[tilespmem:s13], [sflag:$0x1] =	stream.indirect_vreg.gather [hbm4b:s3+s2], $0x80, v4, vm0, $0xb8;
	[tilespmem:$0x12000] =	vst v63  }
0xad: {  	_ = 	snop  }
0xae: {  	[tilespmem:s14], [sflag:$0x1] =	stream.indirect_vreg.gather [hbm4b:s3+s2], $0x80, v3, vm0, $0xb8;
	[tilespmem:$0x12000] =	vst v63  }
0xaf: {  	v3 =	vld.msk [tilespmem:s1+$0x90], $0xff;
	_ =	sdelay $0x4  }
0xb0: {  	v60 =	vshll.u32 v3, $0x1  }
0xb1: {  	v3 =	vand.u32 $0x7, v3;
	v4 =	vand.u32 $0xFFFFFFF0, v60  }
0xb2: {  	v3 =	vor.u32 v3, v4  }
0xb3: {  	v3 =	vperm.xlane v3, v0;
	_ =	sdelay $0x1  }
0xb4: {  	v3 =	vadd.s32 v1, v3;
	_ =	sdelay $0x4  }
0xb5: {  	[tilespmem:s15], [sflag:$0x1] =	stream.indirect_vreg.gather [hbm4b:s3+s2], $0x80, v3, vm0, $0xb8;
	[tilespmem:$0x12000] =	vst v63  }
0xb6: {  	v3 =	vld [tilespmem:s0+$0x70];
	_ =	sdelay $0x4  }
0xb7: {  	v61 =	vshll.u32 v3, $0x1  }
0xb8: {  	v3 =	vand.u32 $0x7, v3;
	v4 =	vand.u32 $0xFFFFFFF0, v61  }
0xb9: {  	v3 =	vor.u32 v3, v4  }
0xba: {  	v4 =	vperm.xlane v3, v0;
	_ =	sdelay $0x1  }
0xbb: {  	v3 =	vperm.xlane v3, v2;
	v4 =	vadd.s32 v1, v4;
	_ =	sdelay $0x1  }
0xbc: {  	v3 =	vadd.s32 v1, v3;
	_ =	sdelay $0x2  }
0xbd: {  	[tilespmem:s16], [sflag:$0x1] =	stream.indirect_vreg.gather [hbm4b:s3+s2], $0x80, v4, vm0, $0xb8;
	[tilespmem:$0x12000] =	vst v63  }
0xbe: {  	_ = 	snop  }
0xbf: {  	[tilespmem:s17], [sflag:$0x1] =	stream.indirect_vreg.gather [hbm4b:s3+s2], $0x80, v3, vm0, $0xb8;
	[tilespmem:$0x12000] =	vst v63  }
0xc0: {  	v3 =	vld [tilespmem:s0+$0x80];
	_ =	sdelay $0x4  }
0xc1: {  	v62 =	vshll.u32 v3, $0x1  }
0xc2: {  	v3 =	vand.u32 $0x7, v3;
	v4 =	vand.u32 $0xFFFFFFF0, v62  }
0xc3: {  	v3 =	vor.u32 v3, v4  }
0xc4: {  	v4 =	vperm.xlane v3, v0;
	_ =	sdelay $0x1  }
0xc5: {  	v3 =	vperm.xlane v3, v2;
	v4 =	vadd.s32 v1, v4;
	_ =	sdelay $0x1  }
0xc6: {  	v3 =	vadd.s32 v1, v3;
	_ =	sdelay $0x2  }
0xc7: {  	[tilespmem:s18], [sflag:$0x1] =	stream.indirect_vreg.gather [hbm4b:s3+s2], $0x80, v4, vm0, $0xb8;
	[tilespmem:$0x12000] =	vst v63  }
0xc8: {  	_ = 	snop  }
0xc9: {  	[tilespmem:s19], [sflag:$0x1] =	stream.indirect_vreg.gather [hbm4b:s3+s2], $0x80, v3, vm0, $0xb8;
	[tilespmem:$0x12000] =	vst v63  }
0xca: {  	v3 =	vld.msk [tilespmem:s0+$0x90], $0xff;
	_ =	sdelay $0x4  }
0xcb: {  	v63 =	vshll.u32 v3, $0x1  }
0xcc: {  	v3 =	vand.u32 $0x7, v3;
	v4 =	vand.u32 $0xFFFFFFF0, v63  }
0xcd: {  	v3 =	vor.u32 v3, v4  }
0xce: {  	v3 =	vperm.xlane v3, v0;
	_ =	sdelay $0x1  }
0xcf: {  	v3 =	vadd.s32 v1, v3;
	_ =	sdelay $0x4  }
0xd0: {  	[tilespmem:s20], [sflag:$0x1] =	stream.indirect_vreg.gather [hbm4b:s3+s2], $0x80, v3, vm0, $0xb8;
	[tilespmem:$0x12000] =	vst v63  }
0xd1: {  	_ =	swait.ge [sflag:s30], $0x2800  }
0xd2: {  	[sflag:s30] =	ssyncset.done $0x0  }
0xd3: {  	[sflag:s30] =	ssyncadd.s32 $0xFFFFD800  }
0xd4: {  	_ =	swait.ge [sflag:s30], $0x2800  }
0xd5: {  	[sflag:s30] =	ssyncset.done $0x0  }
0xd6: {  	s4 =	sadd.s32 $0x500, s4;
	[sflag:s30] =	ssyncadd.s32 $0xFFFFD800  }
0xd7: {  	[hbm4b:s4+s2] =	stream.linear.scatter [tilespmem:s21], [sflag:$0x3], $0x2800, $0x38;
	[tilespmem:$0x12000] =	vst v63  }
0xd8: {  	_ =	swait.ge [sflag:s9], $0x2800  }
0xd9: {  	p0 =	sne.s32 s10, $0x26200;
	[sflag:s9] =	ssyncset.done $0x0  }
.Ltmp0:
0xda: {  	s5 =	sadd.s32 $0x500, s5;
	[sflag:s9] =	ssyncadd.s32 $0xFFFFD800;
	(pc) =	sbr.rel @p0 .LBB2_2-.Ltmp0, $4  }
0xdb: {  	[hbm4b:s5+s2] =	stream.linear.scatter [tilespmem:s23], [sflag:$0x3], $0x2800, $0x38;
	[tilespmem:$0x12000] =	vst v63  }
0xdc: {  	_ =	swait.ge [sflag:s9], $0x2800  }
0xdd: {  	s10 =	sadd.s32 $0xA00, s10;
	[sflag:s9] =	ssyncset.done $0x0  }
0xde: {  	s1 =	sadd.s32 $0x100, s1;
	s0 =	sadd.s32 $0x100, s0;
	[sflag:s9] =	ssyncadd.s32 $0xFFFFD800  }
0xdf: {  	_ =	swait.ge [sflag:s29], $0x2800  }
0xe0: {  	[sflag:s29] =	ssyncset.done $0x0  }
0xe1: {  	[sflag:s29] =	ssyncadd.s32 $0xFFFFD800  }
0xe2: {  	_ =	swait.ge [sflag:s29], $0x2800  }
0xe3: {  	[sflag:s29] =	ssyncset.done $0x0  }
0xe4: {  	[sflag:s29] =	ssyncadd.s32 $0xFFFFD800  }
0xe5: {  	[hbm4b:s6+s2] =	stream.linear.scatter [tilespmem:s11], [sflag:$0x3], $0x2800, $0x38;
	[tilespmem:$0x12000] =	vst v63  }
0xe6: {  	s31 =	sadd.s32 $0x1, s31;
	_ =	swait.ge [sflag:s9], $0x2800  }
0xe7: {  	p0 =	sne.s32 s31, s8;
	[sflag:s9] =	ssyncset.done $0x0  }
.Ltmp1:
0xe8: {  	[sflag:s9] =	ssyncadd.s32 $0xFFFFD800;
	(pc) =	sbr.rel @p0 .LBB2_1-.Ltmp1, $4  }
0xe9: {  	[hbm4b:s7+s2] =	stream.linear.scatter [tilespmem:s16], [sflag:$0x3], $0x2800, $0x38;
	[tilespmem:$0x12000] =	vst v63  }
0xea: {  	_ =	swait.ge [sflag:s9], $0x2800  }
0xeb: {  	[sflag:s9] =	ssyncset.done $0x0  }
0xec: {  	[sflag:s9] =	ssyncadd.s32 $0xFFFFD800  }
0xed: {  	_ =	sfence.sel $0x180000  }
0xee: {  	[bflag:$0x0] =	sbarrier.arrive $0xFFFF  }
0xef: {  	_ =	strace $0x90000047  }
0xf0: {  	s0 =	stileid.u32;
	[bflag:$0x2] =	sbarrier.arrive $0xFFFF  }
0xf1: {  	p0 =	sne.s32 s0, $0x0;
	s0 =	rddreg [dreg:$0x1]  }
0xf2: {  	s0 =	sadd.s32 @!p0 $0x100000, s0  }
0xf3: {  	[sflag:s0] =	ssyncadd.tile.s32 @!p0 $0x1;
	_ =	shalt  }
.Lfunc_end2:
_tile_overlayer_lowered:
.L_overlay_start_2:
0xf4: {  	(tag) =	ssettag $0x2  }
0xf5: {  	s0 =	rddreg [dreg:$0x0];
	s2 =	stileid.u32  }
0xf6: {  	s1 =	rddreg [dreg:$0x1];
	p0 =	sne.s32 s2, $0x0  }
0xf7: {  	s3 =	rddreg [dreg:$0x2];
	[bflag:$0x3] =	sbarrier.arrive $0xFFFF;
	s2 =	simm.s32 @!p0 $0x1C03  }
0xf8: {  	[timem:s3], [sflag:s2] =	dma.local @!p0 [hbm:s0], s1  }
0xf9: {  	s0 =	simm.s32 @!p0 $0x3  }
0xfa: {  	_ =	swait.ge @!p0 [sflag:s0], s1  }
0xfb: {  	s1 =	ssub.s32 @!p0 $0x0, s1;
	[sflag:s0] =	ssyncset.done @!p0 $0x0  }
0xfc: {  	[sflag:s0] =	ssyncadd.s32 @!p0 s1  }
0xfd: {  	[bflag:$0x3] =	sbarrier.arrive $0xFFFF  }
0xfe: {  	_ =	shalt  }

</sc_bundles>
